<compile_context>
chip_gen: v7x
topology: tpu7x:2x2x1
jax: 0.10.2.dev20260603
libtpu: 0.0.44.dev20260713+nightly
codegen_flags: <defaults>
</compile_context>

<pallas_src>
import functools

import jax
import jax.numpy as jnp
from jax import lax
from jax.experimental import pallas as pl
from jax.experimental.pallas import tpu as pltpu
from jax.experimental.pallas import tpu_sc as plsc

N = 10000
E = 320000
C = 128
CHUNK = 128
NTILES = 32
RPS = 632
RPS_LAST = N - 15 * RPS


def _mesh():
    return plsc.VectorSubcoreMesh(core_axis_name="c", subcore_axis_name="s",
                                  num_cores=2)


def _per_subcore_slice(sid, fn):
    lo = pl.multiple_of(sid * RPS, 8)

    @pl.when(sid < 15)
    def _():
        fn(lo, RPS)

    @pl.when(sid == 15)
    def _():
        fn(lo, RPS_LAST)



DW = 16


def _sc_degree(dst, ones_chunk, zrows):
    nch = dst.shape[0] // CHUNK

    @functools.partial(
        pl.kernel,
        out_type=jax.ShapeDtypeStruct((2, N, DW), jnp.float32),
        mesh=_mesh(),
        compiler_params=pltpu.CompilerParams(use_tc_tiling_on_sc=False),
        scratch_types=[
            pltpu.VMEM((1, CHUNK), jnp.int32),
            pltpu.VMEM((CHUNK, DW), jnp.float32),
            pltpu.VMEM_SHARED((N, DW), jnp.float32),
        ],
    )
    def k(dst_hbm, ones_hbm, z_hbm, out_hbm, idx_v, ones_v, acc_sh):
        cid = lax.axis_index("c")
        sid = lax.axis_index("s")
        wid = sid * 2 + cid
        pltpu.sync_copy(ones_hbm, ones_v)
        _per_subcore_slice(sid, lambda lo, n: pltpu.sync_copy(
            z_hbm.at[pl.ds(lo, n)], acc_sh.at[pl.ds(lo, n)]))
        plsc.subcore_barrier()

        @pl.loop(wid, nch, step=NTILES)
        def _(g):
            pltpu.sync_copy(dst_hbm.at[pl.ds(g * CHUNK, CHUNK)], idx_v.at[0])
            pltpu.sync_copy(ones_v, acc_sh.at[idx_v.at[0]], add=True)

        plsc.subcore_barrier()
        _per_subcore_slice(sid, lambda lo, n: pltpu.sync_copy(
            acc_sh.at[pl.ds(lo, n)], out_hbm.at[cid, pl.ds(lo, n)]))

    return k(dst, ones_chunk, zrows)


SUP = 2
SUPE = SUP * CHUNK


def _sc_aggregate(y, src, dst, zrows):
    nch = src.shape[0] // CHUNK

    @functools.partial(
        pl.kernel,
        out_type=jax.ShapeDtypeStruct((2, N, C), jnp.float32),
        mesh=_mesh(),
        scratch_types=[
            pltpu.VMEM((1, CHUNK), jnp.int32),
            pltpu.VMEM((1, CHUNK), jnp.int32),
            pltpu.VMEM((CHUNK, C), jnp.float32),
            pltpu.VMEM_SHARED((N, C), jnp.float32),
        ],
    )
    def k(y_hbm, src_hbm, dst_hbm, z_hbm, out_hbm, src_v, dst_v, rows_v,
          acc_sh):
        cid = lax.axis_index("c")
        sid = lax.axis_index("s")
        wid = sid * 2 + cid
        _per_subcore_slice(sid, lambda lo, n: pltpu.sync_copy(
            z_hbm.at[pl.ds(lo, n)], acc_sh.at[pl.ds(lo, n)]))
        plsc.subcore_barrier()

        @pl.loop(wid, nch, step=NTILES)
        def _(g):
            base = g * CHUNK
            pltpu.sync_copy(src_hbm.at[pl.ds(base, CHUNK)], src_v.at[0])
            pltpu.sync_copy(dst_hbm.at[pl.ds(base, CHUNK)], dst_v.at[0])
            pltpu.sync_copy(y_hbm.at[src_v.at[0]], rows_v)
            pltpu.sync_copy(rows_v, acc_sh.at[dst_v.at[0]], add=True)

        plsc.subcore_barrier()
        _per_subcore_slice(sid, lambda lo, n: pltpu.sync_copy(
            acc_sh.at[pl.ds(lo, n)], out_hbm.at[cid, pl.ds(lo, n)]))

    return k(y, src, dst, zrows)


def _sc_gather(table, idx, part, nparts, tok_a, tok_b):
    ech = E // CHUNK
    cpp = ech // nparts
    width = table.shape[1]

    @functools.partial(
        pl.kernel,
        out_type=jax.ShapeDtypeStruct((2 * cpp * CHUNK, width), table.dtype),
        mesh=_mesh(),
        scratch_types=[
            pltpu.VMEM((1, CHUNK), jnp.int32),
            pltpu.VMEM((CHUNK, width), table.dtype),
        ],
    )
    def k(t_hbm, i_hbm, tok_a_hbm, tok_b_hbm, o_hbm, idx_v, rows_v):
        del tok_a_hbm, tok_b_hbm
        cid = lax.axis_index("c")
        sid = lax.axis_index("s")
        wid = sid * 2 + cid

        @pl.loop(wid, 2 * cpp, step=NTILES)
        def _(g):
            src_chunk = jnp.where(g < cpp, part * cpp + g,
                                  ech + part * cpp + (g - cpp))
            pltpu.sync_copy(i_hbm.at[pl.ds(src_chunk * CHUNK, CHUNK)],
                            idx_v.at[0])
            pltpu.sync_copy(t_hbm.at[idx_v.at[0]], rows_v)
            pltpu.sync_copy(rows_v, o_hbm.at[pl.ds(g * CHUNK, CHUNK)])

    return k(table, idx, tok_a, tok_b)



_BN = 1000
_BE = 2000


def _tc_prep(deg2, x):
    def body(d0, d1, xb, dinv_ref, y1_ref):
        deg = d0[0][:, 0:1] + d1[0][:, 0:1] + 1.0
        dinv = lax.rsqrt(jnp.maximum(deg, 1.0))
        dinv_ref[...] = dinv
        y1_ref[...] = xb[...] * dinv

    return pl.pallas_call(
        body,
        grid=(N // _BN,),
        in_specs=[
            pl.BlockSpec((1, _BN, DW), lambda i: (0, i, 0)),
            pl.BlockSpec((1, _BN, DW), lambda i: (1, i, 0)),
            pl.BlockSpec((_BN, C), lambda i: (i, 0)),
        ],
        out_specs=[
            pl.BlockSpec((_BN, 1), lambda i: (i, 0)),
            pl.BlockSpec((_BN, C), lambda i: (i, 0)),
        ],
        out_shape=[
            jax.ShapeDtypeStruct((N, 1), jnp.float32),
            jax.ShapeDtypeStruct((N, C), jnp.float32),
        ],
    )(deg2, deg2, x)


def _tc_mid(p, y1, dinv, W1, b1, W2):
    def body(a0, a1, y1b, dv, w1, b1b, w2, y2_ref):
        a = (a0[0] + a1[0] + y1b[...]) * dv[...]
        z1 = jnp.maximum(
            jnp.dot(a, w1[...], preferred_element_type=jnp.float32) + b1b[...],
            0.0)
        h2 = jnp.dot(z1, w2[...], preferred_element_type=jnp.float32)
        y2_ref[...] = h2 * dv[...]

    return pl.pallas_call(
        body,
        grid=(N // _BN,),
        in_specs=[
            pl.BlockSpec((1, _BN, C), lambda i: (0, i, 0)),
            pl.BlockSpec((1, _BN, C), lambda i: (1, i, 0)),
            pl.BlockSpec((_BN, C), lambda i: (i, 0)),
            pl.BlockSpec((_BN, 1), lambda i: (i, 0)),
            pl.BlockSpec((C, 2 * C), lambda i: (0, 0)),
            pl.BlockSpec((1, 2 * C), lambda i: (0, 0)),
            pl.BlockSpec((2 * C, C), lambda i: (0, 0)),
        ],
        out_specs=pl.BlockSpec((_BN, C), lambda i: (i, 0)),
        out_shape=jax.ShapeDtypeStruct((N, C), jnp.float32),
    )(p, p, y1, dinv, W1, b1, W2)


def _tc_table(p, y2, dinv, b2, fc1Ws, fc1bs):
    def body(a0, a1, y2b, dv, b2b, w, bb, out_ref):
        z = (a0[0] + a1[0] + y2b[...]) * dv[...] + b2b[...]
        out_ref[0] = jnp.dot(z, w[0], preferred_element_type=jnp.float32) + bb[0]

    return pl.pallas_call(
        body,
        grid=(N // _BN, 2),
        in_specs=[
            pl.BlockSpec((1, _BN, C), lambda i, j: (0, i, 0)),
            pl.BlockSpec((1, _BN, C), lambda i, j: (1, i, 0)),
            pl.BlockSpec((_BN, C), lambda i, j: (i, 0)),
            pl.BlockSpec((_BN, 1), lambda i, j: (i, 0)),
            pl.BlockSpec((1, C), lambda i, j: (0, 0)),
            pl.BlockSpec((1, C, C), lambda i, j: (j, 0, 0)),
            pl.BlockSpec((1, 1, C), lambda i, j: (j, 0, 0)),
        ],
        out_specs=pl.BlockSpec((1, _BN, C), lambda i, j: (j, i, 0)),
        out_shape=jax.ShapeDtypeStruct((2, N, C), jnp.float32),
    )(p, p, y2, dinv, b2, fc1Ws, fc1bs)


def _tc_decoder(G, fc2_W, fc2_b, fc3_W, fc3_b, w4row, b4):
    ne = G.shape[0] // 2
    nb = ne // _BE

    def body(g0, g1, w2, b2b, w3, b3b, w4, b4b, o_ref):
        u = jnp.maximum(g0[...].astype(jnp.float32) +
                        g1[...].astype(jnp.float32), 0.0)
        h1 = jnp.maximum(
            jnp.dot(u, w2[...], preferred_element_type=jnp.float32) + b2b[...],
            0.0)
        h2 = jnp.maximum(
            jnp.dot(h1, w3[...], preferred_element_type=jnp.float32) + b3b[...],
            0.0)
        o_ref[...] = jnp.sum(h2 * w4[...], axis=1, keepdims=True) + b4b[...]

    return pl.pallas_call(
        body,
        grid=(nb,),
        in_specs=[
            pl.BlockSpec((_BE, C), lambda i: (i, 0)),
            pl.BlockSpec((_BE, C), lambda i: (i + nb, 0)),
            pl.BlockSpec((C, 64), lambda i: (0, 0)),
            pl.BlockSpec((1, 64), lambda i: (0, 0)),
            pl.BlockSpec((64, 32), lambda i: (0, 0)),
            pl.BlockSpec((1, 32), lambda i: (0, 0)),
            pl.BlockSpec((1, 32), lambda i: (0, 0)),
            pl.BlockSpec((1, 1), lambda i: (0, 0)),
        ],
        out_specs=pl.BlockSpec((_BE, 1), lambda i: (i, 0)),
        out_shape=jax.ShapeDtypeStruct((ne, 1), jnp.float32),
    )(G, G, fc2_W, fc2_b, fc3_W, fc3_b, w4row, b4)



def kernel(x, edge_index, W1, b1, W2, b2, fc1_W, fc1_b, fc2_W, fc2_b,
           fc3_W, fc3_b, fc4_W, fc4_b):
    e0 = edge_index[0].astype(jnp.int32)
    e1 = edge_index[1].astype(jnp.int32)

    ones_chunk = jnp.ones((CHUNK, DW), jnp.float32)
    zerosNC = jnp.zeros((N, C), jnp.float32)

    deg2 = _sc_degree(e1, ones_chunk, jnp.zeros((N, DW), jnp.float32))
    dinv, y1 = _tc_prep(deg2, x)
    p1 = _sc_aggregate(y1, e0, e1, zerosNC)
    y2 = _tc_mid(p1, y1, dinv, W1, b1.reshape(1, -1), W2)
    p2 = _sc_aggregate(y2, e0, e1, zerosNC)

    fc1Ws = fc1_W.reshape(2, C, C)
    fc1bs = jnp.stack([fc1_b, jnp.zeros_like(fc1_b)]).reshape(2, 1, C)
    table = _tc_table(p2, y2, dinv, b2.reshape(1, -1), fc1Ws, fc1bs)

    t2 = table.reshape(2 * N, C)
    idx_cat = jnp.concatenate([e0, e1 + N])
    nparts = 4
    outs = []
    G = t2
    for s in range(nparts):
        tok_b = outs[s - 2] if s >= 2 else t2
        G = _sc_gather(t2, idx_cat, s, nparts, G, tok_b)
        outs.append(_tc_decoder(G, fc2_W, fc2_b.reshape(1, -1), fc3_W,
                                fc3_b.reshape(1, -1), fc4_W.reshape(1, -1),
                                fc4_b.reshape(1, 1)))
    return jnp.concatenate(outs).reshape(E)

# --- scband reference (transcript-rebuilt; emitter-appended) ---
"""Pipeline reference for scband-gcn-pool-18056042512582 (READ-ONLY COPY).

The authoritative reference and input builder live on the scoring server;
editing this copy changes nothing except your own understanding.
"""

import jax, jax.numpy as jnp
import numpy as np

N_NODES = 10000
N_EDGES = 320000
IN_CH = 128
OUT_CH = 128
ESM_DIM = 0


def _gcn_conv(x, edge_index, W, b, num_nodes):
    # PyG GCNConv semantics: x' = D^{-1/2} (A + I) D^{-1/2} (x W) + b
    src = edge_index[0]
    dst = edge_index[1]
    loop = jnp.arange(num_nodes, dtype=src.dtype)
    src = jnp.concatenate([src, loop])
    dst = jnp.concatenate([dst, loop])
    h = x @ W
    ones = jnp.ones(src.shape[0], dtype=x.dtype)
    deg = jnp.zeros(num_nodes, dtype=x.dtype).at[dst].add(ones)
    dinv = jax.lax.rsqrt(jnp.clip(deg, 1.0))
    norm = dinv[src] * dinv[dst]
    msg = h[src] * norm[:, None]
    out = jax.ops.segment_sum(msg, dst, num_segments=num_nodes)
    return out + b


def setup_inputs(seed: int = 0) -> dict:
    key = jax.random.key(seed)
    ks = jax.random.split(key, 16)
    x = jax.random.normal(ks[0], (N_NODES, IN_CH), dtype=jnp.float32)
    edge_index = jax.random.randint(ks[1], (2, N_EDGES), 0, N_NODES, dtype=jnp.int64)
    s = 0.1
    W1 = jax.random.normal(ks[2], (IN_CH, 2 * OUT_CH), dtype=jnp.float32) * s
    b1 = jnp.zeros((2 * OUT_CH,), dtype=jnp.float32)
    W2 = jax.random.normal(ks[3], (2 * OUT_CH, OUT_CH), dtype=jnp.float32) * s
    b2 = jnp.zeros((OUT_CH,), dtype=jnp.float32)
    fc1_W = jax.random.normal(ks[4], (2 * (OUT_CH + ESM_DIM), OUT_CH), dtype=jnp.float32) * s
    fc1_b = jnp.zeros((OUT_CH,), dtype=jnp.float32)
    fc2_W = jax.random.normal(ks[5], (OUT_CH, OUT_CH // 2), dtype=jnp.float32) * s
    fc2_b = jnp.zeros((OUT_CH // 2,), dtype=jnp.float32)
    fc3_W = jax.random.normal(ks[6], (OUT_CH // 2, OUT_CH // 4), dtype=jnp.float32) * s
    fc3_b = jnp.zeros((OUT_CH // 4,), dtype=jnp.float32)
    fc4_W = jax.random.normal(ks[7], (OUT_CH // 4, 1), dtype=jnp.float32) * s
    fc4_b = jnp.zeros((1,), dtype=jnp.float32)
    return {
        'x': x, 'edge_index': edge_index,
        'W1': W1, 'b1': b1, 'W2': W2, 'b2': b2,
        'fc1_W': fc1_W, 'fc1_b': fc1_b,
        'fc2_W': fc2_W, 'fc2_b': fc2_b,
        'fc3_W': fc3_W, 'fc3_b': fc3_b,
        'fc4_W': fc4_W, 'fc4_b': fc4_b,
    }


def reference(x, edge_index, W1, b1, W2, b2, fc1_W, fc1_b, fc2_W, fc2_b, fc3_W, fc3_b, fc4_W, fc4_b):
    # encode
    z = jax.nn.relu(_gcn_conv(x, edge_index, W1, b1, N_NODES))
    z = _gcn_conv(z, edge_index, W2, b2, N_NODES)
    # decode (dropout is identity in eval mode)
    e0 = edge_index[0]
    e1 = edge_index[1]
    h = jnp.concatenate([z[e0], z[e1]], axis=1)
    h = jax.nn.relu(h @ fc1_W + fc1_b)
    h = jax.nn.relu(h @ fc2_W + fc2_b)
    h = jax.nn.relu(h @ fc3_W + fc3_b)
    h = h @ fc4_W + fc4_b
    return jnp.squeeze(h, axis=-1)

if __name__ == "__main__":
    import jax
    _d = setup_inputs()
    print(jax.jit(kernel)(*tuple(_d.values())))

</pallas_src>

<mosaic_0001>
#map = affine_map<(d0, d1) -> (0, 0)>
#map1 = affine_map<(d0, d1) -> (0)>
module attributes {stable_mosaic.version = 14 : i64} {
  func.func @k(%arg0: i32, %arg1: i32, %arg2: memref<20000x128xf32, #tpu.memory_space<hbm>>, %arg3: memref<640000xi32, #tpu.memory_space<hbm>>, %arg4: memref<20000x128xf32, #tpu.memory_space<hbm>>, %arg5: memref<20000x128xf32, #tpu.memory_space<hbm>>, %arg6: memref<160000x128xf32, #tpu.memory_space<hbm>>, %arg7: memref<1x128xi32, #tpu.memory_space<vmem>>, %arg8: memref<128x128xf32, #tpu.memory_space<vmem>>) attributes {dimension_semantics = [#tpu.dimension_semantics<core_parallel>, #tpu.dimension_semantics<subcore_parallel>], iteration_bounds = array<i64: 2, 16>, scalar_prefetch = 0 : i64, scratch_operands = 2 : i64, tpu.core_type = #tpu.core_type<sc_vector_subcore>, window_params = [{transform_indices = #map}, {transform_indices = #map1}, {transform_indices = #map}, {transform_indices = #map}, {transform_indices = #map}]} {
    %mul3A = arith.constant 2 : i32
    %mul3A_0 = arith.muli %arg1, %mul3A : i32
    %add3A = arith.addi %mul3A_0, %arg0 : i32
    %sub3A = arith.constant 1250 : i32
    %sub3A_1 = arith.subi %sub3A, %add3A : i32
    %sub3A_2 = arith.constant 32 : i32
    %sub3A_3 = arith.constant 1 : i32
    %sub3A_4 = arith.subi %sub3A_2, %sub3A_3 : i32
    %add3A_5 = arith.addi %sub3A_1, %sub3A_4 : i32
    %div3A = arith.constant 32 : i32
    %div3A_6 = arith.divsi %add3A_5, %div3A : i32
    %while3A = arith.constant 32 : i32
    %while3A_7 = arith.constant 0 : i32
    %while3A_8 = arith.subi %div3A_6, %while3A_7 : i32
    %while3A_9 = arith.addi %while3A_7, %while3A_8 : i32
    %while3A_10 = arith.constant 1 : i32
    %while3A_11 = arith.divsi %while3A_8, %while3A_10 : i32
    %while3A_12 = arith.muli %while3A_11, %while3A_10 : i32
    %while3A_13 = arith.addi %while3A_7, %while3A_12 : i32
    %while3A_14 = arith.constant 1 : i32
    scf.for %while3A_16 = %while3A_7 to %while3A_13 step %while3A_14  : i32 {
      %mul3A_17 = arith.muli %while3A_16, %while3A : i32
      %add3A_18 = arith.addi %add3A, %mul3A_17 : i32
      %lt3A = arith.constant 625 : i32
      %lt3A_19 = arith.cmpi slt, %add3A_18, %lt3A : i32
      %add3A_20 = arith.constant 0 : i32
      %add3A_21 = arith.addi %add3A_20, %add3A_18 : i32
      %sub3A_22 = arith.constant 625 : i32
      %sub3A_23 = arith.subi %add3A_18, %sub3A_22 : i32
      %add3A_24 = arith.constant 2500 : i32
      %add3A_25 = arith.addi %add3A_24, %sub3A_23 : i32
      %select_n3A = arith.select %lt3A_19, %add3A_21, %add3A_25 : i32
      %mul3A_26 = arith.constant 128 : i32
      %mul3A_27 = arith.muli %select_n3A, %mul3A_26 : i32
      %run_scoped3A = arith.constant 0 : i32
      "tpu.region"() ({
        %run_scoped3A_31 = tpu.sem_alloc : memref<!tpu.dma_semaphore, #tpu.memory_space<semaphore_mem>>
        %dma_start3A = arith.constant 0 : i32
        %dma_start3A_32 = tpu.memref_slice %arg7[%run_scoped3A, %dma_start3A] : memref<1x128xi32, #tpu.memory_space<vmem>> -> memref<1x128xi32, #tpu.memory_space<vmem>>
        %dma_start3A_33 = tpu.memref_squeeze %dma_start3A_32 : memref<1x128xi32, #tpu.memory_space<vmem>> -> memref<128xi32, #tpu.memory_space<vmem>>
        %dma_start3A_34 = tpu.memref_slice %arg3[%mul3A_27] : memref<640000xi32, #tpu.memory_space<hbm>> -> memref<128xi32, #tpu.memory_space<hbm>>
        %dma_start3A_35 = arith.constant 0 : i32
        %dma_start3A_36 = tpu.memref_slice %arg7[%run_scoped3A, %dma_start3A_35] : memref<1x128xi32, #tpu.memory_space<vmem>> -> memref<1x128xi32, #tpu.memory_space<vmem>>
        %dma_start3A_37 = tpu.memref_squeeze %dma_start3A_36 : memref<1x128xi32, #tpu.memory_space<vmem>> -> memref<128xi32, #tpu.memory_space<vmem>>
        %dma_start3A_38 = tpu.memref_slice %arg3[%mul3A_27] : memref<640000xi32, #tpu.memory_space<hbm>> -> memref<128xi32, #tpu.memory_space<hbm>>
        tpu.enqueue_dma source(%dma_start3A_38 : memref<128xi32, #tpu.memory_space<hbm>>) target(%dma_start3A_37 : memref<128xi32, #tpu.memory_space<vmem>>) target_semaphore(%run_scoped3A_31 : memref<!tpu.dma_semaphore, #tpu.memory_space<semaphore_mem>>)
        %dma_wait3A = arith.constant 0 : i32
        %dma_wait3A_39 = tpu.memref_slice %arg7[%run_scoped3A, %dma_wait3A] : memref<1x128xi32, #tpu.memory_space<vmem>> -> memref<1x128xi32, #tpu.memory_space<vmem>>
        %dma_wait3A_40 = tpu.memref_squeeze %dma_wait3A_39 : memref<1x128xi32, #tpu.memory_space<vmem>> -> memref<128xi32, #tpu.memory_space<vmem>>
        %dma_wait3A_41 = tpu.memref_slice %arg3[%mul3A_27] : memref<640000xi32, #tpu.memory_space<hbm>> -> memref<128xi32, #tpu.memory_space<hbm>>
        %dma_wait3A_42 = arith.constant 0 : i32
        %dma_wait3A_43 = tpu.memref_slice %arg7[%run_scoped3A, %dma_wait3A_42] : memref<1x128xi32, #tpu.memory_space<vmem>> -> memref<1x128xi32, #tpu.memory_space<vmem>>
        %dma_wait3A_44 = tpu.memref_squeeze %dma_wait3A_43 : memref<1x128xi32, #tpu.memory_space<vmem>> -> memref<128xi32, #tpu.memory_space<vmem>>
        %dma_wait3A_45 = tpu.memref_slice %arg3[%mul3A_27] : memref<640000xi32, #tpu.memory_space<hbm>> -> memref<128xi32, #tpu.memory_space<hbm>>
        tpu.wait_dma2 semaphore(%run_scoped3A_31 : memref<!tpu.dma_semaphore, #tpu.memory_space<semaphore_mem>>) src(%dma_wait3A_45 : memref<128xi32, #tpu.memory_space<hbm>>) dst(%dma_wait3A_44 : memref<128xi32, #tpu.memory_space<vmem>>)
        tpu.yield
      }) : () -> ()
      %run_scoped3A_28 = arith.constant 0 : i32
      "tpu.region"() ({
        %run_scoped3A_31 = tpu.sem_alloc : memref<!tpu.dma_semaphore, #tpu.memory_space<semaphore_mem>>
        %dma_start3A = arith.constant 0 : i32
        %dma_start3A_32 = tpu.memref_slice %arg7[%run_scoped3A_28, %dma_start3A] : memref<1x128xi32, #tpu.memory_space<vmem>> -> memref<1x128xi32, #tpu.memory_space<vmem>>
        %dma_start3A_33 = tpu.memref_squeeze %dma_start3A_32 : memref<1x128xi32, #tpu.memory_space<vmem>> -> memref<128xi32, #tpu.memory_space<vmem>>
        %dma_start3A_34 = arith.constant 0 : i32
        %dma_start3A_35 = arith.constant 0 : i32
        %dma_start3A_36 = tpu.memref_slice %arg2[%dma_start3A_34, %dma_start3A_35] : memref<20000x128xf32, #tpu.memory_space<hbm>> -> memref<20000x128xf32, #tpu.memory_space<hbm>>
        tpu.enqueue_indirect_dma source(%dma_start3A_36 : memref<20000x128xf32, #tpu.memory_space<hbm>>) target(%arg8 : memref<128x128xf32, #tpu.memory_space<vmem>>) offsets(%dma_start3A_33 : memref<128xi32, #tpu.memory_space<vmem>>) semaphore(%run_scoped3A_31 : memref<!tpu.dma_semaphore, #tpu.memory_space<semaphore_mem>>)
        %dma_wait3A = arith.constant 0 : i32
        %dma_wait3A_37 = tpu.memref_slice %arg7[%run_scoped3A_28, %dma_wait3A] : memref<1x128xi32, #tpu.memory_space<vmem>> -> memref<1x128xi32, #tpu.memory_space<vmem>>
        %dma_wait3A_38 = tpu.memref_squeeze %dma_wait3A_37 : memref<1x128xi32, #tpu.memory_space<vmem>> -> memref<128xi32, #tpu.memory_space<vmem>>
        %dma_wait3A_39 = arith.constant 0 : i32
        %dma_wait3A_40 = arith.constant 0 : i32
        %dma_wait3A_41 = tpu.memref_slice %arg2[%dma_wait3A_39, %dma_wait3A_40] : memref<20000x128xf32, #tpu.memory_space<hbm>> -> memref<20000x128xf32, #tpu.memory_space<hbm>>
        tpu.wait_indirect_dma semaphore(%run_scoped3A_31 : memref<!tpu.dma_semaphore, #tpu.memory_space<semaphore_mem>>) src(%dma_wait3A_41 : memref<20000x128xf32, #tpu.memory_space<hbm>>) dst(%arg8 : memref<128x128xf32, #tpu.memory_space<vmem>>)
        tpu.yield
      }) : () -> ()
      %mul3A_29 = arith.constant 128 : i32
      %mul3A_30 = arith.muli %add3A_18, %mul3A_29 : i32
      "tpu.region"() ({
        %run_scoped3A_31 = tpu.sem_alloc : memref<!tpu.dma_semaphore, #tpu.memory_space<semaphore_mem>>
        %dma_start3A = arith.constant 0 : i32
        %dma_start3A_32 = tpu.memref_slice %arg6[%mul3A_30, %dma_start3A] : memref<160000x128xf32, #tpu.memory_space<hbm>> -> memref<128x128xf32, #tpu.memory_space<hbm>>
        %dma_start3A_33 = arith.constant 0 : i32
        %dma_start3A_34 = tpu.memref_slice %arg6[%mul3A_30, %dma_start3A_33] : memref<160000x128xf32, #tpu.memory_space<hbm>> -> memref<128x128xf32, #tpu.memory_space<hbm>>
        tpu.enqueue_dma source(%arg8 : memref<128x128xf32, #tpu.memory_space<vmem>>) target(%dma_start3A_34 : memref<128x128xf32, #tpu.memory_space<hbm>>) target_semaphore(%run_scoped3A_31 : memref<!tpu.dma_semaphore, #tpu.memory_space<semaphore_mem>>)
        %dma_wait3A = arith.constant 0 : i32
        %dma_wait3A_35 = tpu.memref_slice %arg6[%mul3A_30, %dma_wait3A] : memref<160000x128xf32, #tpu.memory_space<hbm>> -> memref<128x128xf32, #tpu.memory_space<hbm>>
        %dma_wait3A_36 = arith.constant 0 : i32
        %dma_wait3A_37 = tpu.memref_slice %arg6[%mul3A_30, %dma_wait3A_36] : memref<160000x128xf32, #tpu.memory_space<hbm>> -> memref<128x128xf32, #tpu.memory_space<hbm>>
        tpu.wait_dma2 semaphore(%run_scoped3A_31 : memref<!tpu.dma_semaphore, #tpu.memory_space<semaphore_mem>>) src(%arg8 : memref<128x128xf32, #tpu.memory_space<vmem>>) dst(%dma_wait3A_37 : memref<128x128xf32, #tpu.memory_space<hbm>>)
        tpu.yield
      }) : () -> ()
    }
    %while3A_15 = arith.constant 1 : i32
    scf.for %while3A_16 = %while3A_13 to %while3A_9 step %while3A_15  : i32 {
      %mul3A_17 = arith.muli %while3A_16, %while3A : i32
      %add3A_18 = arith.addi %add3A, %mul3A_17 : i32
      %lt3A = arith.constant 625 : i32
      %lt3A_19 = arith.cmpi slt, %add3A_18, %lt3A : i32
      %add3A_20 = arith.constant 0 : i32
      %add3A_21 = arith.addi %add3A_20, %add3A_18 : i32
      %sub3A_22 = arith.constant 625 : i32
      %sub3A_23 = arith.subi %add3A_18, %sub3A_22 : i32
      %add3A_24 = arith.constant 2500 : i32
      %add3A_25 = arith.addi %add3A_24, %sub3A_23 : i32
      %select_n3A = arith.select %lt3A_19, %add3A_21, %add3A_25 : i32
      %mul3A_26 = arith.constant 128 : i32
      %mul3A_27 = arith.muli %select_n3A, %mul3A_26 : i32
      %run_scoped3A = arith.constant 0 : i32
      "tpu.region"() ({
        %run_scoped3A_31 = tpu.sem_alloc : memref<!tpu.dma_semaphore, #tpu.memory_space<semaphore_mem>>
        %dma_start3A = arith.constant 0 : i32
        %dma_start3A_32 = tpu.memref_slice %arg7[%run_scoped3A, %dma_start3A] : memref<1x128xi32, #tpu.memory_space<vmem>> -> memref<1x128xi32, #tpu.memory_space<vmem>>
        %dma_start3A_33 = tpu.memref_squeeze %dma_start3A_32 : memref<1x128xi32, #tpu.memory_space<vmem>> -> memref<128xi32, #tpu.memory_space<vmem>>
        %dma_start3A_34 = tpu.memref_slice %arg3[%mul3A_27] : memref<640000xi32, #tpu.memory_space<hbm>> -> memref<128xi32, #tpu.memory_space<hbm>>
        %dma_start3A_35 = arith.constant 0 : i32
        %dma_start3A_36 = tpu.memref_slice %arg7[%run_scoped3A, %dma_start3A_35] : memref<1x128xi32, #tpu.memory_space<vmem>> -> memref<1x128xi32, #tpu.memory_space<vmem>>
        %dma_start3A_37 = tpu.memref_squeeze %dma_start3A_36 : memref<1x128xi32, #tpu.memory_space<vmem>> -> memref<128xi32, #tpu.memory_space<vmem>>
        %dma_start3A_38 = tpu.memref_slice %arg3[%mul3A_27] : memref<640000xi32, #tpu.memory_space<hbm>> -> memref<128xi32, #tpu.memory_space<hbm>>
        tpu.enqueue_dma source(%dma_start3A_38 : memref<128xi32, #tpu.memory_space<hbm>>) target(%dma_start3A_37 : memref<128xi32, #tpu.memory_space<vmem>>) target_semaphore(%run_scoped3A_31 : memref<!tpu.dma_semaphore, #tpu.memory_space<semaphore_mem>>)
        %dma_wait3A = arith.constant 0 : i32
        %dma_wait3A_39 = tpu.memref_slice %arg7[%run_scoped3A, %dma_wait3A] : memref<1x128xi32, #tpu.memory_space<vmem>> -> memref<1x128xi32, #tpu.memory_space<vmem>>
        %dma_wait3A_40 = tpu.memref_squeeze %dma_wait3A_39 : memref<1x128xi32, #tpu.memory_space<vmem>> -> memref<128xi32, #tpu.memory_space<vmem>>
        %dma_wait3A_41 = tpu.memref_slice %arg3[%mul3A_27] : memref<640000xi32, #tpu.memory_space<hbm>> -> memref<128xi32, #tpu.memory_space<hbm>>
        %dma_wait3A_42 = arith.constant 0 : i32
        %dma_wait3A_43 = tpu.memref_slice %arg7[%run_scoped3A, %dma_wait3A_42] : memref<1x128xi32, #tpu.memory_space<vmem>> -> memref<1x128xi32, #tpu.memory_space<vmem>>
        %dma_wait3A_44 = tpu.memref_squeeze %dma_wait3A_43 : memref<1x128xi32, #tpu.memory_space<vmem>> -> memref<128xi32, #tpu.memory_space<vmem>>
        %dma_wait3A_45 = tpu.memref_slice %arg3[%mul3A_27] : memref<640000xi32, #tpu.memory_space<hbm>> -> memref<128xi32, #tpu.memory_space<hbm>>
        tpu.wait_dma2 semaphore(%run_scoped3A_31 : memref<!tpu.dma_semaphore, #tpu.memory_space<semaphore_mem>>) src(%dma_wait3A_45 : memref<128xi32, #tpu.memory_space<hbm>>) dst(%dma_wait3A_44 : memref<128xi32, #tpu.memory_space<vmem>>)
        tpu.yield
      }) : () -> ()
      %run_scoped3A_28 = arith.constant 0 : i32
      "tpu.region"() ({
        %run_scoped3A_31 = tpu.sem_alloc : memref<!tpu.dma_semaphore, #tpu.memory_space<semaphore_mem>>
        %dma_start3A = arith.constant 0 : i32
        %dma_start3A_32 = tpu.memref_slice %arg7[%run_scoped3A_28, %dma_start3A] : memref<1x128xi32, #tpu.memory_space<vmem>> -> memref<1x128xi32, #tpu.memory_space<vmem>>
        %dma_start3A_33 = tpu.memref_squeeze %dma_start3A_32 : memref<1x128xi32, #tpu.memory_space<vmem>> -> memref<128xi32, #tpu.memory_space<vmem>>
        %dma_start3A_34 = arith.constant 0 : i32
        %dma_start3A_35 = arith.constant 0 : i32
        %dma_start3A_36 = tpu.memref_slice %arg2[%dma_start3A_34, %dma_start3A_35] : memref<20000x128xf32, #tpu.memory_space<hbm>> -> memref<20000x128xf32, #tpu.memory_space<hbm>>
        tpu.enqueue_indirect_dma source(%dma_start3A_36 : memref<20000x128xf32, #tpu.memory_space<hbm>>) target(%arg8 : memref<128x128xf32, #tpu.memory_space<vmem>>) offsets(%dma_start3A_33 : memref<128xi32, #tpu.memory_space<vmem>>) semaphore(%run_scoped3A_31 : memref<!tpu.dma_semaphore, #tpu.memory_space<semaphore_mem>>)
        %dma_wait3A = arith.constant 0 : i32
        %dma_wait3A_37 = tpu.memref_slice %arg7[%run_scoped3A_28, %dma_wait3A] : memref<1x128xi32, #tpu.memory_space<vmem>> -> memref<1x128xi32, #tpu.memory_space<vmem>>
        %dma_wait3A_38 = tpu.memref_squeeze %dma_wait3A_37 : memref<1x128xi32, #tpu.memory_space<vmem>> -> memref<128xi32, #tpu.memory_space<vmem>>
        %dma_wait3A_39 = arith.constant 0 : i32
        %dma_wait3A_40 = arith.constant 0 : i32
        %dma_wait3A_41 = tpu.memref_slice %arg2[%dma_wait3A_39, %dma_wait3A_40] : memref<20000x128xf32, #tpu.memory_space<hbm>> -> memref<20000x128xf32, #tpu.memory_space<hbm>>
        tpu.wait_indirect_dma semaphore(%run_scoped3A_31 : memref<!tpu.dma_semaphore, #tpu.memory_space<semaphore_mem>>) src(%dma_wait3A_41 : memref<20000x128xf32, #tpu.memory_space<hbm>>) dst(%arg8 : memref<128x128xf32, #tpu.memory_space<vmem>>)
        tpu.yield
      }) : () -> ()
      %mul3A_29 = arith.constant 128 : i32
      %mul3A_30 = arith.muli %add3A_18, %mul3A_29 : i32
      "tpu.region"() ({
        %run_scoped3A_31 = tpu.sem_alloc : memref<!tpu.dma_semaphore, #tpu.memory_space<semaphore_mem>>
        %dma_start3A = arith.constant 0 : i32
        %dma_start3A_32 = tpu.memref_slice %arg6[%mul3A_30, %dma_start3A] : memref<160000x128xf32, #tpu.memory_space<hbm>> -> memref<128x128xf32, #tpu.memory_space<hbm>>
        %dma_start3A_33 = arith.constant 0 : i32
        %dma_start3A_34 = tpu.memref_slice %arg6[%mul3A_30, %dma_start3A_33] : memref<160000x128xf32, #tpu.memory_space<hbm>> -> memref<128x128xf32, #tpu.memory_space<hbm>>
        tpu.enqueue_dma source(%arg8 : memref<128x128xf32, #tpu.memory_space<vmem>>) target(%dma_start3A_34 : memref<128x128xf32, #tpu.memory_space<hbm>>) target_semaphore(%run_scoped3A_31 : memref<!tpu.dma_semaphore, #tpu.memory_space<semaphore_mem>>)
        %dma_wait3A = arith.constant 0 : i32
        %dma_wait3A_35 = tpu.memref_slice %arg6[%mul3A_30, %dma_wait3A] : memref<160000x128xf32, #tpu.memory_space<hbm>> -> memref<128x128xf32, #tpu.memory_space<hbm>>
        %dma_wait3A_36 = arith.constant 0 : i32
        %dma_wait3A_37 = tpu.memref_slice %arg6[%mul3A_30, %dma_wait3A_36] : memref<160000x128xf32, #tpu.memory_space<hbm>> -> memref<128x128xf32, #tpu.memory_space<hbm>>
        tpu.wait_dma2 semaphore(%run_scoped3A_31 : memref<!tpu.dma_semaphore, #tpu.memory_space<semaphore_mem>>) src(%arg8 : memref<128x128xf32, #tpu.memory_space<vmem>>) dst(%dma_wait3A_37 : memref<128x128xf32, #tpu.memory_space<hbm>>)
        tpu.yield
      }) : () -> ()
    }
    return
  }
}

#map = affine_map<(d0, d1) -> (0)>
#map1 = affine_map<(d0, d1) -> (0, 0)>
#map2 = affine_map<(d0, d1) -> (0, 0, 0)>
module attributes {stable_mosaic.version = 14 : i64} {
  func.func @k(%arg0: i32, %arg1: i32, %arg2: memref<320000xi32, #tpu.memory_space<hbm>>, %arg3: memref<128x16xf32, #tpu.memory_space<hbm>>, %arg4: memref<10000x16xf32, #tpu.memory_space<hbm>>, %arg5: memref<2x10000x16xf32, #tpu.memory_space<hbm>>, %arg6: memref<1x128xi32, #tpu.memory_space<vmem>>, %arg7: memref<128x16xf32, #tpu.memory_space<vmem>>, %arg8: memref<10000x16xf32, #tpu.memory_space<vmem_shared>>) attributes {dimension_semantics = [#tpu.dimension_semantics<core_parallel>, #tpu.dimension_semantics<subcore_parallel>], iteration_bounds = array<i64: 2, 16>, scalar_prefetch = 0 : i64, scratch_operands = 3 : i64, tpu.core_type = #tpu.core_type<sc_vector_subcore>, window_params = [{transform_indices = #map}, {transform_indices = #map1}, {transform_indices = #map1}, {transform_indices = #map2}]} {
    %mul3A = arith.constant 2 : i32
    %mul3A_0 = arith.muli %arg1, %mul3A : i32
    %add3A = arith.addi %mul3A_0, %arg0 : i32
    "tpu.region"() ({
      %run_scoped3A = tpu.sem_alloc : memref<!tpu.dma_semaphore, #tpu.memory_space<semaphore_mem>>
      tpu.enqueue_dma source(%arg3 : memref<128x16xf32, #tpu.memory_space<hbm>>) target(%arg7 : memref<128x16xf32, #tpu.memory_space<vmem>>) target_semaphore(%run_scoped3A : memref<!tpu.dma_semaphore, #tpu.memory_space<semaphore_mem>>)
      tpu.wait_dma2 semaphore(%run_scoped3A : memref<!tpu.dma_semaphore, #tpu.memory_space<semaphore_mem>>) src(%arg3 : memref<128x16xf32, #tpu.memory_space<hbm>>) dst(%arg7 : memref<128x16xf32, #tpu.memory_space<vmem>>)
      tpu.yield
    }) : () -> ()
    %mul3A_1 = arith.constant 632 : i32
    %mul3A_2 = arith.muli %arg1, %mul3A_1 : i32
    %multiple_of3A = tpu.assume_multiple %mul3A_2, 8 : i32
    %lt3A = arith.constant 15 : i32
    %lt3A_3 = arith.cmpi slt, %arg1, %lt3A : i32
    %convert_element_type3A = arith.extui %lt3A_3 : i1 to i32
    %cond3A = arith.constant 0 : i32
    %cond3A_4 = arith.cmpi ne, %convert_element_type3A, %cond3A : i32
    scf.if %cond3A_4 {
      "tpu.region"() ({
        %run_scoped3A = tpu.sem_alloc : memref<!tpu.dma_semaphore, #tpu.memory_space<semaphore_mem>>
        %dma_start3A = arith.constant 0 : i32
        %dma_start3A_38 = tpu.memref_slice %arg8[%multiple_of3A, %dma_start3A] : memref<10000x16xf32, #tpu.memory_space<vmem_shared>> -> memref<632x16xf32, #tpu.memory_space<vmem_shared>>
        %dma_start3A_39 = arith.constant 0 : i32
        %dma_start3A_40 = tpu.memref_slice %arg4[%multiple_of3A, %dma_start3A_39] : memref<10000x16xf32, #tpu.memory_space<hbm>> -> memref<632x16xf32, #tpu.memory_space<hbm>>
        tpu.enqueue_dma source(%dma_start3A_40 : memref<632x16xf32, #tpu.memory_space<hbm>>) target(%dma_start3A_38 : memref<632x16xf32, #tpu.memory_space<vmem_shared>>) target_semaphore(%run_scoped3A : memref<!tpu.dma_semaphore, #tpu.memory_space<semaphore_mem>>)
        %dma_wait3A = arith.constant 0 : i32
        %dma_wait3A_41 = tpu.memref_slice %arg8[%multiple_of3A, %dma_wait3A] : memref<10000x16xf32, #tpu.memory_space<vmem_shared>> -> memref<632x16xf32, #tpu.memory_space<vmem_shared>>
        %dma_wait3A_42 = arith.constant 0 : i32
        %dma_wait3A_43 = tpu.memref_slice %arg4[%multiple_of3A, %dma_wait3A_42] : memref<10000x16xf32, #tpu.memory_space<hbm>> -> memref<632x16xf32, #tpu.memory_space<hbm>>
        tpu.wait_dma2 semaphore(%run_scoped3A : memref<!tpu.dma_semaphore, #tpu.memory_space<semaphore_mem>>) src(%dma_wait3A_43 : memref<632x16xf32, #tpu.memory_space<hbm>>) dst(%dma_wait3A_41 : memref<632x16xf32, #tpu.memory_space<vmem_shared>>)
        tpu.yield
      }) : () -> ()
    } else {
    }
    %eq3A = arith.constant 15 : i32
    %eq3A_5 = arith.cmpi eq, %arg1, %eq3A : i32
    %convert_element_type3A_6 = arith.extui %eq3A_5 : i1 to i32
    %cond3A_7 = arith.constant 0 : i32
    %cond3A_8 = arith.cmpi ne, %convert_element_type3A_6, %cond3A_7 : i32
    scf.if %cond3A_8 {
      "tpu.region"() ({
        %run_scoped3A = tpu.sem_alloc : memref<!tpu.dma_semaphore, #tpu.memory_space<semaphore_mem>>
        %dma_start3A = arith.constant 0 : i32
        %dma_start3A_38 = tpu.memref_slice %arg8[%multiple_of3A, %dma_start3A] : memref<10000x16xf32, #tpu.memory_space<vmem_shared>> -> memref<520x16xf32, #tpu.memory_space<vmem_shared>>
        %dma_start3A_39 = arith.constant 0 : i32
        %dma_start3A_40 = tpu.memref_slice %arg4[%multiple_of3A, %dma_start3A_39] : memref<10000x16xf32, #tpu.memory_space<hbm>> -> memref<520x16xf32, #tpu.memory_space<hbm>>
        tpu.enqueue_dma source(%dma_start3A_40 : memref<520x16xf32, #tpu.memory_space<hbm>>) target(%dma_start3A_38 : memref<520x16xf32, #tpu.memory_space<vmem_shared>>) target_semaphore(%run_scoped3A : memref<!tpu.dma_semaphore, #tpu.memory_space<semaphore_mem>>)
        %dma_wait3A = arith.constant 0 : i32
        %dma_wait3A_41 = tpu.memref_slice %arg8[%multiple_of3A, %dma_wait3A] : memref<10000x16xf32, #tpu.memory_space<vmem_shared>> -> memref<520x16xf32, #tpu.memory_space<vmem_shared>>
        %dma_wait3A_42 = arith.constant 0 : i32
        %dma_wait3A_43 = tpu.memref_slice %arg4[%multiple_of3A, %dma_wait3A_42] : memref<10000x16xf32, #tpu.memory_space<hbm>> -> memref<520x16xf32, #tpu.memory_space<hbm>>
        tpu.wait_dma2 semaphore(%run_scoped3A : memref<!tpu.dma_semaphore, #tpu.memory_space<semaphore_mem>>) src(%dma_wait3A_43 : memref<520x16xf32, #tpu.memory_space<hbm>>) dst(%dma_wait3A_41 : memref<520x16xf32, #tpu.memory_space<vmem_shared>>)
        tpu.yield
      }) : () -> ()
    } else {
    }
    %barrier3A = arith.constant 0 : index
    tpu.barrier barrier_id(%barrier3A)
    %sub3A = arith.constant 2500 : i32
    %sub3A_9 = arith.subi %sub3A, %add3A : i32
    %sub3A_10 = arith.constant 32 : i32
    %sub3A_11 = arith.constant 1 : i32
    %sub3A_12 = arith.subi %sub3A_10, %sub3A_11 : i32
    %add3A_13 = arith.addi %sub3A_9, %sub3A_12 : i32
    %div3A = arith.constant 32 : i32
    %div3A_14 = arith.divsi %add3A_13, %div3A : i32
    %while3A = arith.constant 32 : i32
    %while3A_15 = arith.constant 0 : i32
    %while3A_16 = arith.subi %div3A_14, %while3A_15 : i32
    %while3A_17 = arith.addi %while3A_15, %while3A_16 : i32
    %while3A_18 = arith.constant 1 : i32
    %while3A_19 = arith.divsi %while3A_16, %while3A_18 : i32
    %while3A_20 = arith.muli %while3A_19, %while3A_18 : i32
    %while3A_21 = arith.addi %while3A_15, %while3A_20 : i32
    %while3A_22 = arith.constant 1 : i32
    scf.for %while3A_38 = %while3A_15 to %while3A_21 step %while3A_22  : i32 {
      %mul3A_39 = arith.muli %while3A_38, %while3A : i32
      %add3A_40 = arith.addi %add3A, %mul3A_39 : i32
      %mul3A_41 = arith.constant 128 : i32
      %mul3A_42 = arith.muli %add3A_40, %mul3A_41 : i32
      %run_scoped3A = arith.constant 0 : i32
      "tpu.region"() ({
        %run_scoped3A_44 = tpu.sem_alloc : memref<!tpu.dma_semaphore, #tpu.memory_space<semaphore_mem>>
        %dma_start3A = arith.constant 0 : i32
        %dma_start3A_45 = tpu.memref_slice %arg6[%run_scoped3A, %dma_start3A] : memref<1x128xi32, #tpu.memory_space<vmem>> -> memref<1x128xi32, #tpu.memory_space<vmem>>
        %dma_start3A_46 = tpu.memref_squeeze %dma_start3A_45 : memref<1x128xi32, #tpu.memory_space<vmem>> -> memref<128xi32, #tpu.memory_space<vmem>>
        %dma_start3A_47 = tpu.memref_slice %arg2[%mul3A_42] : memref<320000xi32, #tpu.memory_space<hbm>> -> memref<128xi32, #tpu.memory_space<hbm>>
        %dma_start3A_48 = arith.constant 0 : i32
        %dma_start3A_49 = tpu.memref_slice %arg6[%run_scoped3A, %dma_start3A_48] : memref<1x128xi32, #tpu.memory_space<vmem>> -> memref<1x128xi32, #tpu.memory_space<vmem>>
        %dma_start3A_50 = tpu.memref_squeeze %dma_start3A_49 : memref<1x128xi32, #tpu.memory_space<vmem>> -> memref<128xi32, #tpu.memory_space<vmem>>
        %dma_start3A_51 = tpu.memref_slice %arg2[%mul3A_42] : memref<320000xi32, #tpu.memory_space<hbm>> -> memref<128xi32, #tpu.memory_space<hbm>>
        tpu.enqueue_dma source(%dma_start3A_51 : memref<128xi32, #tpu.memory_space<hbm>>) target(%dma_start3A_50 : memref<128xi32, #tpu.memory_space<vmem>>) target_semaphore(%run_scoped3A_44 : memref<!tpu.dma_semaphore, #tpu.memory_space<semaphore_mem>>)
        %dma_wait3A = arith.constant 0 : i32
        %dma_wait3A_52 = tpu.memref_slice %arg6[%run_scoped3A, %dma_wait3A] : memref<1x128xi32, #tpu.memory_space<vmem>> -> memref<1x128xi32, #tpu.memory_space<vmem>>
        %dma_wait3A_53 = tpu.memref_squeeze %dma_wait3A_52 : memref<1x128xi32, #tpu.memory_space<vmem>> -> memref<128xi32, #tpu.memory_space<vmem>>
        %dma_wait3A_54 = tpu.memref_slice %arg2[%mul3A_42] : memref<320000xi32, #tpu.memory_space<hbm>> -> memref<128xi32, #tpu.memory_space<hbm>>
        %dma_wait3A_55 = arith.constant 0 : i32
        %dma_wait3A_56 = tpu.memref_slice %arg6[%run_scoped3A, %dma_wait3A_55] : memref<1x128xi32, #tpu.memory_space<vmem>> -> memref<1x128xi32, #tpu.memory_space<vmem>>
        %dma_wait3A_57 = tpu.memref_squeeze %dma_wait3A_56 : memref<1x128xi32, #tpu.memory_space<vmem>> -> memref<128xi32, #tpu.memory_space<vmem>>
        %dma_wait3A_58 = tpu.memref_slice %arg2[%mul3A_42] : memref<320000xi32, #tpu.memory_space<hbm>> -> memref<128xi32, #tpu.memory_space<hbm>>
        tpu.wait_dma2 semaphore(%run_scoped3A_44 : memref<!tpu.dma_semaphore, #tpu.memory_space<semaphore_mem>>) src(%dma_wait3A_58 : memref<128xi32, #tpu.memory_space<hbm>>) dst(%dma_wait3A_57 : memref<128xi32, #tpu.memory_space<vmem>>)
        tpu.yield
      }) : () -> ()
      %run_scoped3A_43 = arith.constant 0 : i32
      "tpu.region"() ({
        %run_scoped3A_44 = tpu.sem_alloc : memref<!tpu.dma_semaphore, #tpu.memory_space<semaphore_mem>>
        %dma_start3A = arith.constant 0 : i32
        %dma_start3A_45 = tpu.memref_slice %arg6[%run_scoped3A_43, %dma_start3A] : memref<1x128xi32, #tpu.memory_space<vmem>> -> memref<1x128xi32, #tpu.memory_space<vmem>>
        %dma_start3A_46 = tpu.memref_squeeze %dma_start3A_45 : memref<1x128xi32, #tpu.memory_space<vmem>> -> memref<128xi32, #tpu.memory_space<vmem>>
        %dma_start3A_47 = arith.constant 0 : i32
        %dma_start3A_48 = arith.constant 0 : i32
        %dma_start3A_49 = tpu.memref_slice %arg8[%dma_start3A_47, %dma_start3A_48] : memref<10000x16xf32, #tpu.memory_space<vmem_shared>> -> memref<10000x16xf32, #tpu.memory_space<vmem_shared>>
        tpu.enqueue_indirect_dma source(%arg7 : memref<128x16xf32, #tpu.memory_space<vmem>>) target(%dma_start3A_49 : memref<10000x16xf32, #tpu.memory_space<vmem_shared>>) offsets(%dma_start3A_46 : memref<128xi32, #tpu.memory_space<vmem>>) semaphore(%run_scoped3A_44 : memref<!tpu.dma_semaphore, #tpu.memory_space<semaphore_mem>>) {add = true}
        %dma_wait3A = arith.constant 0 : i32
        %dma_wait3A_50 = tpu.memref_slice %arg6[%run_scoped3A_43, %dma_wait3A] : memref<1x128xi32, #tpu.memory_space<vmem>> -> memref<1x128xi32, #tpu.memory_space<vmem>>
        %dma_wait3A_51 = tpu.memref_squeeze %dma_wait3A_50 : memref<1x128xi32, #tpu.memory_space<vmem>> -> memref<128xi32, #tpu.memory_space<vmem>>
        %dma_wait3A_52 = arith.constant 0 : i32
        %dma_wait3A_53 = arith.constant 0 : i32
        %dma_wait3A_54 = tpu.memref_slice %arg8[%dma_wait3A_52, %dma_wait3A_53] : memref<10000x16xf32, #tpu.memory_space<vmem_shared>> -> memref<10000x16xf32, #tpu.memory_space<vmem_shared>>
        tpu.wait_indirect_dma semaphore(%run_scoped3A_44 : memref<!tpu.dma_semaphore, #tpu.memory_space<semaphore_mem>>) src(%arg7 : memref<128x16xf32, #tpu.memory_space<vmem>>) dst(%dma_wait3A_54 : memref<10000x16xf32, #tpu.memory_space<vmem_shared>>)
        tpu.yield
      }) : () -> ()
    }
    %while3A_23 = arith.constant 1 : i32
    scf.for %while3A_38 = %while3A_21 to %while3A_17 step %while3A_23  : i32 {
      %mul3A_39 = arith.muli %while3A_38, %while3A : i32
      %add3A_40 = arith.addi %add3A, %mul3A_39 : i32
      %mul3A_41 = arith.constant 128 : i32
      %mul3A_42 = arith.muli %add3A_40, %mul3A_41 : i32
      %run_scoped3A = arith.constant 0 : i32
      "tpu.region"() ({
        %run_scoped3A_44 = tpu.sem_alloc : memref<!tpu.dma_semaphore, #tpu.memory_space<semaphore_mem>>
        %dma_start3A = arith.constant 0 : i32
        %dma_start3A_45 = tpu.memref_slice %arg6[%run_scoped3A, %dma_start3A] : memref<1x128xi32, #tpu.memory_space<vmem>> -> memref<1x128xi32, #tpu.memory_space<vmem>>
        %dma_start3A_46 = tpu.memref_squeeze %dma_start3A_45 : memref<1x128xi32, #tpu.memory_space<vmem>> -> memref<128xi32, #tpu.memory_space<vmem>>
        %dma_start3A_47 = tpu.memref_slice %arg2[%mul3A_42] : memref<320000xi32, #tpu.memory_space<hbm>> -> memref<128xi32, #tpu.memory_space<hbm>>
        %dma_start3A_48 = arith.constant 0 : i32
        %dma_start3A_49 = tpu.memref_slice %arg6[%run_scoped3A, %dma_start3A_48] : memref<1x128xi32, #tpu.memory_space<vmem>> -> memref<1x128xi32, #tpu.memory_space<vmem>>
        %dma_start3A_50 = tpu.memref_squeeze %dma_start3A_49 : memref<1x128xi32, #tpu.memory_space<vmem>> -> memref<128xi32, #tpu.memory_space<vmem>>
        %dma_start3A_51 = tpu.memref_slice %arg2[%mul3A_42] : memref<320000xi32, #tpu.memory_space<hbm>> -> memref<128xi32, #tpu.memory_space<hbm>>
        tpu.enqueue_dma source(%dma_start3A_51 : memref<128xi32, #tpu.memory_space<hbm>>) target(%dma_start3A_50 : memref<128xi32, #tpu.memory_space<vmem>>) target_semaphore(%run_scoped3A_44 : memref<!tpu.dma_semaphore, #tpu.memory_space<semaphore_mem>>)
        %dma_wait3A = arith.constant 0 : i32
        %dma_wait3A_52 = tpu.memref_slice %arg6[%run_scoped3A, %dma_wait3A] : memref<1x128xi32, #tpu.memory_space<vmem>> -> memref<1x128xi32, #tpu.memory_space<vmem>>
        %dma_wait3A_53 = tpu.memref_squeeze %dma_wait3A_52 : memref<1x128xi32, #tpu.memory_space<vmem>> -> memref<128xi32, #tpu.memory_space<vmem>>
        %dma_wait3A_54 = tpu.memref_slice %arg2[%mul3A_42] : memref<320000xi32, #tpu.memory_space<hbm>> -> memref<128xi32, #tpu.memory_space<hbm>>
        %dma_wait3A_55 = arith.constant 0 : i32
        %dma_wait3A_56 = tpu.memref_slice %arg6[%run_scoped3A, %dma_wait3A_55] : memref<1x128xi32, #tpu.memory_space<vmem>> -> memref<1x128xi32, #tpu.memory_space<vmem>>
        %dma_wait3A_57 = tpu.memref_squeeze %dma_wait3A_56 : memref<1x128xi32, #tpu.memory_space<vmem>> -> memref<128xi32, #tpu.memory_space<vmem>>
        %dma_wait3A_58 = tpu.memref_slice %arg2[%mul3A_42] : memref<320000xi32, #tpu.memory_space<hbm>> -> memref<128xi32, #tpu.memory_space<hbm>>
        tpu.wait_dma2 semaphore(%run_scoped3A_44 : memref<!tpu.dma_semaphore, #tpu.memory_space<semaphore_mem>>) src(%dma_wait3A_58 : memref<128xi32, #tpu.memory_space<hbm>>) dst(%dma_wait3A_57 : memref<128xi32, #tpu.memory_space<vmem>>)
        tpu.yield
      }) : () -> ()
      %run_scoped3A_43 = arith.constant 0 : i32
      "tpu.region"() ({
        %run_scoped3A_44 = tpu.sem_alloc : memref<!tpu.dma_semaphore, #tpu.memory_space<semaphore_mem>>
        %dma_start3A = arith.constant 0 : i32
        %dma_start3A_45 = tpu.memref_slice %arg6[%run_scoped3A_43, %dma_start3A] : memref<1x128xi32, #tpu.memory_space<vmem>> -> memref<1x128xi32, #tpu.memory_space<vmem>>
        %dma_start3A_46 = tpu.memref_squeeze %dma_start3A_45 : memref<1x128xi32, #tpu.memory_space<vmem>> -> memref<128xi32, #tpu.memory_space<vmem>>
        %dma_start3A_47 = arith.constant 0 : i32
        %dma_start3A_48 = arith.constant 0 : i32
        %dma_start3A_49 = tpu.memref_slice %arg8[%dma_start3A_47, %dma_start3A_48] : memref<10000x16xf32, #tpu.memory_space<vmem_shared>> -> memref<10000x16xf32, #tpu.memory_space<vmem_shared>>
        tpu.enqueue_indirect_dma source(%arg7 : memref<128x16xf32, #tpu.memory_space<vmem>>) target(%dma_start3A_49 : memref<10000x16xf32, #tpu.memory_space<vmem_shared>>) offsets(%dma_start3A_46 : memref<128xi32, #tpu.memory_space<vmem>>) semaphore(%run_scoped3A_44 : memref<!tpu.dma_semaphore, #tpu.memory_space<semaphore_mem>>) {add = true}
        %dma_wait3A = arith.constant 0 : i32
        %dma_wait3A_50 = tpu.memref_slice %arg6[%run_scoped3A_43, %dma_wait3A] : memref<1x128xi32, #tpu.memory_space<vmem>> -> memref<1x128xi32, #tpu.memory_space<vmem>>
        %dma_wait3A_51 = tpu.memref_squeeze %dma_wait3A_50 : memref<1x128xi32, #tpu.memory_space<vmem>> -> memref<128xi32, #tpu.memory_space<vmem>>
        %dma_wait3A_52 = arith.constant 0 : i32
        %dma_wait3A_53 = arith.constant 0 : i32
        %dma_wait3A_54 = tpu.memref_slice %arg8[%dma_wait3A_52, %dma_wait3A_53] : memref<10000x16xf32, #tpu.memory_space<vmem_shared>> -> memref<10000x16xf32, #tpu.memory_space<vmem_shared>>
        tpu.wait_indirect_dma semaphore(%run_scoped3A_44 : memref<!tpu.dma_semaphore, #tpu.memory_space<semaphore_mem>>) src(%arg7 : memref<128x16xf32, #tpu.memory_space<vmem>>) dst(%dma_wait3A_54 : memref<10000x16xf32, #tpu.memory_space<vmem_shared>>)
        tpu.yield
      }) : () -> ()
    }
    %barrier3A_24 = arith.constant 0 : index
    tpu.barrier barrier_id(%barrier3A_24)
    %mul3A_25 = arith.constant 632 : i32
    %mul3A_26 = arith.muli %arg1, %mul3A_25 : i32
    %multiple_of3A_27 = tpu.assume_multiple %mul3A_26, 8 : i32
    %lt3A_28 = arith.constant 15 : i32
    %lt3A_29 = arith.cmpi slt, %arg1, %lt3A_28 : i32
    %convert_element_type3A_30 = arith.extui %lt3A_29 : i1 to i32
    %cond3A_31 = arith.constant 0 : i32
    %cond3A_32 = arith.cmpi ne, %convert_element_type3A_30, %cond3A_31 : i32
    scf.if %cond3A_32 {
      "tpu.region"() ({
        %run_scoped3A = tpu.sem_alloc : memref<!tpu.dma_semaphore, #tpu.memory_space<semaphore_mem>>
        %dma_start3A = arith.constant 0 : i32
        %dma_start3A_38 = tpu.memref_slice %arg5[%arg0, %multiple_of3A_27, %dma_start3A] : memref<2x10000x16xf32, #tpu.memory_space<hbm>> -> memref<1x632x16xf32, #tpu.memory_space<hbm>>
        %dma_start3A_39 = tpu.memref_squeeze %dma_start3A_38 : memref<1x632x16xf32, #tpu.memory_space<hbm>> -> memref<632x16xf32, #tpu.memory_space<hbm>>
        %dma_start3A_40 = arith.constant 0 : i32
        %dma_start3A_41 = tpu.memref_slice %arg8[%multiple_of3A_27, %dma_start3A_40] : memref<10000x16xf32, #tpu.memory_space<vmem_shared>> -> memref<632x16xf32, #tpu.memory_space<vmem_shared>>
        tpu.enqueue_dma source(%dma_start3A_41 : memref<632x16xf32, #tpu.memory_space<vmem_shared>>) target(%dma_start3A_39 : memref<632x16xf32, #tpu.memory_space<hbm>>) target_semaphore(%run_scoped3A : memref<!tpu.dma_semaphore, #tpu.memory_space<semaphore_mem>>)
        %dma_wait3A = arith.constant 0 : i32
        %dma_wait3A_42 = tpu.memref_slice %arg5[%arg0, %multiple_of3A_27, %dma_wait3A] : memref<2x10000x16xf32, #tpu.memory_space<hbm>> -> memref<1x632x16xf32, #tpu.memory_space<hbm>>
        %dma_wait3A_43 = tpu.memref_squeeze %dma_wait3A_42 : memref<1x632x16xf32, #tpu.memory_space<hbm>> -> memref<632x16xf32, #tpu.memory_space<hbm>>
        %dma_wait3A_44 = arith.constant 0 : i32
        %dma_wait3A_45 = tpu.memref_slice %arg8[%multiple_of3A_27, %dma_wait3A_44] : memref<10000x16xf32, #tpu.memory_space<vmem_shared>> -> memref<632x16xf32, #tpu.memory_space<vmem_shared>>
        tpu.wait_dma2 semaphore(%run_scoped3A : memref<!tpu.dma_semaphore, #tpu.memory_space<semaphore_mem>>) src(%dma_wait3A_45 : memref<632x16xf32, #tpu.memory_space<vmem_shared>>) dst(%dma_wait3A_43 : memref<632x16xf32, #tpu.memory_space<hbm>>)
        tpu.yield
      }) : () -> ()
    } else {
    }
    %eq3A_33 = arith.constant 15 : i32
    %eq3A_34 = arith.cmpi eq, %arg1, %eq3A_33 : i32
    %convert_element_type3A_35 = arith.extui %eq3A_34 : i1 to i32
    %cond3A_36 = arith.constant 0 : i32
    %cond3A_37 = arith.cmpi ne, %convert_element_type3A_35, %cond3A_36 : i32
    scf.if %cond3A_37 {
      "tpu.region"() ({
        %run_scoped3A = tpu.sem_alloc : memref<!tpu.dma_semaphore, #tpu.memory_space<semaphore_mem>>
        %dma_start3A = arith.constant 0 : i32
        %dma_start3A_38 = tpu.memref_slice %arg5[%arg0, %multiple_of3A_27, %dma_start3A] : memref<2x10000x16xf32, #tpu.memory_space<hbm>> -> memref<1x520x16xf32, #tpu.memory_space<hbm>>
        %dma_start3A_39 = tpu.memref_squeeze %dma_start3A_38 : memref<1x520x16xf32, #tpu.memory_space<hbm>> -> memref<520x16xf32, #tpu.memory_space<hbm>>
        %dma_start3A_40 = arith.constant 0 : i32
        %dma_start3A_41 = tpu.memref_slice %arg8[%multiple_of3A_27, %dma_start3A_40] : memref<10000x16xf32, #tpu.memory_space<vmem_shared>> -> memref<520x16xf32, #tpu.memory_space<vmem_shared>>
        tpu.enqueue_dma source(%dma_start3A_41 : memref<520x16xf32, #tpu.memory_space<vmem_shared>>) target(%dma_start3A_39 : memref<520x16xf32, #tpu.memory_space<hbm>>) target_semaphore(%run_scoped3A : memref<!tpu.dma_semaphore, #tpu.memory_space<semaphore_mem>>)
        %dma_wait3A = arith.constant 0 : i32
        %dma_wait3A_42 = tpu.memref_slice %arg5[%arg0, %multiple_of3A_27, %dma_wait3A] : memref<2x10000x16xf32, #tpu.memory_space<hbm>> -> memref<1x520x16xf32, #tpu.memory_space<hbm>>
        %dma_wait3A_43 = tpu.memref_squeeze %dma_wait3A_42 : memref<1x520x16xf32, #tpu.memory_space<hbm>> -> memref<520x16xf32, #tpu.memory_space<hbm>>
        %dma_wait3A_44 = arith.constant 0 : i32
        %dma_wait3A_45 = tpu.memref_slice %arg8[%multiple_of3A_27, %dma_wait3A_44] : memref<10000x16xf32, #tpu.memory_space<vmem_shared>> -> memref<520x16xf32, #tpu.memory_space<vmem_shared>>
        tpu.wait_dma2 semaphore(%run_scoped3A : memref<!tpu.dma_semaphore, #tpu.memory_space<semaphore_mem>>) src(%dma_wait3A_45 : memref<520x16xf32, #tpu.memory_space<vmem_shared>>) dst(%dma_wait3A_43 : memref<520x16xf32, #tpu.memory_space<hbm>>)
        tpu.yield
      }) : () -> ()
    } else {
    }
    return
  }
}

#map = affine_map<(d0, d1) -> (0, 0)>
#map1 = affine_map<(d0, d1) -> (0)>
#map2 = affine_map<(d0, d1) -> (0, 0, 0)>
module attributes {stable_mosaic.version = 14 : i64} {
  func.func @k(%arg0: i32, %arg1: i32, %arg2: memref<10000x128xf32, #tpu.memory_space<hbm>>, %arg3: memref<320000xi32, #tpu.memory_space<hbm>>, %arg4: memref<320000xi32, #tpu.memory_space<hbm>>, %arg5: memref<10000x128xf32, #tpu.memory_space<hbm>>, %arg6: memref<2x10000x128xf32, #tpu.memory_space<hbm>>, %arg7: memref<1x128xi32, #tpu.memory_space<vmem>>, %arg8: memref<1x128xi32, #tpu.memory_space<vmem>>, %arg9: memref<128x128xf32, #tpu.memory_space<vmem>>, %arg10: memref<10000x128xf32, #tpu.memory_space<vmem_shared>>) attributes {dimension_semantics = [#tpu.dimension_semantics<core_parallel>, #tpu.dimension_semantics<subcore_parallel>], iteration_bounds = array<i64: 2, 16>, scalar_prefetch = 0 : i64, scratch_operands = 4 : i64, tpu.core_type = #tpu.core_type<sc_vector_subcore>, window_params = [{transform_indices = #map}, {transform_indices = #map1}, {transform_indices = #map1}, {transform_indices = #map}, {transform_indices = #map2}]} {
    %mul3A = arith.constant 2 : i32
    %mul3A_0 = arith.muli %arg1, %mul3A : i32
    %add3A = arith.addi %mul3A_0, %arg0 : i32
    %mul3A_1 = arith.constant 632 : i32
    %mul3A_2 = arith.muli %arg1, %mul3A_1 : i32
    %multiple_of3A = tpu.assume_multiple %mul3A_2, 8 : i32
    %lt3A = arith.constant 15 : i32
    %lt3A_3 = arith.cmpi slt, %arg1, %lt3A : i32
    %convert_element_type3A = arith.extui %lt3A_3 : i1 to i32
    %cond3A = arith.constant 0 : i32
    %cond3A_4 = arith.cmpi ne, %convert_element_type3A, %cond3A : i32
    scf.if %cond3A_4 {
      "tpu.region"() ({
        %run_scoped3A = tpu.sem_alloc : memref<!tpu.dma_semaphore, #tpu.memory_space<semaphore_mem>>
        %dma_start3A = arith.constant 0 : i32
        %dma_start3A_38 = tpu.memref_slice %arg10[%multiple_of3A, %dma_start3A] : memref<10000x128xf32, #tpu.memory_space<vmem_shared>> -> memref<632x128xf32, #tpu.memory_space<vmem_shared>>
        %dma_start3A_39 = arith.constant 0 : i32
        %dma_start3A_40 = tpu.memref_slice %arg5[%multiple_of3A, %dma_start3A_39] : memref<10000x128xf32, #tpu.memory_space<hbm>> -> memref<632x128xf32, #tpu.memory_space<hbm>>
        tpu.enqueue_dma source(%dma_start3A_40 : memref<632x128xf32, #tpu.memory_space<hbm>>) target(%dma_start3A_38 : memref<632x128xf32, #tpu.memory_space<vmem_shared>>) target_semaphore(%run_scoped3A : memref<!tpu.dma_semaphore, #tpu.memory_space<semaphore_mem>>)
        %dma_wait3A = arith.constant 0 : i32
        %dma_wait3A_41 = tpu.memref_slice %arg10[%multiple_of3A, %dma_wait3A] : memref<10000x128xf32, #tpu.memory_space<vmem_shared>> -> memref<632x128xf32, #tpu.memory_space<vmem_shared>>
        %dma_wait3A_42 = arith.constant 0 : i32
        %dma_wait3A_43 = tpu.memref_slice %arg5[%multiple_of3A, %dma_wait3A_42] : memref<10000x128xf32, #tpu.memory_space<hbm>> -> memref<632x128xf32, #tpu.memory_space<hbm>>
        tpu.wait_dma2 semaphore(%run_scoped3A : memref<!tpu.dma_semaphore, #tpu.memory_space<semaphore_mem>>) src(%dma_wait3A_43 : memref<632x128xf32, #tpu.memory_space<hbm>>) dst(%dma_wait3A_41 : memref<632x128xf32, #tpu.memory_space<vmem_shared>>)
        tpu.yield
      }) : () -> ()
    } else {
    }
    %eq3A = arith.constant 15 : i32
    %eq3A_5 = arith.cmpi eq, %arg1, %eq3A : i32
    %convert_element_type3A_6 = arith.extui %eq3A_5 : i1 to i32
    %cond3A_7 = arith.constant 0 : i32
    %cond3A_8 = arith.cmpi ne, %convert_element_type3A_6, %cond3A_7 : i32
    scf.if %cond3A_8 {
      "tpu.region"() ({
        %run_scoped3A = tpu.sem_alloc : memref<!tpu.dma_semaphore, #tpu.memory_space<semaphore_mem>>
        %dma_start3A = arith.constant 0 : i32
        %dma_start3A_38 = tpu.memref_slice %arg10[%multiple_of3A, %dma_start3A] : memref<10000x128xf32, #tpu.memory_space<vmem_shared>> -> memref<520x128xf32, #tpu.memory_space<vmem_shared>>
        %dma_start3A_39 = arith.constant 0 : i32
        %dma_start3A_40 = tpu.memref_slice %arg5[%multiple_of3A, %dma_start3A_39] : memref<10000x128xf32, #tpu.memory_space<hbm>> -> memref<520x128xf32, #tpu.memory_space<hbm>>
        tpu.enqueue_dma source(%dma_start3A_40 : memref<520x128xf32, #tpu.memory_space<hbm>>) target(%dma_start3A_38 : memref<520x128xf32, #tpu.memory_space<vmem_shared>>) target_semaphore(%run_scoped3A : memref<!tpu.dma_semaphore, #tpu.memory_space<semaphore_mem>>)
        %dma_wait3A = arith.constant 0 : i32
        %dma_wait3A_41 = tpu.memref_slice %arg10[%multiple_of3A, %dma_wait3A] : memref<10000x128xf32, #tpu.memory_space<vmem_shared>> -> memref<520x128xf32, #tpu.memory_space<vmem_shared>>
        %dma_wait3A_42 = arith.constant 0 : i32
        %dma_wait3A_43 = tpu.memref_slice %arg5[%multiple_of3A, %dma_wait3A_42] : memref<10000x128xf32, #tpu.memory_space<hbm>> -> memref<520x128xf32, #tpu.memory_space<hbm>>
        tpu.wait_dma2 semaphore(%run_scoped3A : memref<!tpu.dma_semaphore, #tpu.memory_space<semaphore_mem>>) src(%dma_wait3A_43 : memref<520x128xf32, #tpu.memory_space<hbm>>) dst(%dma_wait3A_41 : memref<520x128xf32, #tpu.memory_space<vmem_shared>>)
        tpu.yield
      }) : () -> ()
    } else {
    }
    %barrier3A = arith.constant 0 : index
    tpu.barrier barrier_id(%barrier3A)
    %sub3A = arith.constant 2500 : i32
    %sub3A_9 = arith.subi %sub3A, %add3A : i32
    %sub3A_10 = arith.constant 32 : i32
    %sub3A_11 = arith.constant 1 : i32
    %sub3A_12 = arith.subi %sub3A_10, %sub3A_11 : i32
    %add3A_13 = arith.addi %sub3A_9, %sub3A_12 : i32
    %div3A = arith.constant 32 : i32
    %div3A_14 = arith.divsi %add3A_13, %div3A : i32
    %while3A = arith.constant 32 : i32
    %while3A_15 = arith.constant 0 : i32
    %while3A_16 = arith.subi %div3A_14, %while3A_15 : i32
    %while3A_17 = arith.addi %while3A_15, %while3A_16 : i32
    %while3A_18 = arith.constant 1 : i32
    %while3A_19 = arith.divsi %while3A_16, %while3A_18 : i32
    %while3A_20 = arith.muli %while3A_19, %while3A_18 : i32
    %while3A_21 = arith.addi %while3A_15, %while3A_20 : i32
    %while3A_22 = arith.constant 1 : i32
    scf.for %while3A_38 = %while3A_15 to %while3A_21 step %while3A_22  : i32 {
      %mul3A_39 = arith.muli %while3A_38, %while3A : i32
      %add3A_40 = arith.addi %add3A, %mul3A_39 : i32
      %mul3A_41 = arith.constant 128 : i32
      %mul3A_42 = arith.muli %add3A_40, %mul3A_41 : i32
      %run_scoped3A = arith.constant 0 : i32
      "tpu.region"() ({
        %run_scoped3A_46 = tpu.sem_alloc : memref<!tpu.dma_semaphore, #tpu.memory_space<semaphore_mem>>
        %dma_start3A = arith.constant 0 : i32
        %dma_start3A_47 = tpu.memref_slice %arg7[%run_scoped3A, %dma_start3A] : memref<1x128xi32, #tpu.memory_space<vmem>> -> memref<1x128xi32, #tpu.memory_space<vmem>>
        %dma_start3A_48 = tpu.memref_squeeze %dma_start3A_47 : memref<1x128xi32, #tpu.memory_space<vmem>> -> memref<128xi32, #tpu.memory_space<vmem>>
        %dma_start3A_49 = tpu.memref_slice %arg3[%mul3A_42] : memref<320000xi32, #tpu.memory_space<hbm>> -> memref<128xi32, #tpu.memory_space<hbm>>
        %dma_start3A_50 = arith.constant 0 : i32
        %dma_start3A_51 = tpu.memref_slice %arg7[%run_scoped3A, %dma_start3A_50] : memref<1x128xi32, #tpu.memory_space<vmem>> -> memref<1x128xi32, #tpu.memory_space<vmem>>
        %dma_start3A_52 = tpu.memref_squeeze %dma_start3A_51 : memref<1x128xi32, #tpu.memory_space<vmem>> -> memref<128xi32, #tpu.memory_space<vmem>>
        %dma_start3A_53 = tpu.memref_slice %arg3[%mul3A_42] : memref<320000xi32, #tpu.memory_space<hbm>> -> memref<128xi32, #tpu.memory_space<hbm>>
        tpu.enqueue_dma source(%dma_start3A_53 : memref<128xi32, #tpu.memory_space<hbm>>) target(%dma_start3A_52 : memref<128xi32, #tpu.memory_space<vmem>>) target_semaphore(%run_scoped3A_46 : memref<!tpu.dma_semaphore, #tpu.memory_space<semaphore_mem>>)
        %dma_wait3A = arith.constant 0 : i32
        %dma_wait3A_54 = tpu.memref_slice %arg7[%run_scoped3A, %dma_wait3A] : memref<1x128xi32, #tpu.memory_space<vmem>> -> memref<1x128xi32, #tpu.memory_space<vmem>>
        %dma_wait3A_55 = tpu.memref_squeeze %dma_wait3A_54 : memref<1x128xi32, #tpu.memory_space<vmem>> -> memref<128xi32, #tpu.memory_space<vmem>>
        %dma_wait3A_56 = tpu.memref_slice %arg3[%mul3A_42] : memref<320000xi32, #tpu.memory_space<hbm>> -> memref<128xi32, #tpu.memory_space<hbm>>
        %dma_wait3A_57 = arith.constant 0 : i32
        %dma_wait3A_58 = tpu.memref_slice %arg7[%run_scoped3A, %dma_wait3A_57] : memref<1x128xi32, #tpu.memory_space<vmem>> -> memref<1x128xi32, #tpu.memory_space<vmem>>
        %dma_wait3A_59 = tpu.memref_squeeze %dma_wait3A_58 : memref<1x128xi32, #tpu.memory_space<vmem>> -> memref<128xi32, #tpu.memory_space<vmem>>
        %dma_wait3A_60 = tpu.memref_slice %arg3[%mul3A_42] : memref<320000xi32, #tpu.memory_space<hbm>> -> memref<128xi32, #tpu.memory_space<hbm>>
        tpu.wait_dma2 semaphore(%run_scoped3A_46 : memref<!tpu.dma_semaphore, #tpu.memory_space<semaphore_mem>>) src(%dma_wait3A_60 : memref<128xi32, #tpu.memory_space<hbm>>) dst(%dma_wait3A_59 : memref<128xi32, #tpu.memory_space<vmem>>)
        tpu.yield
      }) : () -> ()
      %run_scoped3A_43 = arith.constant 0 : i32
      "tpu.region"() ({
        %run_scoped3A_46 = tpu.sem_alloc : memref<!tpu.dma_semaphore, #tpu.memory_space<semaphore_mem>>
        %dma_start3A = arith.constant 0 : i32
        %dma_start3A_47 = tpu.memref_slice %arg8[%run_scoped3A_43, %dma_start3A] : memref<1x128xi32, #tpu.memory_space<vmem>> -> memref<1x128xi32, #tpu.memory_space<vmem>>
        %dma_start3A_48 = tpu.memref_squeeze %dma_start3A_47 : memref<1x128xi32, #tpu.memory_space<vmem>> -> memref<128xi32, #tpu.memory_space<vmem>>
        %dma_start3A_49 = tpu.memref_slice %arg4[%mul3A_42] : memref<320000xi32, #tpu.memory_space<hbm>> -> memref<128xi32, #tpu.memory_space<hbm>>
        %dma_start3A_50 = arith.constant 0 : i32
        %dma_start3A_51 = tpu.memref_slice %arg8[%run_scoped3A_43, %dma_start3A_50] : memref<1x128xi32, #tpu.memory_space<vmem>> -> memref<1x128xi32, #tpu.memory_space<vmem>>
        %dma_start3A_52 = tpu.memref_squeeze %dma_start3A_51 : memref<1x128xi32, #tpu.memory_space<vmem>> -> memref<128xi32, #tpu.memory_space<vmem>>
        %dma_start3A_53 = tpu.memref_slice %arg4[%mul3A_42] : memref<320000xi32, #tpu.memory_space<hbm>> -> memref<128xi32, #tpu.memory_space<hbm>>
        tpu.enqueue_dma source(%dma_start3A_53 : memref<128xi32, #tpu.memory_space<hbm>>) target(%dma_start3A_52 : memref<128xi32, #tpu.memory_space<vmem>>) target_semaphore(%run_scoped3A_46 : memref<!tpu.dma_semaphore, #tpu.memory_space<semaphore_mem>>)
        %dma_wait3A = arith.constant 0 : i32
        %dma_wait3A_54 = tpu.memref_slice %arg8[%run_scoped3A_43, %dma_wait3A] : memref<1x128xi32, #tpu.memory_space<vmem>> -> memref<1x128xi32, #tpu.memory_space<vmem>>
        %dma_wait3A_55 = tpu.memref_squeeze %dma_wait3A_54 : memref<1x128xi32, #tpu.memory_space<vmem>> -> memref<128xi32, #tpu.memory_space<vmem>>
        %dma_wait3A_56 = tpu.memref_slice %arg4[%mul3A_42] : memref<320000xi32, #tpu.memory_space<hbm>> -> memref<128xi32, #tpu.memory_space<hbm>>
        %dma_wait3A_57 = arith.constant 0 : i32
        %dma_wait3A_58 = tpu.memref_slice %arg8[%run_scoped3A_43, %dma_wait3A_57] : memref<1x128xi32, #tpu.memory_space<vmem>> -> memref<1x128xi32, #tpu.memory_space<vmem>>
        %dma_wait3A_59 = tpu.memref_squeeze %dma_wait3A_58 : memref<1x128xi32, #tpu.memory_space<vmem>> -> memref<128xi32, #tpu.memory_space<vmem>>
        %dma_wait3A_60 = tpu.memref_slice %arg4[%mul3A_42] : memref<320000xi32, #tpu.memory_space<hbm>> -> memref<128xi32, #tpu.memory_space<hbm>>
        tpu.wait_dma2 semaphore(%run_scoped3A_46 : memref<!tpu.dma_semaphore, #tpu.memory_space<semaphore_mem>>) src(%dma_wait3A_60 : memref<128xi32, #tpu.memory_space<hbm>>) dst(%dma_wait3A_59 : memref<128xi32, #tpu.memory_space<vmem>>)
        tpu.yield
      }) : () -> ()
      %run_scoped3A_44 = arith.constant 0 : i32
      "tpu.region"() ({
        %run_scoped3A_46 = tpu.sem_alloc : memref<!tpu.dma_semaphore, #tpu.memory_space<semaphore_mem>>
        %dma_start3A = arith.constant 0 : i32
        %dma_start3A_47 = tpu.memref_slice %arg7[%run_scoped3A_44, %dma_start3A] : memref<1x128xi32, #tpu.memory_space<vmem>> -> memref<1x128xi32, #tpu.memory_space<vmem>>
        %dma_start3A_48 = tpu.memref_squeeze %dma_start3A_47 : memref<1x128xi32, #tpu.memory_space<vmem>> -> memref<128xi32, #tpu.memory_space<vmem>>
        %dma_start3A_49 = arith.constant 0 : i32
        %dma_start3A_50 = arith.constant 0 : i32
        %dma_start3A_51 = tpu.memref_slice %arg2[%dma_start3A_49, %dma_start3A_50] : memref<10000x128xf32, #tpu.memory_space<hbm>> -> memref<10000x128xf32, #tpu.memory_space<hbm>>
        tpu.enqueue_indirect_dma source(%dma_start3A_51 : memref<10000x128xf32, #tpu.memory_space<hbm>>) target(%arg9 : memref<128x128xf32, #tpu.memory_space<vmem>>) offsets(%dma_start3A_48 : memref<128xi32, #tpu.memory_space<vmem>>) semaphore(%run_scoped3A_46 : memref<!tpu.dma_semaphore, #tpu.memory_space<semaphore_mem>>)
        %dma_wait3A = arith.constant 0 : i32
        %dma_wait3A_52 = tpu.memref_slice %arg7[%run_scoped3A_44, %dma_wait3A] : memref<1x128xi32, #tpu.memory_space<vmem>> -> memref<1x128xi32, #tpu.memory_space<vmem>>
        %dma_wait3A_53 = tpu.memref_squeeze %dma_wait3A_52 : memref<1x128xi32, #tpu.memory_space<vmem>> -> memref<128xi32, #tpu.memory_space<vmem>>
        %dma_wait3A_54 = arith.constant 0 : i32
        %dma_wait3A_55 = arith.constant 0 : i32
        %dma_wait3A_56 = tpu.memref_slice %arg2[%dma_wait3A_54, %dma_wait3A_55] : memref<10000x128xf32, #tpu.memory_space<hbm>> -> memref<10000x128xf32, #tpu.memory_space<hbm>>
        tpu.wait_indirect_dma semaphore(%run_scoped3A_46 : memref<!tpu.dma_semaphore, #tpu.memory_space<semaphore_mem>>) src(%dma_wait3A_56 : memref<10000x128xf32, #tpu.memory_space<hbm>>) dst(%arg9 : memref<128x128xf32, #tpu.memory_space<vmem>>)
        tpu.yield
      }) : () -> ()
      %run_scoped3A_45 = arith.constant 0 : i32
      "tpu.region"() ({
        %run_scoped3A_46 = tpu.sem_alloc : memref<!tpu.dma_semaphore, #tpu.memory_space<semaphore_mem>>
        %dma_start3A = arith.constant 0 : i32
        %dma_start3A_47 = tpu.memref_slice %arg8[%run_scoped3A_45, %dma_start3A] : memref<1x128xi32, #tpu.memory_space<vmem>> -> memref<1x128xi32, #tpu.memory_space<vmem>>
        %dma_start3A_48 = tpu.memref_squeeze %dma_start3A_47 : memref<1x128xi32, #tpu.memory_space<vmem>> -> memref<128xi32, #tpu.memory_space<vmem>>
        %dma_start3A_49 = arith.constant 0 : i32
        %dma_start3A_50 = arith.constant 0 : i32
        %dma_start3A_51 = tpu.memref_slice %arg10[%dma_start3A_49, %dma_start3A_50] : memref<10000x128xf32, #tpu.memory_space<vmem_shared>> -> memref<10000x128xf32, #tpu.memory_space<vmem_shared>>
        tpu.enqueue_indirect_dma source(%arg9 : memref<128x128xf32, #tpu.memory_space<vmem>>) target(%dma_start3A_51 : memref<10000x128xf32, #tpu.memory_space<vmem_shared>>) offsets(%dma_start3A_48 : memref<128xi32, #tpu.memory_space<vmem>>) semaphore(%run_scoped3A_46 : memref<!tpu.dma_semaphore, #tpu.memory_space<semaphore_mem>>) {add = true}
        %dma_wait3A = arith.constant 0 : i32
        %dma_wait3A_52 = tpu.memref_slice %arg8[%run_scoped3A_45, %dma_wait3A] : memref<1x128xi32, #tpu.memory_space<vmem>> -> memref<1x128xi32, #tpu.memory_space<vmem>>
        %dma_wait3A_53 = tpu.memref_squeeze %dma_wait3A_52 : memref<1x128xi32, #tpu.memory_space<vmem>> -> memref<128xi32, #tpu.memory_space<vmem>>
        %dma_wait3A_54 = arith.constant 0 : i32
        %dma_wait3A_55 = arith.constant 0 : i32
        %dma_wait3A_56 = tpu.memref_slice %arg10[%dma_wait3A_54, %dma_wait3A_55] : memref<10000x128xf32, #tpu.memory_space<vmem_shared>> -> memref<10000x128xf32, #tpu.memory_space<vmem_shared>>
        tpu.wait_indirect_dma semaphore(%run_scoped3A_46 : memref<!tpu.dma_semaphore, #tpu.memory_space<semaphore_mem>>) src(%arg9 : memref<128x128xf32, #tpu.memory_space<vmem>>) dst(%dma_wait3A_56 : memref<10000x128xf32, #tpu.memory_space<vmem_shared>>)
        tpu.yield
      }) : () -> ()
    }
    %while3A_23 = arith.constant 1 : i32
    scf.for %while3A_38 = %while3A_21 to %while3A_17 step %while3A_23  : i32 {
      %mul3A_39 = arith.muli %while3A_38, %while3A : i32
      %add3A_40 = arith.addi %add3A, %mul3A_39 : i32
      %mul3A_41 = arith.constant 128 : i32
      %mul3A_42 = arith.muli %add3A_40, %mul3A_41 : i32
      %run_scoped3A = arith.constant 0 : i32
      "tpu.region"() ({
        %run_scoped3A_46 = tpu.sem_alloc : memref<!tpu.dma_semaphore, #tpu.memory_space<semaphore_mem>>
        %dma_start3A = arith.constant 0 : i32
        %dma_start3A_47 = tpu.memref_slice %arg7[%run_scoped3A, %dma_start3A] : memref<1x128xi32, #tpu.memory_space<vmem>> -> memref<1x128xi32, #tpu.memory_space<vmem>>
        %dma_start3A_48 = tpu.memref_squeeze %dma_start3A_47 : memref<1x128xi32, #tpu.memory_space<vmem>> -> memref<128xi32, #tpu.memory_space<vmem>>
        %dma_start3A_49 = tpu.memref_slice %arg3[%mul3A_42] : memref<320000xi32, #tpu.memory_space<hbm>> -> memref<128xi32, #tpu.memory_space<hbm>>
        %dma_start3A_50 = arith.constant 0 : i32
        %dma_start3A_51 = tpu.memref_slice %arg7[%run_scoped3A, %dma_start3A_50] : memref<1x128xi32, #tpu.memory_space<vmem>> -> memref<1x128xi32, #tpu.memory_space<vmem>>
        %dma_start3A_52 = tpu.memref_squeeze %dma_start3A_51 : memref<1x128xi32, #tpu.memory_space<vmem>> -> memref<128xi32, #tpu.memory_space<vmem>>
        %dma_start3A_53 = tpu.memref_slice %arg3[%mul3A_42] : memref<320000xi32, #tpu.memory_space<hbm>> -> memref<128xi32, #tpu.memory_space<hbm>>
        tpu.enqueue_dma source(%dma_start3A_53 : memref<128xi32, #tpu.memory_space<hbm>>) target(%dma_start3A_52 : memref<128xi32, #tpu.memory_space<vmem>>) target_semaphore(%run_scoped3A_46 : memref<!tpu.dma_semaphore, #tpu.memory_space<semaphore_mem>>)
        %dma_wait3A = arith.constant 0 : i32
        %dma_wait3A_54 = tpu.memref_slice %arg7[%run_scoped3A, %dma_wait3A] : memref<1x128xi32, #tpu.memory_space<vmem>> -> memref<1x128xi32, #tpu.memory_space<vmem>>
        %dma_wait3A_55 = tpu.memref_squeeze %dma_wait3A_54 : memref<1x128xi32, #tpu.memory_space<vmem>> -> memref<128xi32, #tpu.memory_space<vmem>>
        %dma_wait3A_56 = tpu.memref_slice %arg3[%mul3A_42] : memref<320000xi32, #tpu.memory_space<hbm>> -> memref<128xi32, #tpu.memory_space<hbm>>
        %dma_wait3A_57 = arith.constant 0 : i32
        %dma_wait3A_58 = tpu.memref_slice %arg7[%run_scoped3A, %dma_wait3A_57] : memref<1x128xi32, #tpu.memory_space<vmem>> -> memref<1x128xi32, #tpu.memory_space<vmem>>
        %dma_wait3A_59 = tpu.memref_squeeze %dma_wait3A_58 : memref<1x128xi32, #tpu.memory_space<vmem>> -> memref<128xi32, #tpu.memory_space<vmem>>
        %dma_wait3A_60 = tpu.memref_slice %arg3[%mul3A_42] : memref<320000xi32, #tpu.memory_space<hbm>> -> memref<128xi32, #tpu.memory_space<hbm>>
        tpu.wait_dma2 semaphore(%run_scoped3A_46 : memref<!tpu.dma_semaphore, #tpu.memory_space<semaphore_mem>>) src(%dma_wait3A_60 : memref<128xi32, #tpu.memory_space<hbm>>) dst(%dma_wait3A_59 : memref<128xi32, #tpu.memory_space<vmem>>)
        tpu.yield
      }) : () -> ()
      %run_scoped3A_43 = arith.constant 0 : i32
      "tpu.region"() ({
        %run_scoped3A_46 = tpu.sem_alloc : memref<!tpu.dma_semaphore, #tpu.memory_space<semaphore_mem>>
        %dma_start3A = arith.constant 0 : i32
        %dma_start3A_47 = tpu.memref_slice %arg8[%run_scoped3A_43, %dma_start3A] : memref<1x128xi32, #tpu.memory_space<vmem>> -> memref<1x128xi32, #tpu.memory_space<vmem>>
        %dma_start3A_48 = tpu.memref_squeeze %dma_start3A_47 : memref<1x128xi32, #tpu.memory_space<vmem>> -> memref<128xi32, #tpu.memory_space<vmem>>
        %dma_start3A_49 = tpu.memref_slice %arg4[%mul3A_42] : memref<320000xi32, #tpu.memory_space<hbm>> -> memref<128xi32, #tpu.memory_space<hbm>>
        %dma_start3A_50 = arith.constant 0 : i32
        %dma_start3A_51 = tpu.memref_slice %arg8[%run_scoped3A_43, %dma_start3A_50] : memref<1x128xi32, #tpu.memory_space<vmem>> -> memref<1x128xi32, #tpu.memory_space<vmem>>
        %dma_start3A_52 = tpu.memref_squeeze %dma_start3A_51 : memref<1x128xi32, #tpu.memory_space<vmem>> -> memref<128xi32, #tpu.memory_space<vmem>>
        %dma_start3A_53 = tpu.memref_slice %arg4[%mul3A_42] : memref<320000xi32, #tpu.memory_space<hbm>> -> memref<128xi32, #tpu.memory_space<hbm>>
        tpu.enqueue_dma source(%dma_start3A_53 : memref<128xi32, #tpu.memory_space<hbm>>) target(%dma_start3A_52 : memref<128xi32, #tpu.memory_space<vmem>>) target_semaphore(%run_scoped3A_46 : memref<!tpu.dma_semaphore, #tpu.memory_space<semaphore_mem>>)
        %dma_wait3A = arith.constant 0 : i32
        %dma_wait3A_54 = tpu.memref_slice %arg8[%run_scoped3A_43, %dma_wait3A] : memref<1x128xi32, #tpu.memory_space<vmem>> -> memref<1x128xi32, #tpu.memory_space<vmem>>
        %dma_wait3A_55 = tpu.memref_squeeze %dma_wait3A_54 : memref<1x128xi32, #tpu.memory_space<vmem>> -> memref<128xi32, #tpu.memory_space<vmem>>
        %dma_wait3A_56 = tpu.memref_slice %arg4[%mul3A_42] : memref<320000xi32, #tpu.memory_space<hbm>> -> memref<128xi32, #tpu.memory_space<hbm>>
        %dma_wait3A_57 = arith.constant 0 : i32
        %dma_wait3A_58 = tpu.memref_slice %arg8[%run_scoped3A_43, %dma_wait3A_57] : memref<1x128xi32, #tpu.memory_space<vmem>> -> memref<1x128xi32, #tpu.memory_space<vmem>>
        %dma_wait3A_59 = tpu.memref_squeeze %dma_wait3A_58 : memref<1x128xi32, #tpu.memory_space<vmem>> -> memref<128xi32, #tpu.memory_space<vmem>>
        %dma_wait3A_60 = tpu.memref_slice %arg4[%mul3A_42] : memref<320000xi32, #tpu.memory_space<hbm>> -> memref<128xi32, #tpu.memory_space<hbm>>
        tpu.wait_dma2 semaphore(%run_scoped3A_46 : memref<!tpu.dma_semaphore, #tpu.memory_space<semaphore_mem>>) src(%dma_wait3A_60 : memref<128xi32, #tpu.memory_space<hbm>>) dst(%dma_wait3A_59 : memref<128xi32, #tpu.memory_space<vmem>>)
        tpu.yield
      }) : () -> ()
      %run_scoped3A_44 = arith.constant 0 : i32
      "tpu.region"() ({
        %run_scoped3A_46 = tpu.sem_alloc : memref<!tpu.dma_semaphore, #tpu.memory_space<semaphore_mem>>
        %dma_start3A = arith.constant 0 : i32
        %dma_start3A_47 = tpu.memref_slice %arg7[%run_scoped3A_44, %dma_start3A] : memref<1x128xi32, #tpu.memory_space<vmem>> -> memref<1x128xi32, #tpu.memory_space<vmem>>
        %dma_start3A_48 = tpu.memref_squeeze %dma_start3A_47 : memref<1x128xi32, #tpu.memory_space<vmem>> -> memref<128xi32, #tpu.memory_space<vmem>>
        %dma_start3A_49 = arith.constant 0 : i32
        %dma_start3A_50 = arith.constant 0 : i32
        %dma_start3A_51 = tpu.memref_slice %arg2[%dma_start3A_49, %dma_start3A_50] : memref<10000x128xf32, #tpu.memory_space<hbm>> -> memref<10000x128xf32, #tpu.memory_space<hbm>>
        tpu.enqueue_indirect_dma source(%dma_start3A_51 : memref<10000x128xf32, #tpu.memory_space<hbm>>) target(%arg9 : memref<128x128xf32, #tpu.memory_space<vmem>>) offsets(%dma_start3A_48 : memref<128xi32, #tpu.memory_space<vmem>>) semaphore(%run_scoped3A_46 : memref<!tpu.dma_semaphore, #tpu.memory_space<semaphore_mem>>)
        %dma_wait3A = arith.constant 0 : i32
        %dma_wait3A_52 = tpu.memref_slice %arg7[%run_scoped3A_44, %dma_wait3A] : memref<1x128xi32, #tpu.memory_space<vmem>> -> memref<1x128xi32, #tpu.memory_space<vmem>>
        %dma_wait3A_53 = tpu.memref_squeeze %dma_wait3A_52 : memref<1x128xi32, #tpu.memory_space<vmem>> -> memref<128xi32, #tpu.memory_space<vmem>>
        %dma_wait3A_54 = arith.constant 0 : i32
        %dma_wait3A_55 = arith.constant 0 : i32
        %dma_wait3A_56 = tpu.memref_slice %arg2[%dma_wait3A_54, %dma_wait3A_55] : memref<10000x128xf32, #tpu.memory_space<hbm>> -> memref<10000x128xf32, #tpu.memory_space<hbm>>
        tpu.wait_indirect_dma semaphore(%run_scoped3A_46 : memref<!tpu.dma_semaphore, #tpu.memory_space<semaphore_mem>>) src(%dma_wait3A_56 : memref<10000x128xf32, #tpu.memory_space<hbm>>) dst(%arg9 : memref<128x128xf32, #tpu.memory_space<vmem>>)
        tpu.yield
      }) : () -> ()
      %run_scoped3A_45 = arith.constant 0 : i32
      "tpu.region"() ({
        %run_scoped3A_46 = tpu.sem_alloc : memref<!tpu.dma_semaphore, #tpu.memory_space<semaphore_mem>>
        %dma_start3A = arith.constant 0 : i32
        %dma_start3A_47 = tpu.memref_slice %arg8[%run_scoped3A_45, %dma_start3A] : memref<1x128xi32, #tpu.memory_space<vmem>> -> memref<1x128xi32, #tpu.memory_space<vmem>>
        %dma_start3A_48 = tpu.memref_squeeze %dma_start3A_47 : memref<1x128xi32, #tpu.memory_space<vmem>> -> memref<128xi32, #tpu.memory_space<vmem>>
        %dma_start3A_49 = arith.constant 0 : i32
        %dma_start3A_50 = arith.constant 0 : i32
        %dma_start3A_51 = tpu.memref_slice %arg10[%dma_start3A_49, %dma_start3A_50] : memref<10000x128xf32, #tpu.memory_space<vmem_shared>> -> memref<10000x128xf32, #tpu.memory_space<vmem_shared>>
        tpu.enqueue_indirect_dma source(%arg9 : memref<128x128xf32, #tpu.memory_space<vmem>>) target(%dma_start3A_51 : memref<10000x128xf32, #tpu.memory_space<vmem_shared>>) offsets(%dma_start3A_48 : memref<128xi32, #tpu.memory_space<vmem>>) semaphore(%run_scoped3A_46 : memref<!tpu.dma_semaphore, #tpu.memory_space<semaphore_mem>>) {add = true}
        %dma_wait3A = arith.constant 0 : i32
        %dma_wait3A_52 = tpu.memref_slice %arg8[%run_scoped3A_45, %dma_wait3A] : memref<1x128xi32, #tpu.memory_space<vmem>> -> memref<1x128xi32, #tpu.memory_space<vmem>>
        %dma_wait3A_53 = tpu.memref_squeeze %dma_wait3A_52 : memref<1x128xi32, #tpu.memory_space<vmem>> -> memref<128xi32, #tpu.memory_space<vmem>>
        %dma_wait3A_54 = arith.constant 0 : i32
        %dma_wait3A_55 = arith.constant 0 : i32
        %dma_wait3A_56 = tpu.memref_slice %arg10[%dma_wait3A_54, %dma_wait3A_55] : memref<10000x128xf32, #tpu.memory_space<vmem_shared>> -> memref<10000x128xf32, #tpu.memory_space<vmem_shared>>
        tpu.wait_indirect_dma semaphore(%run_scoped3A_46 : memref<!tpu.dma_semaphore, #tpu.memory_space<semaphore_mem>>) src(%arg9 : memref<128x128xf32, #tpu.memory_space<vmem>>) dst(%dma_wait3A_56 : memref<10000x128xf32, #tpu.memory_space<vmem_shared>>)
        tpu.yield
      }) : () -> ()
    }
    %barrier3A_24 = arith.constant 0 : index
    tpu.barrier barrier_id(%barrier3A_24)
    %mul3A_25 = arith.constant 632 : i32
    %mul3A_26 = arith.muli %arg1, %mul3A_25 : i32
    %multiple_of3A_27 = tpu.assume_multiple %mul3A_26, 8 : i32
    %lt3A_28 = arith.constant 15 : i32
    %lt3A_29 = arith.cmpi slt, %arg1, %lt3A_28 : i32
    %convert_element_type3A_30 = arith.extui %lt3A_29 : i1 to i32
    %cond3A_31 = arith.constant 0 : i32
    %cond3A_32 = arith.cmpi ne, %convert_element_type3A_30, %cond3A_31 : i32
    scf.if %cond3A_32 {
      "tpu.region"() ({
        %run_scoped3A = tpu.sem_alloc : memref<!tpu.dma_semaphore, #tpu.memory_space<semaphore_mem>>
        %dma_start3A = arith.constant 0 : i32
        %dma_start3A_38 = tpu.memref_slice %arg6[%arg0, %multiple_of3A_27, %dma_start3A] : memref<2x10000x128xf32, #tpu.memory_space<hbm>> -> memref<1x632x128xf32, #tpu.memory_space<hbm>>
        %dma_start3A_39 = tpu.memref_squeeze %dma_start3A_38 : memref<1x632x128xf32, #tpu.memory_space<hbm>> -> memref<632x128xf32, #tpu.memory_space<hbm>>
        %dma_start3A_40 = arith.constant 0 : i32
        %dma_start3A_41 = tpu.memref_slice %arg10[%multiple_of3A_27, %dma_start3A_40] : memref<10000x128xf32, #tpu.memory_space<vmem_shared>> -> memref<632x128xf32, #tpu.memory_space<vmem_shared>>
        tpu.enqueue_dma source(%dma_start3A_41 : memref<632x128xf32, #tpu.memory_space<vmem_shared>>) target(%dma_start3A_39 : memref<632x128xf32, #tpu.memory_space<hbm>>) target_semaphore(%run_scoped3A : memref<!tpu.dma_semaphore, #tpu.memory_space<semaphore_mem>>)
        %dma_wait3A = arith.constant 0 : i32
        %dma_wait3A_42 = tpu.memref_slice %arg6[%arg0, %multiple_of3A_27, %dma_wait3A] : memref<2x10000x128xf32, #tpu.memory_space<hbm>> -> memref<1x632x128xf32, #tpu.memory_space<hbm>>
        %dma_wait3A_43 = tpu.memref_squeeze %dma_wait3A_42 : memref<1x632x128xf32, #tpu.memory_space<hbm>> -> memref<632x128xf32, #tpu.memory_space<hbm>>
        %dma_wait3A_44 = arith.constant 0 : i32
        %dma_wait3A_45 = tpu.memref_slice %arg10[%multiple_of3A_27, %dma_wait3A_44] : memref<10000x128xf32, #tpu.memory_space<vmem_shared>> -> memref<632x128xf32, #tpu.memory_space<vmem_shared>>
        tpu.wait_dma2 semaphore(%run_scoped3A : memref<!tpu.dma_semaphore, #tpu.memory_space<semaphore_mem>>) src(%dma_wait3A_45 : memref<632x128xf32, #tpu.memory_space<vmem_shared>>) dst(%dma_wait3A_43 : memref<632x128xf32, #tpu.memory_space<hbm>>)
        tpu.yield
      }) : () -> ()
    } else {
    }
    %eq3A_33 = arith.constant 15 : i32
    %eq3A_34 = arith.cmpi eq, %arg1, %eq3A_33 : i32
    %convert_element_type3A_35 = arith.extui %eq3A_34 : i1 to i32
    %cond3A_36 = arith.constant 0 : i32
    %cond3A_37 = arith.cmpi ne, %convert_element_type3A_35, %cond3A_36 : i32
    scf.if %cond3A_37 {
      "tpu.region"() ({
        %run_scoped3A = tpu.sem_alloc : memref<!tpu.dma_semaphore, #tpu.memory_space<semaphore_mem>>
        %dma_start3A = arith.constant 0 : i32
        %dma_start3A_38 = tpu.memref_slice %arg6[%arg0, %multiple_of3A_27, %dma_start3A] : memref<2x10000x128xf32, #tpu.memory_space<hbm>> -> memref<1x520x128xf32, #tpu.memory_space<hbm>>
        %dma_start3A_39 = tpu.memref_squeeze %dma_start3A_38 : memref<1x520x128xf32, #tpu.memory_space<hbm>> -> memref<520x128xf32, #tpu.memory_space<hbm>>
        %dma_start3A_40 = arith.constant 0 : i32
        %dma_start3A_41 = tpu.memref_slice %arg10[%multiple_of3A_27, %dma_start3A_40] : memref<10000x128xf32, #tpu.memory_space<vmem_shared>> -> memref<520x128xf32, #tpu.memory_space<vmem_shared>>
        tpu.enqueue_dma source(%dma_start3A_41 : memref<520x128xf32, #tpu.memory_space<vmem_shared>>) target(%dma_start3A_39 : memref<520x128xf32, #tpu.memory_space<hbm>>) target_semaphore(%run_scoped3A : memref<!tpu.dma_semaphore, #tpu.memory_space<semaphore_mem>>)
        %dma_wait3A = arith.constant 0 : i32
        %dma_wait3A_42 = tpu.memref_slice %arg6[%arg0, %multiple_of3A_27, %dma_wait3A] : memref<2x10000x128xf32, #tpu.memory_space<hbm>> -> memref<1x520x128xf32, #tpu.memory_space<hbm>>
        %dma_wait3A_43 = tpu.memref_squeeze %dma_wait3A_42 : memref<1x520x128xf32, #tpu.memory_space<hbm>> -> memref<520x128xf32, #tpu.memory_space<hbm>>
        %dma_wait3A_44 = arith.constant 0 : i32
        %dma_wait3A_45 = tpu.memref_slice %arg10[%multiple_of3A_27, %dma_wait3A_44] : memref<10000x128xf32, #tpu.memory_space<vmem_shared>> -> memref<520x128xf32, #tpu.memory_space<vmem_shared>>
        tpu.wait_dma2 semaphore(%run_scoped3A : memref<!tpu.dma_semaphore, #tpu.memory_space<semaphore_mem>>) src(%dma_wait3A_45 : memref<520x128xf32, #tpu.memory_space<vmem_shared>>) dst(%dma_wait3A_43 : memref<520x128xf32, #tpu.memory_space<hbm>>)
        tpu.yield
      }) : () -> ()
    } else {
    }
    return
  }
}

#map = affine_map<(d0, d1) -> (0, 0)>
#map1 = affine_map<(d0, d1) -> (0)>
#map2 = affine_map<(d0, d1) -> (0, 0, 0)>
module attributes {stable_mosaic.version = 14 : i64} {
  func.func @k(%arg0: i32, %arg1: i32, %arg2: memref<10000x128xf32, #tpu.memory_space<hbm>>, %arg3: memref<320000xi32, #tpu.memory_space<hbm>>, %arg4: memref<320000xi32, #tpu.memory_space<hbm>>, %arg5: memref<10000x128xf32, #tpu.memory_space<hbm>>, %arg6: memref<2x10000x128xf32, #tpu.memory_space<hbm>>, %arg7: memref<1x128xi32, #tpu.memory_space<vmem>>, %arg8: memref<1x128xi32, #tpu.memory_space<vmem>>, %arg9: memref<128x128xf32, #tpu.memory_space<vmem>>, %arg10: memref<10000x128xf32, #tpu.memory_space<vmem_shared>>) attributes {dimension_semantics = [#tpu.dimension_semantics<core_parallel>, #tpu.dimension_semantics<subcore_parallel>], iteration_bounds = array<i64: 2, 16>, scalar_prefetch = 0 : i64, scratch_operands = 4 : i64, tpu.core_type = #tpu.core_type<sc_vector_subcore>, window_params = [{transform_indices = #map}, {transform_indices = #map1}, {transform_indices = #map1}, {transform_indices = #map}, {transform_indices = #map2}]} {
    %mul3A = arith.constant 2 : i32
    %mul3A_0 = arith.muli %arg1, %mul3A : i32
    %add3A = arith.addi %mul3A_0, %arg0 : i32
    %mul3A_1 = arith.constant 632 : i32
    %mul3A_2 = arith.muli %arg1, %mul3A_1 : i32
    %multiple_of3A = tpu.assume_multiple %mul3A_2, 8 : i32
    %lt3A = arith.constant 15 : i32
    %lt3A_3 = arith.cmpi slt, %arg1, %lt3A : i32
    %convert_element_type3A = arith.extui %lt3A_3 : i1 to i32
    %cond3A = arith.constant 0 : i32
    %cond3A_4 = arith.cmpi ne, %convert_element_type3A, %cond3A : i32
    scf.if %cond3A_4 {
      "tpu.region"() ({
        %run_scoped3A = tpu.sem_alloc : memref<!tpu.dma_semaphore, #tpu.memory_space<semaphore_mem>>
        %dma_start3A = arith.constant 0 : i32
        %dma_start3A_38 = tpu.memref_slice %arg10[%multiple_of3A, %dma_start3A] : memref<10000x128xf32, #tpu.memory_space<vmem_shared>> -> memref<632x128xf32, #tpu.memory_space<vmem_shared>>
        %dma_start3A_39 = arith.constant 0 : i32
        %dma_start3A_40 = tpu.memref_slice %arg5[%multiple_of3A, %dma_start3A_39] : memref<10000x128xf32, #tpu.memory_space<hbm>> -> memref<632x128xf32, #tpu.memory_space<hbm>>
        tpu.enqueue_dma source(%dma_start3A_40 : memref<632x128xf32, #tpu.memory_space<hbm>>) target(%dma_start3A_38 : memref<632x128xf32, #tpu.memory_space<vmem_shared>>) target_semaphore(%run_scoped3A : memref<!tpu.dma_semaphore, #tpu.memory_space<semaphore_mem>>)
        %dma_wait3A = arith.constant 0 : i32
        %dma_wait3A_41 = tpu.memref_slice %arg10[%multiple_of3A, %dma_wait3A] : memref<10000x128xf32, #tpu.memory_space<vmem_shared>> -> memref<632x128xf32, #tpu.memory_space<vmem_shared>>
        %dma_wait3A_42 = arith.constant 0 : i32
        %dma_wait3A_43 = tpu.memref_slice %arg5[%multiple_of3A, %dma_wait3A_42] : memref<10000x128xf32, #tpu.memory_space<hbm>> -> memref<632x128xf32, #tpu.memory_space<hbm>>
        tpu.wait_dma2 semaphore(%run_scoped3A : memref<!tpu.dma_semaphore, #tpu.memory_space<semaphore_mem>>) src(%dma_wait3A_43 : memref<632x128xf32, #tpu.memory_space<hbm>>) dst(%dma_wait3A_41 : memref<632x128xf32, #tpu.memory_space<vmem_shared>>)
        tpu.yield
      }) : () -> ()
    } else {
    }
    %eq3A = arith.constant 15 : i32
    %eq3A_5 = arith.cmpi eq, %arg1, %eq3A : i32
    %convert_element_type3A_6 = arith.extui %eq3A_5 : i1 to i32
    %cond3A_7 = arith.constant 0 : i32
    %cond3A_8 = arith.cmpi ne, %convert_element_type3A_6, %cond3A_7 : i32
    scf.if %cond3A_8 {
      "tpu.region"() ({
        %run_scoped3A = tpu.sem_alloc : memref<!tpu.dma_semaphore, #tpu.memory_space<semaphore_mem>>
        %dma_start3A = arith.constant 0 : i32
        %dma_start3A_38 = tpu.memref_slice %arg10[%multiple_of3A, %dma_start3A] : memref<10000x128xf32, #tpu.memory_space<vmem_shared>> -> memref<520x128xf32, #tpu.memory_space<vmem_shared>>
        %dma_start3A_39 = arith.constant 0 : i32
        %dma_start3A_40 = tpu.memref_slice %arg5[%multiple_of3A, %dma_start3A_39] : memref<10000x128xf32, #tpu.memory_space<hbm>> -> memref<520x128xf32, #tpu.memory_space<hbm>>
        tpu.enqueue_dma source(%dma_start3A_40 : memref<520x128xf32, #tpu.memory_space<hbm>>) target(%dma_start3A_38 : memref<520x128xf32, #tpu.memory_space<vmem_shared>>) target_semaphore(%run_scoped3A : memref<!tpu.dma_semaphore, #tpu.memory_space<semaphore_mem>>)
        %dma_wait3A = arith.constant 0 : i32
        %dma_wait3A_41 = tpu.memref_slice %arg10[%multiple_of3A, %dma_wait3A] : memref<10000x128xf32, #tpu.memory_space<vmem_shared>> -> memref<520x128xf32, #tpu.memory_space<vmem_shared>>
        %dma_wait3A_42 = arith.constant 0 : i32
        %dma_wait3A_43 = tpu.memref_slice %arg5[%multiple_of3A, %dma_wait3A_42] : memref<10000x128xf32, #tpu.memory_space<hbm>> -> memref<520x128xf32, #tpu.memory_space<hbm>>
        tpu.wait_dma2 semaphore(%run_scoped3A : memref<!tpu.dma_semaphore, #tpu.memory_space<semaphore_mem>>) src(%dma_wait3A_43 : memref<520x128xf32, #tpu.memory_space<hbm>>) dst(%dma_wait3A_41 : memref<520x128xf32, #tpu.memory_space<vmem_shared>>)
        tpu.yield
      }) : () -> ()
    } else {
    }
    %barrier3A = arith.constant 0 : index
    tpu.barrier barrier_id(%barrier3A)
    %sub3A = arith.constant 2500 : i32
    %sub3A_9 = arith.subi %sub3A, %add3A : i32
    %sub3A_10 = arith.constant 32 : i32
    %sub3A_11 = arith.constant 1 : i32
    %sub3A_12 = arith.subi %sub3A_10, %sub3A_11 : i32
    %add3A_13 = arith.addi %sub3A_9, %sub3A_12 : i32
    %div3A = arith.constant 32 : i32
    %div3A_14 = arith.divsi %add3A_13, %div3A : i32
    %while3A = arith.constant 32 : i32
    %while3A_15 = arith.constant 0 : i32
    %while3A_16 = arith.subi %div3A_14, %while3A_15 : i32
    %while3A_17 = arith.addi %while3A_15, %while3A_16 : i32
    %while3A_18 = arith.constant 1 : i32
    %while3A_19 = arith.divsi %while3A_16, %while3A_18 : i32
    %while3A_20 = arith.muli %while3A_19, %while3A_18 : i32
    %while3A_21 = arith.addi %while3A_15, %while3A_20 : i32
    %while3A_22 = arith.constant 1 : i32
    scf.for %while3A_38 = %while3A_15 to %while3A_21 step %while3A_22  : i32 {
      %mul3A_39 = arith.muli %while3A_38, %while3A : i32
      %add3A_40 = arith.addi %add3A, %mul3A_39 : i32
      %mul3A_41 = arith.constant 128 : i32
      %mul3A_42 = arith.muli %add3A_40, %mul3A_41 : i32
      %run_scoped3A = arith.constant 0 : i32
      "tpu.region"() ({
        %run_scoped3A_46 = tpu.sem_alloc : memref<!tpu.dma_semaphore, #tpu.memory_space<semaphore_mem>>
        %dma_start3A = arith.constant 0 : i32
        %dma_start3A_47 = tpu.memref_slice %arg7[%run_scoped3A, %dma_start3A] : memref<1x128xi32, #tpu.memory_space<vmem>> -> memref<1x128xi32, #tpu.memory_space<vmem>>
        %dma_start3A_48 = tpu.memref_squeeze %dma_start3A_47 : memref<1x128xi32, #tpu.memory_space<vmem>> -> memref<128xi32, #tpu.memory_space<vmem>>
        %dma_start3A_49 = tpu.memref_slice %arg3[%mul3A_42] : memref<320000xi32, #tpu.memory_space<hbm>> -> memref<128xi32, #tpu.memory_space<hbm>>
        %dma_start3A_50 = arith.constant 0 : i32
        %dma_start3A_51 = tpu.memref_slice %arg7[%run_scoped3A, %dma_start3A_50] : memref<1x128xi32, #tpu.memory_space<vmem>> -> memref<1x128xi32, #tpu.memory_space<vmem>>
        %dma_start3A_52 = tpu.memref_squeeze %dma_start3A_51 : memref<1x128xi32, #tpu.memory_space<vmem>> -> memref<128xi32, #tpu.memory_space<vmem>>
        %dma_start3A_53 = tpu.memref_slice %arg3[%mul3A_42] : memref<320000xi32, #tpu.memory_space<hbm>> -> memref<128xi32, #tpu.memory_space<hbm>>
        tpu.enqueue_dma source(%dma_start3A_53 : memref<128xi32, #tpu.memory_space<hbm>>) target(%dma_start3A_52 : memref<128xi32, #tpu.memory_space<vmem>>) target_semaphore(%run_scoped3A_46 : memref<!tpu.dma_semaphore, #tpu.memory_space<semaphore_mem>>)
        %dma_wait3A = arith.constant 0 : i32
        %dma_wait3A_54 = tpu.memref_slice %arg7[%run_scoped3A, %dma_wait3A] : memref<1x128xi32, #tpu.memory_space<vmem>> -> memref<1x128xi32, #tpu.memory_space<vmem>>
        %dma_wait3A_55 = tpu.memref_squeeze %dma_wait3A_54 : memref<1x128xi32, #tpu.memory_space<vmem>> -> memref<128xi32, #tpu.memory_space<vmem>>
        %dma_wait3A_56 = tpu.memref_slice %arg3[%mul3A_42] : memref<320000xi32, #tpu.memory_space<hbm>> -> memref<128xi32, #tpu.memory_space<hbm>>
        %dma_wait3A_57 = arith.constant 0 : i32
        %dma_wait3A_58 = tpu.memref_slice %arg7[%run_scoped3A, %dma_wait3A_57] : memref<1x128xi32, #tpu.memory_space<vmem>> -> memref<1x128xi32, #tpu.memory_space<vmem>>
        %dma_wait3A_59 = tpu.memref_squeeze %dma_wait3A_58 : memref<1x128xi32, #tpu.memory_space<vmem>> -> memref<128xi32, #tpu.memory_space<vmem>>
        %dma_wait3A_60 = tpu.memref_slice %arg3[%mul3A_42] : memref<320000xi32, #tpu.memory_space<hbm>> -> memref<128xi32, #tpu.memory_space<hbm>>
        tpu.wait_dma2 semaphore(%run_scoped3A_46 : memref<!tpu.dma_semaphore, #tpu.memory_space<semaphore_mem>>) src(%dma_wait3A_60 : memref<128xi32, #tpu.memory_space<hbm>>) dst(%dma_wait3A_59 : memref<128xi32, #tpu.memory_space<vmem>>)
        tpu.yield
      }) : () -> ()
      %run_scoped3A_43 = arith.constant 0 : i32
      "tpu.region"() ({
        %run_scoped3A_46 = tpu.sem_alloc : memref<!tpu.dma_semaphore, #tpu.memory_space<semaphore_mem>>
        %dma_start3A = arith.constant 0 : i32
        %dma_start3A_47 = tpu.memref_slice %arg8[%run_scoped3A_43, %dma_start3A] : memref<1x128xi32, #tpu.memory_space<vmem>> -> memref<1x128xi32, #tpu.memory_space<vmem>>
        %dma_start3A_48 = tpu.memref_squeeze %dma_start3A_47 : memref<1x128xi32, #tpu.memory_space<vmem>> -> memref<128xi32, #tpu.memory_space<vmem>>
        %dma_start3A_49 = tpu.memref_slice %arg4[%mul3A_42] : memref<320000xi32, #tpu.memory_space<hbm>> -> memref<128xi32, #tpu.memory_space<hbm>>
        %dma_start3A_50 = arith.constant 0 : i32
        %dma_start3A_51 = tpu.memref_slice %arg8[%run_scoped3A_43, %dma_start3A_50] : memref<1x128xi32, #tpu.memory_space<vmem>> -> memref<1x128xi32, #tpu.memory_space<vmem>>
        %dma_start3A_52 = tpu.memref_squeeze %dma_start3A_51 : memref<1x128xi32, #tpu.memory_space<vmem>> -> memref<128xi32, #tpu.memory_space<vmem>>
        %dma_start3A_53 = tpu.memref_slice %arg4[%mul3A_42] : memref<320000xi32, #tpu.memory_space<hbm>> -> memref<128xi32, #tpu.memory_space<hbm>>
        tpu.enqueue_dma source(%dma_start3A_53 : memref<128xi32, #tpu.memory_space<hbm>>) target(%dma_start3A_52 : memref<128xi32, #tpu.memory_space<vmem>>) target_semaphore(%run_scoped3A_46 : memref<!tpu.dma_semaphore, #tpu.memory_space<semaphore_mem>>)
        %dma_wait3A = arith.constant 0 : i32
        %dma_wait3A_54 = tpu.memref_slice %arg8[%run_scoped3A_43, %dma_wait3A] : memref<1x128xi32, #tpu.memory_space<vmem>> -> memref<1x128xi32, #tpu.memory_space<vmem>>
        %dma_wait3A_55 = tpu.memref_squeeze %dma_wait3A_54 : memref<1x128xi32, #tpu.memory_space<vmem>> -> memref<128xi32, #tpu.memory_space<vmem>>
        %dma_wait3A_56 = tpu.memref_slice %arg4[%mul3A_42] : memref<320000xi32, #tpu.memory_space<hbm>> -> memref<128xi32, #tpu.memory_space<hbm>>
        %dma_wait3A_57 = arith.constant 0 : i32
        %dma_wait3A_58 = tpu.memref_slice %arg8[%run_scoped3A_43, %dma_wait3A_57] : memref<1x128xi32, #tpu.memory_space<vmem>> -> memref<1x128xi32, #tpu.memory_space<vmem>>
        %dma_wait3A_59 = tpu.memref_squeeze %dma_wait3A_58 : memref<1x128xi32, #tpu.memory_space<vmem>> -> memref<128xi32, #tpu.memory_space<vmem>>
        %dma_wait3A_60 = tpu.memref_slice %arg4[%mul3A_42] : memref<320000xi32, #tpu.memory_space<hbm>> -> memref<128xi32, #tpu.memory_space<hbm>>
        tpu.wait_dma2 semaphore(%run_scoped3A_46 : memref<!tpu.dma_semaphore, #tpu.memory_space<semaphore_mem>>) src(%dma_wait3A_60 : memref<128xi32, #tpu.memory_space<hbm>>) dst(%dma_wait3A_59 : memref<128xi32, #tpu.memory_space<vmem>>)
        tpu.yield
      }) : () -> ()
      %run_scoped3A_44 = arith.constant 0 : i32
      "tpu.region"() ({
        %run_scoped3A_46 = tpu.sem_alloc : memref<!tpu.dma_semaphore, #tpu.memory_space<semaphore_mem>>
        %dma_start3A = arith.constant 0 : i32
        %dma_start3A_47 = tpu.memref_slice %arg7[%run_scoped3A_44, %dma_start3A] : memref<1x128xi32, #tpu.memory_space<vmem>> -> memref<1x128xi32, #tpu.memory_space<vmem>>
        %dma_start3A_48 = tpu.memref_squeeze %dma_start3A_47 : memref<1x128xi32, #tpu.memory_space<vmem>> -> memref<128xi32, #tpu.memory_space<vmem>>
        %dma_start3A_49 = arith.constant 0 : i32
        %dma_start3A_50 = arith.constant 0 : i32
        %dma_start3A_51 = tpu.memref_slice %arg2[%dma_start3A_49, %dma_start3A_50] : memref<10000x128xf32, #tpu.memory_space<hbm>> -> memref<10000x128xf32, #tpu.memory_space<hbm>>
        tpu.enqueue_indirect_dma source(%dma_start3A_51 : memref<10000x128xf32, #tpu.memory_space<hbm>>) target(%arg9 : memref<128x128xf32, #tpu.memory_space<vmem>>) offsets(%dma_start3A_48 : memref<128xi32, #tpu.memory_space<vmem>>) semaphore(%run_scoped3A_46 : memref<!tpu.dma_semaphore, #tpu.memory_space<semaphore_mem>>)
        %dma_wait3A = arith.constant 0 : i32
        %dma_wait3A_52 = tpu.memref_slice %arg7[%run_scoped3A_44, %dma_wait3A] : memref<1x128xi32, #tpu.memory_space<vmem>> -> memref<1x128xi32, #tpu.memory_space<vmem>>
        %dma_wait3A_53 = tpu.memref_squeeze %dma_wait3A_52 : memref<1x128xi32, #tpu.memory_space<vmem>> -> memref<128xi32, #tpu.memory_space<vmem>>
        %dma_wait3A_54 = arith.constant 0 : i32
        %dma_wait3A_55 = arith.constant 0 : i32
        %dma_wait3A_56 = tpu.memref_slice %arg2[%dma_wait3A_54, %dma_wait3A_55] : memref<10000x128xf32, #tpu.memory_space<hbm>> -> memref<10000x128xf32, #tpu.memory_space<hbm>>
        tpu.wait_indirect_dma semaphore(%run_scoped3A_46 : memref<!tpu.dma_semaphore, #tpu.memory_space<semaphore_mem>>) src(%dma_wait3A_56 : memref<10000x128xf32, #tpu.memory_space<hbm>>) dst(%arg9 : memref<128x128xf32, #tpu.memory_space<vmem>>)
        tpu.yield
      }) : () -> ()
      %run_scoped3A_45 = arith.constant 0 : i32
      "tpu.region"() ({
        %run_scoped3A_46 = tpu.sem_alloc : memref<!tpu.dma_semaphore, #tpu.memory_space<semaphore_mem>>
        %dma_start3A = arith.constant 0 : i32
        %dma_start3A_47 = tpu.memref_slice %arg8[%run_scoped3A_45, %dma_start3A] : memref<1x128xi32, #tpu.memory_space<vmem>> -> memref<1x128xi32, #tpu.memory_space<vmem>>
        %dma_start3A_48 = tpu.memref_squeeze %dma_start3A_47 : memref<1x128xi32, #tpu.memory_space<vmem>> -> memref<128xi32, #tpu.memory_space<vmem>>
        %dma_start3A_49 = arith.constant 0 : i32
        %dma_start3A_50 = arith.constant 0 : i32
        %dma_start3A_51 = tpu.memref_slice %arg10[%dma_start3A_49, %dma_start3A_50] : memref<10000x128xf32, #tpu.memory_space<vmem_shared>> -> memref<10000x128xf32, #tpu.memory_space<vmem_shared>>
        tpu.enqueue_indirect_dma source(%arg9 : memref<128x128xf32, #tpu.memory_space<vmem>>) target(%dma_start3A_51 : memref<10000x128xf32, #tpu.memory_space<vmem_shared>>) offsets(%dma_start3A_48 : memref<128xi32, #tpu.memory_space<vmem>>) semaphore(%run_scoped3A_46 : memref<!tpu.dma_semaphore, #tpu.memory_space<semaphore_mem>>) {add = true}
        %dma_wait3A = arith.constant 0 : i32
        %dma_wait3A_52 = tpu.memref_slice %arg8[%run_scoped3A_45, %dma_wait3A] : memref<1x128xi32, #tpu.memory_space<vmem>> -> memref<1x128xi32, #tpu.memory_space<vmem>>
        %dma_wait3A_53 = tpu.memref_squeeze %dma_wait3A_52 : memref<1x128xi32, #tpu.memory_space<vmem>> -> memref<128xi32, #tpu.memory_space<vmem>>
        %dma_wait3A_54 = arith.constant 0 : i32
        %dma_wait3A_55 = arith.constant 0 : i32
        %dma_wait3A_56 = tpu.memref_slice %arg10[%dma_wait3A_54, %dma_wait3A_55] : memref<10000x128xf32, #tpu.memory_space<vmem_shared>> -> memref<10000x128xf32, #tpu.memory_space<vmem_shared>>
        tpu.wait_indirect_dma semaphore(%run_scoped3A_46 : memref<!tpu.dma_semaphore, #tpu.memory_space<semaphore_mem>>) src(%arg9 : memref<128x128xf32, #tpu.memory_space<vmem>>) dst(%dma_wait3A_56 : memref<10000x128xf32, #tpu.memory_space<vmem_shared>>)
        tpu.yield
      }) : () -> ()
    }
    %while3A_23 = arith.constant 1 : i32
    scf.for %while3A_38 = %while3A_21 to %while3A_17 step %while3A_23  : i32 {
      %mul3A_39 = arith.muli %while3A_38, %while3A : i32
      %add3A_40 = arith.addi %add3A, %mul3A_39 : i32
      %mul3A_41 = arith.constant 128 : i32
      %mul3A_42 = arith.muli %add3A_40, %mul3A_41 : i32
      %run_scoped3A = arith.constant 0 : i32
      "tpu.region"() ({
        %run_scoped3A_46 = tpu.sem_alloc : memref<!tpu.dma_semaphore, #tpu.memory_space<semaphore_mem>>
        %dma_start3A = arith.constant 0 : i32
        %dma_start3A_47 = tpu.memref_slice %arg7[%run_scoped3A, %dma_start3A] : memref<1x128xi32, #tpu.memory_space<vmem>> -> memref<1x128xi32, #tpu.memory_space<vmem>>
        %dma_start3A_48 = tpu.memref_squeeze %dma_start3A_47 : memref<1x128xi32, #tpu.memory_space<vmem>> -> memref<128xi32, #tpu.memory_space<vmem>>
        %dma_start3A_49 = tpu.memref_slice %arg3[%mul3A_42] : memref<320000xi32, #tpu.memory_space<hbm>> -> memref<128xi32, #tpu.memory_space<hbm>>
        %dma_start3A_50 = arith.constant 0 : i32
        %dma_start3A_51 = tpu.memref_slice %arg7[%run_scoped3A, %dma_start3A_50] : memref<1x128xi32, #tpu.memory_space<vmem>> -> memref<1x128xi32, #tpu.memory_space<vmem>>
        %dma_start3A_52 = tpu.memref_squeeze %dma_start3A_51 : memref<1x128xi32, #tpu.memory_space<vmem>> -> memref<128xi32, #tpu.memory_space<vmem>>
        %dma_start3A_53 = tpu.memref_slice %arg3[%mul3A_42] : memref<320000xi32, #tpu.memory_space<hbm>> -> memref<128xi32, #tpu.memory_space<hbm>>
        tpu.enqueue_dma source(%dma_start3A_53 : memref<128xi32, #tpu.memory_space<hbm>>) target(%dma_start3A_52 : memref<128xi32, #tpu.memory_space<vmem>>) target_semaphore(%run_scoped3A_46 : memref<!tpu.dma_semaphore, #tpu.memory_space<semaphore_mem>>)
        %dma_wait3A = arith.constant 0 : i32
        %dma_wait3A_54 = tpu.memref_slice %arg7[%run_scoped3A, %dma_wait3A] : memref<1x128xi32, #tpu.memory_space<vmem>> -> memref<1x128xi32, #tpu.memory_space<vmem>>
        %dma_wait3A_55 = tpu.memref_squeeze %dma_wait3A_54 : memref<1x128xi32, #tpu.memory_space<vmem>> -> memref<128xi32, #tpu.memory_space<vmem>>
        %dma_wait3A_56 = tpu.memref_slice %arg3[%mul3A_42] : memref<320000xi32, #tpu.memory_space<hbm>> -> memref<128xi32, #tpu.memory_space<hbm>>
        %dma_wait3A_57 = arith.constant 0 : i32
        %dma_wait3A_58 = tpu.memref_slice %arg7[%run_scoped3A, %dma_wait3A_57] : memref<1x128xi32, #tpu.memory_space<vmem>> -> memref<1x128xi32, #tpu.memory_space<vmem>>
        %dma_wait3A_59 = tpu.memref_squeeze %dma_wait3A_58 : memref<1x128xi32, #tpu.memory_space<vmem>> -> memref<128xi32, #tpu.memory_space<vmem>>
        %dma_wait3A_60 = tpu.memref_slice %arg3[%mul3A_42] : memref<320000xi32, #tpu.memory_space<hbm>> -> memref<128xi32, #tpu.memory_space<hbm>>
        tpu.wait_dma2 semaphore(%run_scoped3A_46 : memref<!tpu.dma_semaphore, #tpu.memory_space<semaphore_mem>>) src(%dma_wait3A_60 : memref<128xi32, #tpu.memory_space<hbm>>) dst(%dma_wait3A_59 : memref<128xi32, #tpu.memory_space<vmem>>)
        tpu.yield
      }) : () -> ()
      %run_scoped3A_43 = arith.constant 0 : i32
      "tpu.region"() ({
        %run_scoped3A_46 = tpu.sem_alloc : memref<!tpu.dma_semaphore, #tpu.memory_space<semaphore_mem>>
        %dma_start3A = arith.constant 0 : i32
        %dma_start3A_47 = tpu.memref_slice %arg8[%run_scoped3A_43, %dma_start3A] : memref<1x128xi32, #tpu.memory_space<vmem>> -> memref<1x128xi32, #tpu.memory_space<vmem>>
        %dma_start3A_48 = tpu.memref_squeeze %dma_start3A_47 : memref<1x128xi32, #tpu.memory_space<vmem>> -> memref<128xi32, #tpu.memory_space<vmem>>
        %dma_start3A_49 = tpu.memref_slice %arg4[%mul3A_42] : memref<320000xi32, #tpu.memory_space<hbm>> -> memref<128xi32, #tpu.memory_space<hbm>>
        %dma_start3A_50 = arith.constant 0 : i32
        %dma_start3A_51 = tpu.memref_slice %arg8[%run_scoped3A_43, %dma_start3A_50] : memref<1x128xi32, #tpu.memory_space<vmem>> -> memref<1x128xi32, #tpu.memory_space<vmem>>
        %dma_start3A_52 = tpu.memref_squeeze %dma_start3A_51 : memref<1x128xi32, #tpu.memory_space<vmem>> -> memref<128xi32, #tpu.memory_space<vmem>>
        %dma_start3A_53 = tpu.memref_slice %arg4[%mul3A_42] : memref<320000xi32, #tpu.memory_space<hbm>> -> memref<128xi32, #tpu.memory_space<hbm>>
        tpu.enqueue_dma source(%dma_start3A_53 : memref<128xi32, #tpu.memory_space<hbm>>) target(%dma_start3A_52 : memref<128xi32, #tpu.memory_space<vmem>>) target_semaphore(%run_scoped3A_46 : memref<!tpu.dma_semaphore, #tpu.memory_space<semaphore_mem>>)
        %dma_wait3A = arith.constant 0 : i32
        %dma_wait3A_54 = tpu.memref_slice %arg8[%run_scoped3A_43, %dma_wait3A] : memref<1x128xi32, #tpu.memory_space<vmem>> -> memref<1x128xi32, #tpu.memory_space<vmem>>
        %dma_wait3A_55 = tpu.memref_squeeze %dma_wait3A_54 : memref<1x128xi32, #tpu.memory_space<vmem>> -> memref<128xi32, #tpu.memory_space<vmem>>
        %dma_wait3A_56 = tpu.memref_slice %arg4[%mul3A_42] : memref<320000xi32, #tpu.memory_space<hbm>> -> memref<128xi32, #tpu.memory_space<hbm>>
        %dma_wait3A_57 = arith.constant 0 : i32
        %dma_wait3A_58 = tpu.memref_slice %arg8[%run_scoped3A_43, %dma_wait3A_57] : memref<1x128xi32, #tpu.memory_space<vmem>> -> memref<1x128xi32, #tpu.memory_space<vmem>>
        %dma_wait3A_59 = tpu.memref_squeeze %dma_wait3A_58 : memref<1x128xi32, #tpu.memory_space<vmem>> -> memref<128xi32, #tpu.memory_space<vmem>>
        %dma_wait3A_60 = tpu.memref_slice %arg4[%mul3A_42] : memref<320000xi32, #tpu.memory_space<hbm>> -> memref<128xi32, #tpu.memory_space<hbm>>
        tpu.wait_dma2 semaphore(%run_scoped3A_46 : memref<!tpu.dma_semaphore, #tpu.memory_space<semaphore_mem>>) src(%dma_wait3A_60 : memref<128xi32, #tpu.memory_space<hbm>>) dst(%dma_wait3A_59 : memref<128xi32, #tpu.memory_space<vmem>>)
        tpu.yield
      }) : () -> ()
      %run_scoped3A_44 = arith.constant 0 : i32
      "tpu.region"() ({
        %run_scoped3A_46 = tpu.sem_alloc : memref<!tpu.dma_semaphore, #tpu.memory_space<semaphore_mem>>
        %dma_start3A = arith.constant 0 : i32
        %dma_start3A_47 = tpu.memref_slice %arg7[%run_scoped3A_44, %dma_start3A] : memref<1x128xi32, #tpu.memory_space<vmem>> -> memref<1x128xi32, #tpu.memory_space<vmem>>
        %dma_start3A_48 = tpu.memref_squeeze %dma_start3A_47 : memref<1x128xi32, #tpu.memory_space<vmem>> -> memref<128xi32, #tpu.memory_space<vmem>>
        %dma_start3A_49 = arith.constant 0 : i32
        %dma_start3A_50 = arith.constant 0 : i32
        %dma_start3A_51 = tpu.memref_slice %arg2[%dma_start3A_49, %dma_start3A_50] : memref<10000x128xf32, #tpu.memory_space<hbm>> -> memref<10000x128xf32, #tpu.memory_space<hbm>>
        tpu.enqueue_indirect_dma source(%dma_start3A_51 : memref<10000x128xf32, #tpu.memory_space<hbm>>) target(%arg9 : memref<128x128xf32, #tpu.memory_space<vmem>>) offsets(%dma_start3A_48 : memref<128xi32, #tpu.memory_space<vmem>>) semaphore(%run_scoped3A_46 : memref<!tpu.dma_semaphore, #tpu.memory_space<semaphore_mem>>)
        %dma_wait3A = arith.constant 0 : i32
        %dma_wait3A_52 = tpu.memref_slice %arg7[%run_scoped3A_44, %dma_wait3A] : memref<1x128xi32, #tpu.memory_space<vmem>> -> memref<1x128xi32, #tpu.memory_space<vmem>>
        %dma_wait3A_53 = tpu.memref_squeeze %dma_wait3A_52 : memref<1x128xi32, #tpu.memory_space<vmem>> -> memref<128xi32, #tpu.memory_space<vmem>>
        %dma_wait3A_54 = arith.constant 0 : i32
        %dma_wait3A_55 = arith.constant 0 : i32
        %dma_wait3A_56 = tpu.memref_slice %arg2[%dma_wait3A_54, %dma_wait3A_55] : memref<10000x128xf32, #tpu.memory_space<hbm>> -> memref<10000x128xf32, #tpu.memory_space<hbm>>
        tpu.wait_indirect_dma semaphore(%run_scoped3A_46 : memref<!tpu.dma_semaphore, #tpu.memory_space<semaphore_mem>>) src(%dma_wait3A_56 : memref<10000x128xf32, #tpu.memory_space<hbm>>) dst(%arg9 : memref<128x128xf32, #tpu.memory_space<vmem>>)
        tpu.yield
      }) : () -> ()
      %run_scoped3A_45 = arith.constant 0 : i32
      "tpu.region"() ({
        %run_scoped3A_46 = tpu.sem_alloc : memref<!tpu.dma_semaphore, #tpu.memory_space<semaphore_mem>>
        %dma_start3A = arith.constant 0 : i32
        %dma_start3A_47 = tpu.memref_slice %arg8[%run_scoped3A_45, %dma_start3A] : memref<1x128xi32, #tpu.memory_space<vmem>> -> memref<1x128xi32, #tpu.memory_space<vmem>>
        %dma_start3A_48 = tpu.memref_squeeze %dma_start3A_47 : memref<1x128xi32, #tpu.memory_space<vmem>> -> memref<128xi32, #tpu.memory_space<vmem>>
        %dma_start3A_49 = arith.constant 0 : i32
        %dma_start3A_50 = arith.constant 0 : i32
        %dma_start3A_51 = tpu.memref_slice %arg10[%dma_start3A_49, %dma_start3A_50] : memref<10000x128xf32, #tpu.memory_space<vmem_shared>> -> memref<10000x128xf32, #tpu.memory_space<vmem_shared>>
        tpu.enqueue_indirect_dma source(%arg9 : memref<128x128xf32, #tpu.memory_space<vmem>>) target(%dma_start3A_51 : memref<10000x128xf32, #tpu.memory_space<vmem_shared>>) offsets(%dma_start3A_48 : memref<128xi32, #tpu.memory_space<vmem>>) semaphore(%run_scoped3A_46 : memref<!tpu.dma_semaphore, #tpu.memory_space<semaphore_mem>>) {add = true}
        %dma_wait3A = arith.constant 0 : i32
        %dma_wait3A_52 = tpu.memref_slice %arg8[%run_scoped3A_45, %dma_wait3A] : memref<1x128xi32, #tpu.memory_space<vmem>> -> memref<1x128xi32, #tpu.memory_space<vmem>>
        %dma_wait3A_53 = tpu.memref_squeeze %dma_wait3A_52 : memref<1x128xi32, #tpu.memory_space<vmem>> -> memref<128xi32, #tpu.memory_space<vmem>>
        %dma_wait3A_54 = arith.constant 0 : i32
        %dma_wait3A_55 = arith.constant 0 : i32
        %dma_wait3A_56 = tpu.memref_slice %arg10[%dma_wait3A_54, %dma_wait3A_55] : memref<10000x128xf32, #tpu.memory_space<vmem_shared>> -> memref<10000x128xf32, #tpu.memory_space<vmem_shared>>
        tpu.wait_indirect_dma semaphore(%run_scoped3A_46 : memref<!tpu.dma_semaphore, #tpu.memory_space<semaphore_mem>>) src(%arg9 : memref<128x128xf32, #tpu.memory_space<vmem>>) dst(%dma_wait3A_56 : memref<10000x128xf32, #tpu.memory_space<vmem_shared>>)
        tpu.yield
      }) : () -> ()
    }
    %barrier3A_24 = arith.constant 0 : index
    tpu.barrier barrier_id(%barrier3A_24)
    %mul3A_25 = arith.constant 632 : i32
    %mul3A_26 = arith.muli %arg1, %mul3A_25 : i32
    %multiple_of3A_27 = tpu.assume_multiple %mul3A_26, 8 : i32
    %lt3A_28 = arith.constant 15 : i32
    %lt3A_29 = arith.cmpi slt, %arg1, %lt3A_28 : i32
    %convert_element_type3A_30 = arith.extui %lt3A_29 : i1 to i32
    %cond3A_31 = arith.constant 0 : i32
    %cond3A_32 = arith.cmpi ne, %convert_element_type3A_30, %cond3A_31 : i32
    scf.if %cond3A_32 {
      "tpu.region"() ({
        %run_scoped3A = tpu.sem_alloc : memref<!tpu.dma_semaphore, #tpu.memory_space<semaphore_mem>>
        %dma_start3A = arith.constant 0 : i32
        %dma_start3A_38 = tpu.memref_slice %arg6[%arg0, %multiple_of3A_27, %dma_start3A] : memref<2x10000x128xf32, #tpu.memory_space<hbm>> -> memref<1x632x128xf32, #tpu.memory_space<hbm>>
        %dma_start3A_39 = tpu.memref_squeeze %dma_start3A_38 : memref<1x632x128xf32, #tpu.memory_space<hbm>> -> memref<632x128xf32, #tpu.memory_space<hbm>>
        %dma_start3A_40 = arith.constant 0 : i32
        %dma_start3A_41 = tpu.memref_slice %arg10[%multiple_of3A_27, %dma_start3A_40] : memref<10000x128xf32, #tpu.memory_space<vmem_shared>> -> memref<632x128xf32, #tpu.memory_space<vmem_shared>>
        tpu.enqueue_dma source(%dma_start3A_41 : memref<632x128xf32, #tpu.memory_space<vmem_shared>>) target(%dma_start3A_39 : memref<632x128xf32, #tpu.memory_space<hbm>>) target_semaphore(%run_scoped3A : memref<!tpu.dma_semaphore, #tpu.memory_space<semaphore_mem>>)
        %dma_wait3A = arith.constant 0 : i32
        %dma_wait3A_42 = tpu.memref_slice %arg6[%arg0, %multiple_of3A_27, %dma_wait3A] : memref<2x10000x128xf32, #tpu.memory_space<hbm>> -> memref<1x632x128xf32, #tpu.memory_space<hbm>>
        %dma_wait3A_43 = tpu.memref_squeeze %dma_wait3A_42 : memref<1x632x128xf32, #tpu.memory_space<hbm>> -> memref<632x128xf32, #tpu.memory_space<hbm>>
        %dma_wait3A_44 = arith.constant 0 : i32
        %dma_wait3A_45 = tpu.memref_slice %arg10[%multiple_of3A_27, %dma_wait3A_44] : memref<10000x128xf32, #tpu.memory_space<vmem_shared>> -> memref<632x128xf32, #tpu.memory_space<vmem_shared>>
        tpu.wait_dma2 semaphore(%run_scoped3A : memref<!tpu.dma_semaphore, #tpu.memory_space<semaphore_mem>>) src(%dma_wait3A_45 : memref<632x128xf32, #tpu.memory_space<vmem_shared>>) dst(%dma_wait3A_43 : memref<632x128xf32, #tpu.memory_space<hbm>>)
        tpu.yield
      }) : () -> ()
    } else {
    }
    %eq3A_33 = arith.constant 15 : i32
    %eq3A_34 = arith.cmpi eq, %arg1, %eq3A_33 : i32
    %convert_element_type3A_35 = arith.extui %eq3A_34 : i1 to i32
    %cond3A_36 = arith.constant 0 : i32
    %cond3A_37 = arith.cmpi ne, %convert_element_type3A_35, %cond3A_36 : i32
    scf.if %cond3A_37 {
      "tpu.region"() ({
        %run_scoped3A = tpu.sem_alloc : memref<!tpu.dma_semaphore, #tpu.memory_space<semaphore_mem>>
        %dma_start3A = arith.constant 0 : i32
        %dma_start3A_38 = tpu.memref_slice %arg6[%arg0, %multiple_of3A_27, %dma_start3A] : memref<2x10000x128xf32, #tpu.memory_space<hbm>> -> memref<1x520x128xf32, #tpu.memory_space<hbm>>
        %dma_start3A_39 = tpu.memref_squeeze %dma_start3A_38 : memref<1x520x128xf32, #tpu.memory_space<hbm>> -> memref<520x128xf32, #tpu.memory_space<hbm>>
        %dma_start3A_40 = arith.constant 0 : i32
        %dma_start3A_41 = tpu.memref_slice %arg10[%multiple_of3A_27, %dma_start3A_40] : memref<10000x128xf32, #tpu.memory_space<vmem_shared>> -> memref<520x128xf32, #tpu.memory_space<vmem_shared>>
        tpu.enqueue_dma source(%dma_start3A_41 : memref<520x128xf32, #tpu.memory_space<vmem_shared>>) target(%dma_start3A_39 : memref<520x128xf32, #tpu.memory_space<hbm>>) target_semaphore(%run_scoped3A : memref<!tpu.dma_semaphore, #tpu.memory_space<semaphore_mem>>)
        %dma_wait3A = arith.constant 0 : i32
        %dma_wait3A_42 = tpu.memref_slice %arg6[%arg0, %multiple_of3A_27, %dma_wait3A] : memref<2x10000x128xf32, #tpu.memory_space<hbm>> -> memref<1x520x128xf32, #tpu.memory_space<hbm>>
        %dma_wait3A_43 = tpu.memref_squeeze %dma_wait3A_42 : memref<1x520x128xf32, #tpu.memory_space<hbm>> -> memref<520x128xf32, #tpu.memory_space<hbm>>
        %dma_wait3A_44 = arith.constant 0 : i32
        %dma_wait3A_45 = tpu.memref_slice %arg10[%multiple_of3A_27, %dma_wait3A_44] : memref<10000x128xf32, #tpu.memory_space<vmem_shared>> -> memref<520x128xf32, #tpu.memory_space<vmem_shared>>
        tpu.wait_dma2 semaphore(%run_scoped3A : memref<!tpu.dma_semaphore, #tpu.memory_space<semaphore_mem>>) src(%dma_wait3A_45 : memref<520x128xf32, #tpu.memory_space<vmem_shared>>) dst(%dma_wait3A_43 : memref<520x128xf32, #tpu.memory_space<hbm>>)
        tpu.yield
      }) : () -> ()
    } else {
    }
    return
  }
}

#map = affine_map<(d0, d1) -> (0, 0)>
#map1 = affine_map<(d0, d1) -> (0)>
module attributes {stable_mosaic.version = 14 : i64} {
  func.func @k(%arg0: i32, %arg1: i32, %arg2: memref<20000x128xf32, #tpu.memory_space<hbm>>, %arg3: memref<640000xi32, #tpu.memory_space<hbm>>, %arg4: memref<160000x128xf32, #tpu.memory_space<hbm>>, %arg5: memref<20000x128xf32, #tpu.memory_space<hbm>>, %arg6: memref<160000x128xf32, #tpu.memory_space<hbm>>, %arg7: memref<1x128xi32, #tpu.memory_space<vmem>>, %arg8: memref<128x128xf32, #tpu.memory_space<vmem>>) attributes {dimension_semantics = [#tpu.dimension_semantics<core_parallel>, #tpu.dimension_semantics<subcore_parallel>], iteration_bounds = array<i64: 2, 16>, scalar_prefetch = 0 : i64, scratch_operands = 2 : i64, tpu.core_type = #tpu.core_type<sc_vector_subcore>, window_params = [{transform_indices = #map}, {transform_indices = #map1}, {transform_indices = #map}, {transform_indices = #map}, {transform_indices = #map}]} {
    %mul3A = arith.constant 2 : i32
    %mul3A_0 = arith.muli %arg1, %mul3A : i32
    %add3A = arith.addi %mul3A_0, %arg0 : i32
    %sub3A = arith.constant 1250 : i32
    %sub3A_1 = arith.subi %sub3A, %add3A : i32
    %sub3A_2 = arith.constant 32 : i32
    %sub3A_3 = arith.constant 1 : i32
    %sub3A_4 = arith.subi %sub3A_2, %sub3A_3 : i32
    %add3A_5 = arith.addi %sub3A_1, %sub3A_4 : i32
    %div3A = arith.constant 32 : i32
    %div3A_6 = arith.divsi %add3A_5, %div3A : i32
    %while3A = arith.constant 32 : i32
    %while3A_7 = arith.constant 0 : i32
    %while3A_8 = arith.subi %div3A_6, %while3A_7 : i32
    %while3A_9 = arith.addi %while3A_7, %while3A_8 : i32
    %while3A_10 = arith.constant 1 : i32
    %while3A_11 = arith.divsi %while3A_8, %while3A_10 : i32
    %while3A_12 = arith.muli %while3A_11, %while3A_10 : i32
    %while3A_13 = arith.addi %while3A_7, %while3A_12 : i32
    %while3A_14 = arith.constant 1 : i32
    scf.for %while3A_16 = %while3A_7 to %while3A_13 step %while3A_14  : i32 {
      %mul3A_17 = arith.muli %while3A_16, %while3A : i32
      %add3A_18 = arith.addi %add3A, %mul3A_17 : i32
      %lt3A = arith.constant 625 : i32
      %lt3A_19 = arith.cmpi slt, %add3A_18, %lt3A : i32
      %add3A_20 = arith.constant 625 : i32
      %add3A_21 = arith.addi %add3A_20, %add3A_18 : i32
      %sub3A_22 = arith.constant 625 : i32
      %sub3A_23 = arith.subi %add3A_18, %sub3A_22 : i32
      %add3A_24 = arith.constant 3125 : i32
      %add3A_25 = arith.addi %add3A_24, %sub3A_23 : i32
      %select_n3A = arith.select %lt3A_19, %add3A_21, %add3A_25 : i32
      %mul3A_26 = arith.constant 128 : i32
      %mul3A_27 = arith.muli %select_n3A, %mul3A_26 : i32
      %run_scoped3A = arith.constant 0 : i32
      "tpu.region"() ({
        %run_scoped3A_31 = tpu.sem_alloc : memref<!tpu.dma_semaphore, #tpu.memory_space<semaphore_mem>>
        %dma_start3A = arith.constant 0 : i32
        %dma_start3A_32 = tpu.memref_slice %arg7[%run_scoped3A, %dma_start3A] : memref<1x128xi32, #tpu.memory_space<vmem>> -> memref<1x128xi32, #tpu.memory_space<vmem>>
        %dma_start3A_33 = tpu.memref_squeeze %dma_start3A_32 : memref<1x128xi32, #tpu.memory_space<vmem>> -> memref<128xi32, #tpu.memory_space<vmem>>
        %dma_start3A_34 = tpu.memref_slice %arg3[%mul3A_27] : memref<640000xi32, #tpu.memory_space<hbm>> -> memref<128xi32, #tpu.memory_space<hbm>>
        %dma_start3A_35 = arith.constant 0 : i32
        %dma_start3A_36 = tpu.memref_slice %arg7[%run_scoped3A, %dma_start3A_35] : memref<1x128xi32, #tpu.memory_space<vmem>> -> memref<1x128xi32, #tpu.memory_space<vmem>>
        %dma_start3A_37 = tpu.memref_squeeze %dma_start3A_36 : memref<1x128xi32, #tpu.memory_space<vmem>> -> memref<128xi32, #tpu.memory_space<vmem>>
        %dma_start3A_38 = tpu.memref_slice %arg3[%mul3A_27] : memref<640000xi32, #tpu.memory_space<hbm>> -> memref<128xi32, #tpu.memory_space<hbm>>
        tpu.enqueue_dma source(%dma_start3A_38 : memref<128xi32, #tpu.memory_space<hbm>>) target(%dma_start3A_37 : memref<128xi32, #tpu.memory_space<vmem>>) target_semaphore(%run_scoped3A_31 : memref<!tpu.dma_semaphore, #tpu.memory_space<semaphore_mem>>)
        %dma_wait3A = arith.constant 0 : i32
        %dma_wait3A_39 = tpu.memref_slice %arg7[%run_scoped3A, %dma_wait3A] : memref<1x128xi32, #tpu.memory_space<vmem>> -> memref<1x128xi32, #tpu.memory_space<vmem>>
        %dma_wait3A_40 = tpu.memref_squeeze %dma_wait3A_39 : memref<1x128xi32, #tpu.memory_space<vmem>> -> memref<128xi32, #tpu.memory_space<vmem>>
        %dma_wait3A_41 = tpu.memref_slice %arg3[%mul3A_27] : memref<640000xi32, #tpu.memory_space<hbm>> -> memref<128xi32, #tpu.memory_space<hbm>>
        %dma_wait3A_42 = arith.constant 0 : i32
        %dma_wait3A_43 = tpu.memref_slice %arg7[%run_scoped3A, %dma_wait3A_42] : memref<1x128xi32, #tpu.memory_space<vmem>> -> memref<1x128xi32, #tpu.memory_space<vmem>>
        %dma_wait3A_44 = tpu.memref_squeeze %dma_wait3A_43 : memref<1x128xi32, #tpu.memory_space<vmem>> -> memref<128xi32, #tpu.memory_space<vmem>>
        %dma_wait3A_45 = tpu.memref_slice %arg3[%mul3A_27] : memref<640000xi32, #tpu.memory_space<hbm>> -> memref<128xi32, #tpu.memory_space<hbm>>
        tpu.wait_dma2 semaphore(%run_scoped3A_31 : memref<!tpu.dma_semaphore, #tpu.memory_space<semaphore_mem>>) src(%dma_wait3A_45 : memref<128xi32, #tpu.memory_space<hbm>>) dst(%dma_wait3A_44 : memref<128xi32, #tpu.memory_space<vmem>>)
        tpu.yield
      }) : () -> ()
      %run_scoped3A_28 = arith.constant 0 : i32
      "tpu.region"() ({
        %run_scoped3A_31 = tpu.sem_alloc : memref<!tpu.dma_semaphore, #tpu.memory_space<semaphore_mem>>
        %dma_start3A = arith.constant 0 : i32
        %dma_start3A_32 = tpu.memref_slice %arg7[%run_scoped3A_28, %dma_start3A] : memref<1x128xi32, #tpu.memory_space<vmem>> -> memref<1x128xi32, #tpu.memory_space<vmem>>
        %dma_start3A_33 = tpu.memref_squeeze %dma_start3A_32 : memref<1x128xi32, #tpu.memory_space<vmem>> -> memref<128xi32, #tpu.memory_space<vmem>>
        %dma_start3A_34 = arith.constant 0 : i32
        %dma_start3A_35 = arith.constant 0 : i32
        %dma_start3A_36 = tpu.memref_slice %arg2[%dma_start3A_34, %dma_start3A_35] : memref<20000x128xf32, #tpu.memory_space<hbm>> -> memref<20000x128xf32, #tpu.memory_space<hbm>>
        tpu.enqueue_indirect_dma source(%dma_start3A_36 : memref<20000x128xf32, #tpu.memory_space<hbm>>) target(%arg8 : memref<128x128xf32, #tpu.memory_space<vmem>>) offsets(%dma_start3A_33 : memref<128xi32, #tpu.memory_space<vmem>>) semaphore(%run_scoped3A_31 : memref<!tpu.dma_semaphore, #tpu.memory_space<semaphore_mem>>)
        %dma_wait3A = arith.constant 0 : i32
        %dma_wait3A_37 = tpu.memref_slice %arg7[%run_scoped3A_28, %dma_wait3A] : memref<1x128xi32, #tpu.memory_space<vmem>> -> memref<1x128xi32, #tpu.memory_space<vmem>>
        %dma_wait3A_38 = tpu.memref_squeeze %dma_wait3A_37 : memref<1x128xi32, #tpu.memory_space<vmem>> -> memref<128xi32, #tpu.memory_space<vmem>>
        %dma_wait3A_39 = arith.constant 0 : i32
        %dma_wait3A_40 = arith.constant 0 : i32
        %dma_wait3A_41 = tpu.memref_slice %arg2[%dma_wait3A_39, %dma_wait3A_40] : memref<20000x128xf32, #tpu.memory_space<hbm>> -> memref<20000x128xf32, #tpu.memory_space<hbm>>
        tpu.wait_indirect_dma semaphore(%run_scoped3A_31 : memref<!tpu.dma_semaphore, #tpu.memory_space<semaphore_mem>>) src(%dma_wait3A_41 : memref<20000x128xf32, #tpu.memory_space<hbm>>) dst(%arg8 : memref<128x128xf32, #tpu.memory_space<vmem>>)
        tpu.yield
      }) : () -> ()
      %mul3A_29 = arith.constant 128 : i32
      %mul3A_30 = arith.muli %add3A_18, %mul3A_29 : i32
      "tpu.region"() ({
        %run_scoped3A_31 = tpu.sem_alloc : memref<!tpu.dma_semaphore, #tpu.memory_space<semaphore_mem>>
        %dma_start3A = arith.constant 0 : i32
        %dma_start3A_32 = tpu.memref_slice %arg6[%mul3A_30, %dma_start3A] : memref<160000x128xf32, #tpu.memory_space<hbm>> -> memref<128x128xf32, #tpu.memory_space<hbm>>
        %dma_start3A_33 = arith.constant 0 : i32
        %dma_start3A_34 = tpu.memref_slice %arg6[%mul3A_30, %dma_start3A_33] : memref<160000x128xf32, #tpu.memory_space<hbm>> -> memref<128x128xf32, #tpu.memory_space<hbm>>
        tpu.enqueue_dma source(%arg8 : memref<128x128xf32, #tpu.memory_space<vmem>>) target(%dma_start3A_34 : memref<128x128xf32, #tpu.memory_space<hbm>>) target_semaphore(%run_scoped3A_31 : memref<!tpu.dma_semaphore, #tpu.memory_space<semaphore_mem>>)
        %dma_wait3A = arith.constant 0 : i32
        %dma_wait3A_35 = tpu.memref_slice %arg6[%mul3A_30, %dma_wait3A] : memref<160000x128xf32, #tpu.memory_space<hbm>> -> memref<128x128xf32, #tpu.memory_space<hbm>>
        %dma_wait3A_36 = arith.constant 0 : i32
        %dma_wait3A_37 = tpu.memref_slice %arg6[%mul3A_30, %dma_wait3A_36] : memref<160000x128xf32, #tpu.memory_space<hbm>> -> memref<128x128xf32, #tpu.memory_space<hbm>>
        tpu.wait_dma2 semaphore(%run_scoped3A_31 : memref<!tpu.dma_semaphore, #tpu.memory_space<semaphore_mem>>) src(%arg8 : memref<128x128xf32, #tpu.memory_space<vmem>>) dst(%dma_wait3A_37 : memref<128x128xf32, #tpu.memory_space<hbm>>)
        tpu.yield
      }) : () -> ()
    }
    %while3A_15 = arith.constant 1 : i32
    scf.for %while3A_16 = %while3A_13 to %while3A_9 step %while3A_15  : i32 {
      %mul3A_17 = arith.muli %while3A_16, %while3A : i32
      %add3A_18 = arith.addi %add3A, %mul3A_17 : i32
      %lt3A = arith.constant 625 : i32
      %lt3A_19 = arith.cmpi slt, %add3A_18, %lt3A : i32
      %add3A_20 = arith.constant 625 : i32
      %add3A_21 = arith.addi %add3A_20, %add3A_18 : i32
      %sub3A_22 = arith.constant 625 : i32
      %sub3A_23 = arith.subi %add3A_18, %sub3A_22 : i32
      %add3A_24 = arith.constant 3125 : i32
      %add3A_25 = arith.addi %add3A_24, %sub3A_23 : i32
      %select_n3A = arith.select %lt3A_19, %add3A_21, %add3A_25 : i32
      %mul3A_26 = arith.constant 128 : i32
      %mul3A_27 = arith.muli %select_n3A, %mul3A_26 : i32
      %run_scoped3A = arith.constant 0 : i32
      "tpu.region"() ({
        %run_scoped3A_31 = tpu.sem_alloc : memref<!tpu.dma_semaphore, #tpu.memory_space<semaphore_mem>>
        %dma_start3A = arith.constant 0 : i32
        %dma_start3A_32 = tpu.memref_slice %arg7[%run_scoped3A, %dma_start3A] : memref<1x128xi32, #tpu.memory_space<vmem>> -> memref<1x128xi32, #tpu.memory_space<vmem>>
        %dma_start3A_33 = tpu.memref_squeeze %dma_start3A_32 : memref<1x128xi32, #tpu.memory_space<vmem>> -> memref<128xi32, #tpu.memory_space<vmem>>
        %dma_start3A_34 = tpu.memref_slice %arg3[%mul3A_27] : memref<640000xi32, #tpu.memory_space<hbm>> -> memref<128xi32, #tpu.memory_space<hbm>>
        %dma_start3A_35 = arith.constant 0 : i32
        %dma_start3A_36 = tpu.memref_slice %arg7[%run_scoped3A, %dma_start3A_35] : memref<1x128xi32, #tpu.memory_space<vmem>> -> memref<1x128xi32, #tpu.memory_space<vmem>>
        %dma_start3A_37 = tpu.memref_squeeze %dma_start3A_36 : memref<1x128xi32, #tpu.memory_space<vmem>> -> memref<128xi32, #tpu.memory_space<vmem>>
        %dma_start3A_38 = tpu.memref_slice %arg3[%mul3A_27] : memref<640000xi32, #tpu.memory_space<hbm>> -> memref<128xi32, #tpu.memory_space<hbm>>
        tpu.enqueue_dma source(%dma_start3A_38 : memref<128xi32, #tpu.memory_space<hbm>>) target(%dma_start3A_37 : memref<128xi32, #tpu.memory_space<vmem>>) target_semaphore(%run_scoped3A_31 : memref<!tpu.dma_semaphore, #tpu.memory_space<semaphore_mem>>)
        %dma_wait3A = arith.constant 0 : i32
        %dma_wait3A_39 = tpu.memref_slice %arg7[%run_scoped3A, %dma_wait3A] : memref<1x128xi32, #tpu.memory_space<vmem>> -> memref<1x128xi32, #tpu.memory_space<vmem>>
        %dma_wait3A_40 = tpu.memref_squeeze %dma_wait3A_39 : memref<1x128xi32, #tpu.memory_space<vmem>> -> memref<128xi32, #tpu.memory_space<vmem>>
        %dma_wait3A_41 = tpu.memref_slice %arg3[%mul3A_27] : memref<640000xi32, #tpu.memory_space<hbm>> -> memref<128xi32, #tpu.memory_space<hbm>>
        %dma_wait3A_42 = arith.constant 0 : i32
        %dma_wait3A_43 = tpu.memref_slice %arg7[%run_scoped3A, %dma_wait3A_42] : memref<1x128xi32, #tpu.memory_space<vmem>> -> memref<1x128xi32, #tpu.memory_space<vmem>>
        %dma_wait3A_44 = tpu.memref_squeeze %dma_wait3A_43 : memref<1x128xi32, #tpu.memory_space<vmem>> -> memref<128xi32, #tpu.memory_space<vmem>>
        %dma_wait3A_45 = tpu.memref_slice %arg3[%mul3A_27] : memref<640000xi32, #tpu.memory_space<hbm>> -> memref<128xi32, #tpu.memory_space<hbm>>
        tpu.wait_dma2 semaphore(%run_scoped3A_31 : memref<!tpu.dma_semaphore, #tpu.memory_space<semaphore_mem>>) src(%dma_wait3A_45 : memref<128xi32, #tpu.memory_space<hbm>>) dst(%dma_wait3A_44 : memref<128xi32, #tpu.memory_space<vmem>>)
        tpu.yield
      }) : () -> ()
      %run_scoped3A_28 = arith.constant 0 : i32
      "tpu.region"() ({
        %run_scoped3A_31 = tpu.sem_alloc : memref<!tpu.dma_semaphore, #tpu.memory_space<semaphore_mem>>
        %dma_start3A = arith.constant 0 : i32
        %dma_start3A_32 = tpu.memref_slice %arg7[%run_scoped3A_28, %dma_start3A] : memref<1x128xi32, #tpu.memory_space<vmem>> -> memref<1x128xi32, #tpu.memory_space<vmem>>
        %dma_start3A_33 = tpu.memref_squeeze %dma_start3A_32 : memref<1x128xi32, #tpu.memory_space<vmem>> -> memref<128xi32, #tpu.memory_space<vmem>>
        %dma_start3A_34 = arith.constant 0 : i32
        %dma_start3A_35 = arith.constant 0 : i32
        %dma_start3A_36 = tpu.memref_slice %arg2[%dma_start3A_34, %dma_start3A_35] : memref<20000x128xf32, #tpu.memory_space<hbm>> -> memref<20000x128xf32, #tpu.memory_space<hbm>>
        tpu.enqueue_indirect_dma source(%dma_start3A_36 : memref<20000x128xf32, #tpu.memory_space<hbm>>) target(%arg8 : memref<128x128xf32, #tpu.memory_space<vmem>>) offsets(%dma_start3A_33 : memref<128xi32, #tpu.memory_space<vmem>>) semaphore(%run_scoped3A_31 : memref<!tpu.dma_semaphore, #tpu.memory_space<semaphore_mem>>)
        %dma_wait3A = arith.constant 0 : i32
        %dma_wait3A_37 = tpu.memref_slice %arg7[%run_scoped3A_28, %dma_wait3A] : memref<1x128xi32, #tpu.memory_space<vmem>> -> memref<1x128xi32, #tpu.memory_space<vmem>>
        %dma_wait3A_38 = tpu.memref_squeeze %dma_wait3A_37 : memref<1x128xi32, #tpu.memory_space<vmem>> -> memref<128xi32, #tpu.memory_space<vmem>>
        %dma_wait3A_39 = arith.constant 0 : i32
        %dma_wait3A_40 = arith.constant 0 : i32
        %dma_wait3A_41 = tpu.memref_slice %arg2[%dma_wait3A_39, %dma_wait3A_40] : memref<20000x128xf32, #tpu.memory_space<hbm>> -> memref<20000x128xf32, #tpu.memory_space<hbm>>
        tpu.wait_indirect_dma semaphore(%run_scoped3A_31 : memref<!tpu.dma_semaphore, #tpu.memory_space<semaphore_mem>>) src(%dma_wait3A_41 : memref<20000x128xf32, #tpu.memory_space<hbm>>) dst(%arg8 : memref<128x128xf32, #tpu.memory_space<vmem>>)
        tpu.yield
      }) : () -> ()
      %mul3A_29 = arith.constant 128 : i32
      %mul3A_30 = arith.muli %add3A_18, %mul3A_29 : i32
      "tpu.region"() ({
        %run_scoped3A_31 = tpu.sem_alloc : memref<!tpu.dma_semaphore, #tpu.memory_space<semaphore_mem>>
        %dma_start3A = arith.constant 0 : i32
        %dma_start3A_32 = tpu.memref_slice %arg6[%mul3A_30, %dma_start3A] : memref<160000x128xf32, #tpu.memory_space<hbm>> -> memref<128x128xf32, #tpu.memory_space<hbm>>
        %dma_start3A_33 = arith.constant 0 : i32
        %dma_start3A_34 = tpu.memref_slice %arg6[%mul3A_30, %dma_start3A_33] : memref<160000x128xf32, #tpu.memory_space<hbm>> -> memref<128x128xf32, #tpu.memory_space<hbm>>
        tpu.enqueue_dma source(%arg8 : memref<128x128xf32, #tpu.memory_space<vmem>>) target(%dma_start3A_34 : memref<128x128xf32, #tpu.memory_space<hbm>>) target_semaphore(%run_scoped3A_31 : memref<!tpu.dma_semaphore, #tpu.memory_space<semaphore_mem>>)
        %dma_wait3A = arith.constant 0 : i32
        %dma_wait3A_35 = tpu.memref_slice %arg6[%mul3A_30, %dma_wait3A] : memref<160000x128xf32, #tpu.memory_space<hbm>> -> memref<128x128xf32, #tpu.memory_space<hbm>>
        %dma_wait3A_36 = arith.constant 0 : i32
        %dma_wait3A_37 = tpu.memref_slice %arg6[%mul3A_30, %dma_wait3A_36] : memref<160000x128xf32, #tpu.memory_space<hbm>> -> memref<128x128xf32, #tpu.memory_space<hbm>>
        tpu.wait_dma2 semaphore(%run_scoped3A_31 : memref<!tpu.dma_semaphore, #tpu.memory_space<semaphore_mem>>) src(%arg8 : memref<128x128xf32, #tpu.memory_space<vmem>>) dst(%dma_wait3A_37 : memref<128x128xf32, #tpu.memory_space<hbm>>)
        tpu.yield
      }) : () -> ()
    }
    return
  }
}

#map = affine_map<(d0, d1) -> (0, 0)>
#map1 = affine_map<(d0, d1) -> (0)>
module attributes {stable_mosaic.version = 14 : i64} {
  func.func @k(%arg0: i32, %arg1: i32, %arg2: memref<20000x128xf32, #tpu.memory_space<hbm>>, %arg3: memref<640000xi32, #tpu.memory_space<hbm>>, %arg4: memref<160000x128xf32, #tpu.memory_space<hbm>>, %arg5: memref<80000x1xf32, #tpu.memory_space<hbm>>, %arg6: memref<160000x128xf32, #tpu.memory_space<hbm>>, %arg7: memref<1x128xi32, #tpu.memory_space<vmem>>, %arg8: memref<128x128xf32, #tpu.memory_space<vmem>>) attributes {dimension_semantics = [#tpu.dimension_semantics<core_parallel>, #tpu.dimension_semantics<subcore_parallel>], iteration_bounds = array<i64: 2, 16>, scalar_prefetch = 0 : i64, scratch_operands = 2 : i64, tpu.core_type = #tpu.core_type<sc_vector_subcore>, window_params = [{transform_indices = #map}, {transform_indices = #map1}, {transform_indices = #map}, {transform_indices = #map}, {transform_indices = #map}]} {
    %mul3A = arith.constant 2 : i32
    %mul3A_0 = arith.muli %arg1, %mul3A : i32
    %add3A = arith.addi %mul3A_0, %arg0 : i32
    %sub3A = arith.constant 1250 : i32
    %sub3A_1 = arith.subi %sub3A, %add3A : i32
    %sub3A_2 = arith.constant 32 : i32
    %sub3A_3 = arith.constant 1 : i32
    %sub3A_4 = arith.subi %sub3A_2, %sub3A_3 : i32
    %add3A_5 = arith.addi %sub3A_1, %sub3A_4 : i32
    %div3A = arith.constant 32 : i32
    %div3A_6 = arith.divsi %add3A_5, %div3A : i32
    %while3A = arith.constant 32 : i32
    %while3A_7 = arith.constant 0 : i32
    %while3A_8 = arith.subi %div3A_6, %while3A_7 : i32
    %while3A_9 = arith.addi %while3A_7, %while3A_8 : i32
    %while3A_10 = arith.constant 1 : i32
    %while3A_11 = arith.divsi %while3A_8, %while3A_10 : i32
    %while3A_12 = arith.muli %while3A_11, %while3A_10 : i32
    %while3A_13 = arith.addi %while3A_7, %while3A_12 : i32
    %while3A_14 = arith.constant 1 : i32
    scf.for %while3A_16 = %while3A_7 to %while3A_13 step %while3A_14  : i32 {
      %mul3A_17 = arith.muli %while3A_16, %while3A : i32
      %add3A_18 = arith.addi %add3A, %mul3A_17 : i32
      %lt3A = arith.constant 625 : i32
      %lt3A_19 = arith.cmpi slt, %add3A_18, %lt3A : i32
      %add3A_20 = arith.constant 1250 : i32
      %add3A_21 = arith.addi %add3A_20, %add3A_18 : i32
      %sub3A_22 = arith.constant 625 : i32
      %sub3A_23 = arith.subi %add3A_18, %sub3A_22 : i32
      %add3A_24 = arith.constant 3750 : i32
      %add3A_25 = arith.addi %add3A_24, %sub3A_23 : i32
      %select_n3A = arith.select %lt3A_19, %add3A_21, %add3A_25 : i32
      %mul3A_26 = arith.constant 128 : i32
      %mul3A_27 = arith.muli %select_n3A, %mul3A_26 : i32
      %run_scoped3A = arith.constant 0 : i32
      "tpu.region"() ({
        %run_scoped3A_31 = tpu.sem_alloc : memref<!tpu.dma_semaphore, #tpu.memory_space<semaphore_mem>>
        %dma_start3A = arith.constant 0 : i32
        %dma_start3A_32 = tpu.memref_slice %arg7[%run_scoped3A, %dma_start3A] : memref<1x128xi32, #tpu.memory_space<vmem>> -> memref<1x128xi32, #tpu.memory_space<vmem>>
        %dma_start3A_33 = tpu.memref_squeeze %dma_start3A_32 : memref<1x128xi32, #tpu.memory_space<vmem>> -> memref<128xi32, #tpu.memory_space<vmem>>
        %dma_start3A_34 = tpu.memref_slice %arg3[%mul3A_27] : memref<640000xi32, #tpu.memory_space<hbm>> -> memref<128xi32, #tpu.memory_space<hbm>>
        %dma_start3A_35 = arith.constant 0 : i32
        %dma_start3A_36 = tpu.memref_slice %arg7[%run_scoped3A, %dma_start3A_35] : memref<1x128xi32, #tpu.memory_space<vmem>> -> memref<1x128xi32, #tpu.memory_space<vmem>>
        %dma_start3A_37 = tpu.memref_squeeze %dma_start3A_36 : memref<1x128xi32, #tpu.memory_space<vmem>> -> memref<128xi32, #tpu.memory_space<vmem>>
        %dma_start3A_38 = tpu.memref_slice %arg3[%mul3A_27] : memref<640000xi32, #tpu.memory_space<hbm>> -> memref<128xi32, #tpu.memory_space<hbm>>
        tpu.enqueue_dma source(%dma_start3A_38 : memref<128xi32, #tpu.memory_space<hbm>>) target(%dma_start3A_37 : memref<128xi32, #tpu.memory_space<vmem>>) target_semaphore(%run_scoped3A_31 : memref<!tpu.dma_semaphore, #tpu.memory_space<semaphore_mem>>)
        %dma_wait3A = arith.constant 0 : i32
        %dma_wait3A_39 = tpu.memref_slice %arg7[%run_scoped3A, %dma_wait3A] : memref<1x128xi32, #tpu.memory_space<vmem>> -> memref<1x128xi32, #tpu.memory_space<vmem>>
        %dma_wait3A_40 = tpu.memref_squeeze %dma_wait3A_39 : memref<1x128xi32, #tpu.memory_space<vmem>> -> memref<128xi32, #tpu.memory_space<vmem>>
        %dma_wait3A_41 = tpu.memref_slice %arg3[%mul3A_27] : memref<640000xi32, #tpu.memory_space<hbm>> -> memref<128xi32, #tpu.memory_space<hbm>>
        %dma_wait3A_42 = arith.constant 0 : i32
        %dma_wait3A_43 = tpu.memref_slice %arg7[%run_scoped3A, %dma_wait3A_42] : memref<1x128xi32, #tpu.memory_space<vmem>> -> memref<1x128xi32, #tpu.memory_space<vmem>>
        %dma_wait3A_44 = tpu.memref_squeeze %dma_wait3A_43 : memref<1x128xi32, #tpu.memory_space<vmem>> -> memref<128xi32, #tpu.memory_space<vmem>>
        %dma_wait3A_45 = tpu.memref_slice %arg3[%mul3A_27] : memref<640000xi32, #tpu.memory_space<hbm>> -> memref<128xi32, #tpu.memory_space<hbm>>
        tpu.wait_dma2 semaphore(%run_scoped3A_31 : memref<!tpu.dma_semaphore, #tpu.memory_space<semaphore_mem>>) src(%dma_wait3A_45 : memref<128xi32, #tpu.memory_space<hbm>>) dst(%dma_wait3A_44 : memref<128xi32, #tpu.memory_space<vmem>>)
        tpu.yield
      }) : () -> ()
      %run_scoped3A_28 = arith.constant 0 : i32
      "tpu.region"() ({
        %run_scoped3A_31 = tpu.sem_alloc : memref<!tpu.dma_semaphore, #tpu.memory_space<semaphore_mem>>
        %dma_start3A = arith.constant 0 : i32
        %dma_start3A_32 = tpu.memref_slice %arg7[%run_scoped3A_28, %dma_start3A] : memref<1x128xi32, #tpu.memory_space<vmem>> -> memref<1x128xi32, #tpu.memory_space<vmem>>
        %dma_start3A_33 = tpu.memref_squeeze %dma_start3A_32 : memref<1x128xi32, #tpu.memory_space<vmem>> -> memref<128xi32, #tpu.memory_space<vmem>>
        %dma_start3A_34 = arith.constant 0 : i32
        %dma_start3A_35 = arith.constant 0 : i32
        %dma_start3A_36 = tpu.memref_slice %arg2[%dma_start3A_34, %dma_start3A_35] : memref<20000x128xf32, #tpu.memory_space<hbm>> -> memref<20000x128xf32, #tpu.memory_space<hbm>>
        tpu.enqueue_indirect_dma source(%dma_start3A_36 : memref<20000x128xf32, #tpu.memory_space<hbm>>) target(%arg8 : memref<128x128xf32, #tpu.memory_space<vmem>>) offsets(%dma_start3A_33 : memref<128xi32, #tpu.memory_space<vmem>>) semaphore(%run_scoped3A_31 : memref<!tpu.dma_semaphore, #tpu.memory_space<semaphore_mem>>)
        %dma_wait3A = arith.constant 0 : i32
        %dma_wait3A_37 = tpu.memref_slice %arg7[%run_scoped3A_28, %dma_wait3A] : memref<1x128xi32, #tpu.memory_space<vmem>> -> memref<1x128xi32, #tpu.memory_space<vmem>>
        %dma_wait3A_38 = tpu.memref_squeeze %dma_wait3A_37 : memref<1x128xi32, #tpu.memory_space<vmem>> -> memref<128xi32, #tpu.memory_space<vmem>>
        %dma_wait3A_39 = arith.constant 0 : i32
        %dma_wait3A_40 = arith.constant 0 : i32
        %dma_wait3A_41 = tpu.memref_slice %arg2[%dma_wait3A_39, %dma_wait3A_40] : memref<20000x128xf32, #tpu.memory_space<hbm>> -> memref<20000x128xf32, #tpu.memory_space<hbm>>
        tpu.wait_indirect_dma semaphore(%run_scoped3A_31 : memref<!tpu.dma_semaphore, #tpu.memory_space<semaphore_mem>>) src(%dma_wait3A_41 : memref<20000x128xf32, #tpu.memory_space<hbm>>) dst(%arg8 : memref<128x128xf32, #tpu.memory_space<vmem>>)
        tpu.yield
      }) : () -> ()
      %mul3A_29 = arith.constant 128 : i32
      %mul3A_30 = arith.muli %add3A_18, %mul3A_29 : i32
      "tpu.region"() ({
        %run_scoped3A_31 = tpu.sem_alloc : memref<!tpu.dma_semaphore, #tpu.memory_space<semaphore_mem>>
        %dma_start3A = arith.constant 0 : i32
        %dma_start3A_32 = tpu.memref_slice %arg6[%mul3A_30, %dma_start3A] : memref<160000x128xf32, #tpu.memory_space<hbm>> -> memref<128x128xf32, #tpu.memory_space<hbm>>
        %dma_start3A_33 = arith.constant 0 : i32
        %dma_start3A_34 = tpu.memref_slice %arg6[%mul3A_30, %dma_start3A_33] : memref<160000x128xf32, #tpu.memory_space<hbm>> -> memref<128x128xf32, #tpu.memory_space<hbm>>
        tpu.enqueue_dma source(%arg8 : memref<128x128xf32, #tpu.memory_space<vmem>>) target(%dma_start3A_34 : memref<128x128xf32, #tpu.memory_space<hbm>>) target_semaphore(%run_scoped3A_31 : memref<!tpu.dma_semaphore, #tpu.memory_space<semaphore_mem>>)
        %dma_wait3A = arith.constant 0 : i32
        %dma_wait3A_35 = tpu.memref_slice %arg6[%mul3A_30, %dma_wait3A] : memref<160000x128xf32, #tpu.memory_space<hbm>> -> memref<128x128xf32, #tpu.memory_space<hbm>>
        %dma_wait3A_36 = arith.constant 0 : i32
        %dma_wait3A_37 = tpu.memref_slice %arg6[%mul3A_30, %dma_wait3A_36] : memref<160000x128xf32, #tpu.memory_space<hbm>> -> memref<128x128xf32, #tpu.memory_space<hbm>>
        tpu.wait_dma2 semaphore(%run_scoped3A_31 : memref<!tpu.dma_semaphore, #tpu.memory_space<semaphore_mem>>) src(%arg8 : memref<128x128xf32, #tpu.memory_space<vmem>>) dst(%dma_wait3A_37 : memref<128x128xf32, #tpu.memory_space<hbm>>)
        tpu.yield
      }) : () -> ()
    }
    %while3A_15 = arith.constant 1 : i32
    scf.for %while3A_16 = %while3A_13 to %while3A_9 step %while3A_15  : i32 {
      %mul3A_17 = arith.muli %while3A_16, %while3A : i32
      %add3A_18 = arith.addi %add3A, %mul3A_17 : i32
      %lt3A = arith.constant 625 : i32
      %lt3A_19 = arith.cmpi slt, %add3A_18, %lt3A : i32
      %add3A_20 = arith.constant 1250 : i32
      %add3A_21 = arith.addi %add3A_20, %add3A_18 : i32
      %sub3A_22 = arith.constant 625 : i32
      %sub3A_23 = arith.subi %add3A_18, %sub3A_22 : i32
      %add3A_24 = arith.constant 3750 : i32
      %add3A_25 = arith.addi %add3A_24, %sub3A_23 : i32
      %select_n3A = arith.select %lt3A_19, %add3A_21, %add3A_25 : i32
      %mul3A_26 = arith.constant 128 : i32
      %mul3A_27 = arith.muli %select_n3A, %mul3A_26 : i32
      %run_scoped3A = arith.constant 0 : i32
      "tpu.region"() ({
        %run_scoped3A_31 = tpu.sem_alloc : memref<!tpu.dma_semaphore, #tpu.memory_space<semaphore_mem>>
        %dma_start3A = arith.constant 0 : i32
        %dma_start3A_32 = tpu.memref_slice %arg7[%run_scoped3A, %dma_start3A] : memref<1x128xi32, #tpu.memory_space<vmem>> -> memref<1x128xi32, #tpu.memory_space<vmem>>
        %dma_start3A_33 = tpu.memref_squeeze %dma_start3A_32 : memref<1x128xi32, #tpu.memory_space<vmem>> -> memref<128xi32, #tpu.memory_space<vmem>>
        %dma_start3A_34 = tpu.memref_slice %arg3[%mul3A_27] : memref<640000xi32, #tpu.memory_space<hbm>> -> memref<128xi32, #tpu.memory_space<hbm>>
        %dma_start3A_35 = arith.constant 0 : i32
        %dma_start3A_36 = tpu.memref_slice %arg7[%run_scoped3A, %dma_start3A_35] : memref<1x128xi32, #tpu.memory_space<vmem>> -> memref<1x128xi32, #tpu.memory_space<vmem>>
        %dma_start3A_37 = tpu.memref_squeeze %dma_start3A_36 : memref<1x128xi32, #tpu.memory_space<vmem>> -> memref<128xi32, #tpu.memory_space<vmem>>
        %dma_start3A_38 = tpu.memref_slice %arg3[%mul3A_27] : memref<640000xi32, #tpu.memory_space<hbm>> -> memref<128xi32, #tpu.memory_space<hbm>>
        tpu.enqueue_dma source(%dma_start3A_38 : memref<128xi32, #tpu.memory_space<hbm>>) target(%dma_start3A_37 : memref<128xi32, #tpu.memory_space<vmem>>) target_semaphore(%run_scoped3A_31 : memref<!tpu.dma_semaphore, #tpu.memory_space<semaphore_mem>>)
        %dma_wait3A = arith.constant 0 : i32
        %dma_wait3A_39 = tpu.memref_slice %arg7[%run_scoped3A, %dma_wait3A] : memref<1x128xi32, #tpu.memory_space<vmem>> -> memref<1x128xi32, #tpu.memory_space<vmem>>
        %dma_wait3A_40 = tpu.memref_squeeze %dma_wait3A_39 : memref<1x128xi32, #tpu.memory_space<vmem>> -> memref<128xi32, #tpu.memory_space<vmem>>
        %dma_wait3A_41 = tpu.memref_slice %arg3[%mul3A_27] : memref<640000xi32, #tpu.memory_space<hbm>> -> memref<128xi32, #tpu.memory_space<hbm>>
        %dma_wait3A_42 = arith.constant 0 : i32
        %dma_wait3A_43 = tpu.memref_slice %arg7[%run_scoped3A, %dma_wait3A_42] : memref<1x128xi32, #tpu.memory_space<vmem>> -> memref<1x128xi32, #tpu.memory_space<vmem>>
        %dma_wait3A_44 = tpu.memref_squeeze %dma_wait3A_43 : memref<1x128xi32, #tpu.memory_space<vmem>> -> memref<128xi32, #tpu.memory_space<vmem>>
        %dma_wait3A_45 = tpu.memref_slice %arg3[%mul3A_27] : memref<640000xi32, #tpu.memory_space<hbm>> -> memref<128xi32, #tpu.memory_space<hbm>>
        tpu.wait_dma2 semaphore(%run_scoped3A_31 : memref<!tpu.dma_semaphore, #tpu.memory_space<semaphore_mem>>) src(%dma_wait3A_45 : memref<128xi32, #tpu.memory_space<hbm>>) dst(%dma_wait3A_44 : memref<128xi32, #tpu.memory_space<vmem>>)
        tpu.yield
      }) : () -> ()
      %run_scoped3A_28 = arith.constant 0 : i32
      "tpu.region"() ({
        %run_scoped3A_31 = tpu.sem_alloc : memref<!tpu.dma_semaphore, #tpu.memory_space<semaphore_mem>>
        %dma_start3A = arith.constant 0 : i32
        %dma_start3A_32 = tpu.memref_slice %arg7[%run_scoped3A_28, %dma_start3A] : memref<1x128xi32, #tpu.memory_space<vmem>> -> memref<1x128xi32, #tpu.memory_space<vmem>>
        %dma_start3A_33 = tpu.memref_squeeze %dma_start3A_32 : memref<1x128xi32, #tpu.memory_space<vmem>> -> memref<128xi32, #tpu.memory_space<vmem>>
        %dma_start3A_34 = arith.constant 0 : i32
        %dma_start3A_35 = arith.constant 0 : i32
        %dma_start3A_36 = tpu.memref_slice %arg2[%dma_start3A_34, %dma_start3A_35] : memref<20000x128xf32, #tpu.memory_space<hbm>> -> memref<20000x128xf32, #tpu.memory_space<hbm>>
        tpu.enqueue_indirect_dma source(%dma_start3A_36 : memref<20000x128xf32, #tpu.memory_space<hbm>>) target(%arg8 : memref<128x128xf32, #tpu.memory_space<vmem>>) offsets(%dma_start3A_33 : memref<128xi32, #tpu.memory_space<vmem>>) semaphore(%run_scoped3A_31 : memref<!tpu.dma_semaphore, #tpu.memory_space<semaphore_mem>>)
        %dma_wait3A = arith.constant 0 : i32
        %dma_wait3A_37 = tpu.memref_slice %arg7[%run_scoped3A_28, %dma_wait3A] : memref<1x128xi32, #tpu.memory_space<vmem>> -> memref<1x128xi32, #tpu.memory_space<vmem>>
        %dma_wait3A_38 = tpu.memref_squeeze %dma_wait3A_37 : memref<1x128xi32, #tpu.memory_space<vmem>> -> memref<128xi32, #tpu.memory_space<vmem>>
        %dma_wait3A_39 = arith.constant 0 : i32
        %dma_wait3A_40 = arith.constant 0 : i32
        %dma_wait3A_41 = tpu.memref_slice %arg2[%dma_wait3A_39, %dma_wait3A_40] : memref<20000x128xf32, #tpu.memory_space<hbm>> -> memref<20000x128xf32, #tpu.memory_space<hbm>>
        tpu.wait_indirect_dma semaphore(%run_scoped3A_31 : memref<!tpu.dma_semaphore, #tpu.memory_space<semaphore_mem>>) src(%dma_wait3A_41 : memref<20000x128xf32, #tpu.memory_space<hbm>>) dst(%arg8 : memref<128x128xf32, #tpu.memory_space<vmem>>)
        tpu.yield
      }) : () -> ()
      %mul3A_29 = arith.constant 128 : i32
      %mul3A_30 = arith.muli %add3A_18, %mul3A_29 : i32
      "tpu.region"() ({
        %run_scoped3A_31 = tpu.sem_alloc : memref<!tpu.dma_semaphore, #tpu.memory_space<semaphore_mem>>
        %dma_start3A = arith.constant 0 : i32
        %dma_start3A_32 = tpu.memref_slice %arg6[%mul3A_30, %dma_start3A] : memref<160000x128xf32, #tpu.memory_space<hbm>> -> memref<128x128xf32, #tpu.memory_space<hbm>>
        %dma_start3A_33 = arith.constant 0 : i32
        %dma_start3A_34 = tpu.memref_slice %arg6[%mul3A_30, %dma_start3A_33] : memref<160000x128xf32, #tpu.memory_space<hbm>> -> memref<128x128xf32, #tpu.memory_space<hbm>>
        tpu.enqueue_dma source(%arg8 : memref<128x128xf32, #tpu.memory_space<vmem>>) target(%dma_start3A_34 : memref<128x128xf32, #tpu.memory_space<hbm>>) target_semaphore(%run_scoped3A_31 : memref<!tpu.dma_semaphore, #tpu.memory_space<semaphore_mem>>)
        %dma_wait3A = arith.constant 0 : i32
        %dma_wait3A_35 = tpu.memref_slice %arg6[%mul3A_30, %dma_wait3A] : memref<160000x128xf32, #tpu.memory_space<hbm>> -> memref<128x128xf32, #tpu.memory_space<hbm>>
        %dma_wait3A_36 = arith.constant 0 : i32
        %dma_wait3A_37 = tpu.memref_slice %arg6[%mul3A_30, %dma_wait3A_36] : memref<160000x128xf32, #tpu.memory_space<hbm>> -> memref<128x128xf32, #tpu.memory_space<hbm>>
        tpu.wait_dma2 semaphore(%run_scoped3A_31 : memref<!tpu.dma_semaphore, #tpu.memory_space<semaphore_mem>>) src(%arg8 : memref<128x128xf32, #tpu.memory_space<vmem>>) dst(%dma_wait3A_37 : memref<128x128xf32, #tpu.memory_space<hbm>>)
        tpu.yield
      }) : () -> ()
    }
    return
  }
}

#map = affine_map<(d0, d1) -> (0, 0)>
#map1 = affine_map<(d0, d1) -> (0)>
module attributes {stable_mosaic.version = 14 : i64} {
  func.func @k(%arg0: i32, %arg1: i32, %arg2: memref<20000x128xf32, #tpu.memory_space<hbm>>, %arg3: memref<640000xi32, #tpu.memory_space<hbm>>, %arg4: memref<160000x128xf32, #tpu.memory_space<hbm>>, %arg5: memref<80000x1xf32, #tpu.memory_space<hbm>>, %arg6: memref<160000x128xf32, #tpu.memory_space<hbm>>, %arg7: memref<1x128xi32, #tpu.memory_space<vmem>>, %arg8: memref<128x128xf32, #tpu.memory_space<vmem>>) attributes {dimension_semantics = [#tpu.dimension_semantics<core_parallel>, #tpu.dimension_semantics<subcore_parallel>], iteration_bounds = array<i64: 2, 16>, scalar_prefetch = 0 : i64, scratch_operands = 2 : i64, tpu.core_type = #tpu.core_type<sc_vector_subcore>, window_params = [{transform_indices = #map}, {transform_indices = #map1}, {transform_indices = #map}, {transform_indices = #map}, {transform_indices = #map}]} {
    %mul3A = arith.constant 2 : i32
    %mul3A_0 = arith.muli %arg1, %mul3A : i32
    %add3A = arith.addi %mul3A_0, %arg0 : i32
    %sub3A = arith.constant 1250 : i32
    %sub3A_1 = arith.subi %sub3A, %add3A : i32
    %sub3A_2 = arith.constant 32 : i32
    %sub3A_3 = arith.constant 1 : i32
    %sub3A_4 = arith.subi %sub3A_2, %sub3A_3 : i32
    %add3A_5 = arith.addi %sub3A_1, %sub3A_4 : i32
    %div3A = arith.constant 32 : i32
    %div3A_6 = arith.divsi %add3A_5, %div3A : i32
    %while3A = arith.constant 32 : i32
    %while3A_7 = arith.constant 0 : i32
    %while3A_8 = arith.subi %div3A_6, %while3A_7 : i32
    %while3A_9 = arith.addi %while3A_7, %while3A_8 : i32
    %while3A_10 = arith.constant 1 : i32
    %while3A_11 = arith.divsi %while3A_8, %while3A_10 : i32
    %while3A_12 = arith.muli %while3A_11, %while3A_10 : i32
    %while3A_13 = arith.addi %while3A_7, %while3A_12 : i32
    %while3A_14 = arith.constant 1 : i32
    scf.for %while3A_16 = %while3A_7 to %while3A_13 step %while3A_14  : i32 {
      %mul3A_17 = arith.muli %while3A_16, %while3A : i32
      %add3A_18 = arith.addi %add3A, %mul3A_17 : i32
      %lt3A = arith.constant 625 : i32
      %lt3A_19 = arith.cmpi slt, %add3A_18, %lt3A : i32
      %add3A_20 = arith.constant 1875 : i32
      %add3A_21 = arith.addi %add3A_20, %add3A_18 : i32
      %sub3A_22 = arith.constant 625 : i32
      %sub3A_23 = arith.subi %add3A_18, %sub3A_22 : i32
      %add3A_24 = arith.constant 4375 : i32
      %add3A_25 = arith.addi %add3A_24, %sub3A_23 : i32
      %select_n3A = arith.select %lt3A_19, %add3A_21, %add3A_25 : i32
      %mul3A_26 = arith.constant 128 : i32
      %mul3A_27 = arith.muli %select_n3A, %mul3A_26 : i32
      %run_scoped3A = arith.constant 0 : i32
      "tpu.region"() ({
        %run_scoped3A_31 = tpu.sem_alloc : memref<!tpu.dma_semaphore, #tpu.memory_space<semaphore_mem>>
        %dma_start3A = arith.constant 0 : i32
        %dma_start3A_32 = tpu.memref_slice %arg7[%run_scoped3A, %dma_start3A] : memref<1x128xi32, #tpu.memory_space<vmem>> -> memref<1x128xi32, #tpu.memory_space<vmem>>
        %dma_start3A_33 = tpu.memref_squeeze %dma_start3A_32 : memref<1x128xi32, #tpu.memory_space<vmem>> -> memref<128xi32, #tpu.memory_space<vmem>>
        %dma_start3A_34 = tpu.memref_slice %arg3[%mul3A_27] : memref<640000xi32, #tpu.memory_space<hbm>> -> memref<128xi32, #tpu.memory_space<hbm>>
        %dma_start3A_35 = arith.constant 0 : i32
        %dma_start3A_36 = tpu.memref_slice %arg7[%run_scoped3A, %dma_start3A_35] : memref<1x128xi32, #tpu.memory_space<vmem>> -> memref<1x128xi32, #tpu.memory_space<vmem>>
        %dma_start3A_37 = tpu.memref_squeeze %dma_start3A_36 : memref<1x128xi32, #tpu.memory_space<vmem>> -> memref<128xi32, #tpu.memory_space<vmem>>
        %dma_start3A_38 = tpu.memref_slice %arg3[%mul3A_27] : memref<640000xi32, #tpu.memory_space<hbm>> -> memref<128xi32, #tpu.memory_space<hbm>>
        tpu.enqueue_dma source(%dma_start3A_38 : memref<128xi32, #tpu.memory_space<hbm>>) target(%dma_start3A_37 : memref<128xi32, #tpu.memory_space<vmem>>) target_semaphore(%run_scoped3A_31 : memref<!tpu.dma_semaphore, #tpu.memory_space<semaphore_mem>>)
        %dma_wait3A = arith.constant 0 : i32
        %dma_wait3A_39 = tpu.memref_slice %arg7[%run_scoped3A, %dma_wait3A] : memref<1x128xi32, #tpu.memory_space<vmem>> -> memref<1x128xi32, #tpu.memory_space<vmem>>
        %dma_wait3A_40 = tpu.memref_squeeze %dma_wait3A_39 : memref<1x128xi32, #tpu.memory_space<vmem>> -> memref<128xi32, #tpu.memory_space<vmem>>
        %dma_wait3A_41 = tpu.memref_slice %arg3[%mul3A_27] : memref<640000xi32, #tpu.memory_space<hbm>> -> memref<128xi32, #tpu.memory_space<hbm>>
        %dma_wait3A_42 = arith.constant 0 : i32
        %dma_wait3A_43 = tpu.memref_slice %arg7[%run_scoped3A, %dma_wait3A_42] : memref<1x128xi32, #tpu.memory_space<vmem>> -> memref<1x128xi32, #tpu.memory_space<vmem>>
        %dma_wait3A_44 = tpu.memref_squeeze %dma_wait3A_43 : memref<1x128xi32, #tpu.memory_space<vmem>> -> memref<128xi32, #tpu.memory_space<vmem>>
        %dma_wait3A_45 = tpu.memref_slice %arg3[%mul3A_27] : memref<640000xi32, #tpu.memory_space<hbm>> -> memref<128xi32, #tpu.memory_space<hbm>>
        tpu.wait_dma2 semaphore(%run_scoped3A_31 : memref<!tpu.dma_semaphore, #tpu.memory_space<semaphore_mem>>) src(%dma_wait3A_45 : memref<128xi32, #tpu.memory_space<hbm>>) dst(%dma_wait3A_44 : memref<128xi32, #tpu.memory_space<vmem>>)
        tpu.yield
      }) : () -> ()
      %run_scoped3A_28 = arith.constant 0 : i32
      "tpu.region"() ({
        %run_scoped3A_31 = tpu.sem_alloc : memref<!tpu.dma_semaphore, #tpu.memory_space<semaphore_mem>>
        %dma_start3A = arith.constant 0 : i32
        %dma_start3A_32 = tpu.memref_slice %arg7[%run_scoped3A_28, %dma_start3A] : memref<1x128xi32, #tpu.memory_space<vmem>> -> memref<1x128xi32, #tpu.memory_space<vmem>>
        %dma_start3A_33 = tpu.memref_squeeze %dma_start3A_32 : memref<1x128xi32, #tpu.memory_space<vmem>> -> memref<128xi32, #tpu.memory_space<vmem>>
        %dma_start3A_34 = arith.constant 0 : i32
        %dma_start3A_35 = arith.constant 0 : i32
        %dma_start3A_36 = tpu.memref_slice %arg2[%dma_start3A_34, %dma_start3A_35] : memref<20000x128xf32, #tpu.memory_space<hbm>> -> memref<20000x128xf32, #tpu.memory_space<hbm>>
        tpu.enqueue_indirect_dma source(%dma_start3A_36 : memref<20000x128xf32, #tpu.memory_space<hbm>>) target(%arg8 : memref<128x128xf32, #tpu.memory_space<vmem>>) offsets(%dma_start3A_33 : memref<128xi32, #tpu.memory_space<vmem>>) semaphore(%run_scoped3A_31 : memref<!tpu.dma_semaphore, #tpu.memory_space<semaphore_mem>>)
        %dma_wait3A = arith.constant 0 : i32
        %dma_wait3A_37 = tpu.memref_slice %arg7[%run_scoped3A_28, %dma_wait3A] : memref<1x128xi32, #tpu.memory_space<vmem>> -> memref<1x128xi32, #tpu.memory_space<vmem>>
        %dma_wait3A_38 = tpu.memref_squeeze %dma_wait3A_37 : memref<1x128xi32, #tpu.memory_space<vmem>> -> memref<128xi32, #tpu.memory_space<vmem>>
        %dma_wait3A_39 = arith.constant 0 : i32
        %dma_wait3A_40 = arith.constant 0 : i32
        %dma_wait3A_41 = tpu.memref_slice %arg2[%dma_wait3A_39, %dma_wait3A_40] : memref<20000x128xf32, #tpu.memory_space<hbm>> -> memref<20000x128xf32, #tpu.memory_space<hbm>>
        tpu.wait_indirect_dma semaphore(%run_scoped3A_31 : memref<!tpu.dma_semaphore, #tpu.memory_space<semaphore_mem>>) src(%dma_wait3A_41 : memref<20000x128xf32, #tpu.memory_space<hbm>>) dst(%arg8 : memref<128x128xf32, #tpu.memory_space<vmem>>)
        tpu.yield
      }) : () -> ()
      %mul3A_29 = arith.constant 128 : i32
      %mul3A_30 = arith.muli %add3A_18, %mul3A_29 : i32
      "tpu.region"() ({
        %run_scoped3A_31 = tpu.sem_alloc : memref<!tpu.dma_semaphore, #tpu.memory_space<semaphore_mem>>
        %dma_start3A = arith.constant 0 : i32
        %dma_start3A_32 = tpu.memref_slice %arg6[%mul3A_30, %dma_start3A] : memref<160000x128xf32, #tpu.memory_space<hbm>> -> memref<128x128xf32, #tpu.memory_space<hbm>>
        %dma_start3A_33 = arith.constant 0 : i32
        %dma_start3A_34 = tpu.memref_slice %arg6[%mul3A_30, %dma_start3A_33] : memref<160000x128xf32, #tpu.memory_space<hbm>> -> memref<128x128xf32, #tpu.memory_space<hbm>>
        tpu.enqueue_dma source(%arg8 : memref<128x128xf32, #tpu.memory_space<vmem>>) target(%dma_start3A_34 : memref<128x128xf32, #tpu.memory_space<hbm>>) target_semaphore(%run_scoped3A_31 : memref<!tpu.dma_semaphore, #tpu.memory_space<semaphore_mem>>)
        %dma_wait3A = arith.constant 0 : i32
        %dma_wait3A_35 = tpu.memref_slice %arg6[%mul3A_30, %dma_wait3A] : memref<160000x128xf32, #tpu.memory_space<hbm>> -> memref<128x128xf32, #tpu.memory_space<hbm>>
        %dma_wait3A_36 = arith.constant 0 : i32
        %dma_wait3A_37 = tpu.memref_slice %arg6[%mul3A_30, %dma_wait3A_36] : memref<160000x128xf32, #tpu.memory_space<hbm>> -> memref<128x128xf32, #tpu.memory_space<hbm>>
        tpu.wait_dma2 semaphore(%run_scoped3A_31 : memref<!tpu.dma_semaphore, #tpu.memory_space<semaphore_mem>>) src(%arg8 : memref<128x128xf32, #tpu.memory_space<vmem>>) dst(%dma_wait3A_37 : memref<128x128xf32, #tpu.memory_space<hbm>>)
        tpu.yield
      }) : () -> ()
    }
    %while3A_15 = arith.constant 1 : i32
    scf.for %while3A_16 = %while3A_13 to %while3A_9 step %while3A_15  : i32 {
      %mul3A_17 = arith.muli %while3A_16, %while3A : i32
      %add3A_18 = arith.addi %add3A, %mul3A_17 : i32
      %lt3A = arith.constant 625 : i32
      %lt3A_19 = arith.cmpi slt, %add3A_18, %lt3A : i32
      %add3A_20 = arith.constant 1875 : i32
      %add3A_21 = arith.addi %add3A_20, %add3A_18 : i32
      %sub3A_22 = arith.constant 625 : i32
      %sub3A_23 = arith.subi %add3A_18, %sub3A_22 : i32
      %add3A_24 = arith.constant 4375 : i32
      %add3A_25 = arith.addi %add3A_24, %sub3A_23 : i32
      %select_n3A = arith.select %lt3A_19, %add3A_21, %add3A_25 : i32
      %mul3A_26 = arith.constant 128 : i32
      %mul3A_27 = arith.muli %select_n3A, %mul3A_26 : i32
      %run_scoped3A = arith.constant 0 : i32
      "tpu.region"() ({
        %run_scoped3A_31 = tpu.sem_alloc : memref<!tpu.dma_semaphore, #tpu.memory_space<semaphore_mem>>
        %dma_start3A = arith.constant 0 : i32
        %dma_start3A_32 = tpu.memref_slice %arg7[%run_scoped3A, %dma_start3A] : memref<1x128xi32, #tpu.memory_space<vmem>> -> memref<1x128xi32, #tpu.memory_space<vmem>>
        %dma_start3A_33 = tpu.memref_squeeze %dma_start3A_32 : memref<1x128xi32, #tpu.memory_space<vmem>> -> memref<128xi32, #tpu.memory_space<vmem>>
        %dma_start3A_34 = tpu.memref_slice %arg3[%mul3A_27] : memref<640000xi32, #tpu.memory_space<hbm>> -> memref<128xi32, #tpu.memory_space<hbm>>
        %dma_start3A_35 = arith.constant 0 : i32
        %dma_start3A_36 = tpu.memref_slice %arg7[%run_scoped3A, %dma_start3A_35] : memref<1x128xi32, #tpu.memory_space<vmem>> -> memref<1x128xi32, #tpu.memory_space<vmem>>
        %dma_start3A_37 = tpu.memref_squeeze %dma_start3A_36 : memref<1x128xi32, #tpu.memory_space<vmem>> -> memref<128xi32, #tpu.memory_space<vmem>>
        %dma_start3A_38 = tpu.memref_slice %arg3[%mul3A_27] : memref<640000xi32, #tpu.memory_space<hbm>> -> memref<128xi32, #tpu.memory_space<hbm>>
        tpu.enqueue_dma source(%dma_start3A_38 : memref<128xi32, #tpu.memory_space<hbm>>) target(%dma_start3A_37 : memref<128xi32, #tpu.memory_space<vmem>>) target_semaphore(%run_scoped3A_31 : memref<!tpu.dma_semaphore, #tpu.memory_space<semaphore_mem>>)
        %dma_wait3A = arith.constant 0 : i32
        %dma_wait3A_39 = tpu.memref_slice %arg7[%run_scoped3A, %dma_wait3A] : memref<1x128xi32, #tpu.memory_space<vmem>> -> memref<1x128xi32, #tpu.memory_space<vmem>>
        %dma_wait3A_40 = tpu.memref_squeeze %dma_wait3A_39 : memref<1x128xi32, #tpu.memory_space<vmem>> -> memref<128xi32, #tpu.memory_space<vmem>>
        %dma_wait3A_41 = tpu.memref_slice %arg3[%mul3A_27] : memref<640000xi32, #tpu.memory_space<hbm>> -> memref<128xi32, #tpu.memory_space<hbm>>
        %dma_wait3A_42 = arith.constant 0 : i32
        %dma_wait3A_43 = tpu.memref_slice %arg7[%run_scoped3A, %dma_wait3A_42] : memref<1x128xi32, #tpu.memory_space<vmem>> -> memref<1x128xi32, #tpu.memory_space<vmem>>
        %dma_wait3A_44 = tpu.memref_squeeze %dma_wait3A_43 : memref<1x128xi32, #tpu.memory_space<vmem>> -> memref<128xi32, #tpu.memory_space<vmem>>
        %dma_wait3A_45 = tpu.memref_slice %arg3[%mul3A_27] : memref<640000xi32, #tpu.memory_space<hbm>> -> memref<128xi32, #tpu.memory_space<hbm>>
        tpu.wait_dma2 semaphore(%run_scoped3A_31 : memref<!tpu.dma_semaphore, #tpu.memory_space<semaphore_mem>>) src(%dma_wait3A_45 : memref<128xi32, #tpu.memory_space<hbm>>) dst(%dma_wait3A_44 : memref<128xi32, #tpu.memory_space<vmem>>)
        tpu.yield
      }) : () -> ()
      %run_scoped3A_28 = arith.constant 0 : i32
      "tpu.region"() ({
        %run_scoped3A_31 = tpu.sem_alloc : memref<!tpu.dma_semaphore, #tpu.memory_space<semaphore_mem>>
        %dma_start3A = arith.constant 0 : i32
        %dma_start3A_32 = tpu.memref_slice %arg7[%run_scoped3A_28, %dma_start3A] : memref<1x128xi32, #tpu.memory_space<vmem>> -> memref<1x128xi32, #tpu.memory_space<vmem>>
        %dma_start3A_33 = tpu.memref_squeeze %dma_start3A_32 : memref<1x128xi32, #tpu.memory_space<vmem>> -> memref<128xi32, #tpu.memory_space<vmem>>
        %dma_start3A_34 = arith.constant 0 : i32
        %dma_start3A_35 = arith.constant 0 : i32
        %dma_start3A_36 = tpu.memref_slice %arg2[%dma_start3A_34, %dma_start3A_35] : memref<20000x128xf32, #tpu.memory_space<hbm>> -> memref<20000x128xf32, #tpu.memory_space<hbm>>
        tpu.enqueue_indirect_dma source(%dma_start3A_36 : memref<20000x128xf32, #tpu.memory_space<hbm>>) target(%arg8 : memref<128x128xf32, #tpu.memory_space<vmem>>) offsets(%dma_start3A_33 : memref<128xi32, #tpu.memory_space<vmem>>) semaphore(%run_scoped3A_31 : memref<!tpu.dma_semaphore, #tpu.memory_space<semaphore_mem>>)
        %dma_wait3A = arith.constant 0 : i32
        %dma_wait3A_37 = tpu.memref_slice %arg7[%run_scoped3A_28, %dma_wait3A] : memref<1x128xi32, #tpu.memory_space<vmem>> -> memref<1x128xi32, #tpu.memory_space<vmem>>
        %dma_wait3A_38 = tpu.memref_squeeze %dma_wait3A_37 : memref<1x128xi32, #tpu.memory_space<vmem>> -> memref<128xi32, #tpu.memory_space<vmem>>
        %dma_wait3A_39 = arith.constant 0 : i32
        %dma_wait3A_40 = arith.constant 0 : i32
        %dma_wait3A_41 = tpu.memref_slice %arg2[%dma_wait3A_39, %dma_wait3A_40] : memref<20000x128xf32, #tpu.memory_space<hbm>> -> memref<20000x128xf32, #tpu.memory_space<hbm>>
        tpu.wait_indirect_dma semaphore(%run_scoped3A_31 : memref<!tpu.dma_semaphore, #tpu.memory_space<semaphore_mem>>) src(%dma_wait3A_41 : memref<20000x128xf32, #tpu.memory_space<hbm>>) dst(%arg8 : memref<128x128xf32, #tpu.memory_space<vmem>>)
        tpu.yield
      }) : () -> ()
      %mul3A_29 = arith.constant 128 : i32
      %mul3A_30 = arith.muli %add3A_18, %mul3A_29 : i32
      "tpu.region"() ({
        %run_scoped3A_31 = tpu.sem_alloc : memref<!tpu.dma_semaphore, #tpu.memory_space<semaphore_mem>>
        %dma_start3A = arith.constant 0 : i32
        %dma_start3A_32 = tpu.memref_slice %arg6[%mul3A_30, %dma_start3A] : memref<160000x128xf32, #tpu.memory_space<hbm>> -> memref<128x128xf32, #tpu.memory_space<hbm>>
        %dma_start3A_33 = arith.constant 0 : i32
        %dma_start3A_34 = tpu.memref_slice %arg6[%mul3A_30, %dma_start3A_33] : memref<160000x128xf32, #tpu.memory_space<hbm>> -> memref<128x128xf32, #tpu.memory_space<hbm>>
        tpu.enqueue_dma source(%arg8 : memref<128x128xf32, #tpu.memory_space<vmem>>) target(%dma_start3A_34 : memref<128x128xf32, #tpu.memory_space<hbm>>) target_semaphore(%run_scoped3A_31 : memref<!tpu.dma_semaphore, #tpu.memory_space<semaphore_mem>>)
        %dma_wait3A = arith.constant 0 : i32
        %dma_wait3A_35 = tpu.memref_slice %arg6[%mul3A_30, %dma_wait3A] : memref<160000x128xf32, #tpu.memory_space<hbm>> -> memref<128x128xf32, #tpu.memory_space<hbm>>
        %dma_wait3A_36 = arith.constant 0 : i32
        %dma_wait3A_37 = tpu.memref_slice %arg6[%mul3A_30, %dma_wait3A_36] : memref<160000x128xf32, #tpu.memory_space<hbm>> -> memref<128x128xf32, #tpu.memory_space<hbm>>
        tpu.wait_dma2 semaphore(%run_scoped3A_31 : memref<!tpu.dma_semaphore, #tpu.memory_space<semaphore_mem>>) src(%arg8 : memref<128x128xf32, #tpu.memory_space<vmem>>) dst(%dma_wait3A_37 : memref<128x128xf32, #tpu.memory_space<hbm>>)
        tpu.yield
      }) : () -> ()
    }
    return
  }
}

module attributes {stable_mosaic.version = 14 : i64} {
  func.func @body(%arg0: i32, %arg1: memref<1x1000x16xf32, #tpu.memory_space<vmem>>, %arg2: memref<1x1000x16xf32, #tpu.memory_space<vmem>>, %arg3: memref<1000x128xf32, #tpu.memory_space<vmem>>, %arg4: memref<1000x1xf32, #tpu.memory_space<vmem>>, %arg5: memref<1000x128xf32, #tpu.memory_space<vmem>>) attributes {dimension_semantics = [#tpu.dimension_semantics<arbitrary>], iteration_bounds = array<i64: 10>, scalar_prefetch = 0 : i64, scratch_operands = 0 : i64, tpu.core_type = #tpu.core_type<tc>, window_params = [{transform_indices = @transform_0, window_bounds = array<i64: 1, 1000, 16>}, {transform_indices = @transform_1, window_bounds = array<i64: 1, 1000, 16>}, {transform_indices = @transform_2, window_bounds = array<i64: 1000, 128>}, {transform_indices = @transform_3, window_bounds = array<i64: 1000, 1>}, {transform_indices = @transform_4, window_bounds = array<i64: 1000, 128>}]} {
    %get3A = arith.constant 0 : index
    %get3A_0 = arith.constant 0 : index
    %get3A_1 = arith.constant 0 : index
    %get3A_2 = vector.load %arg1[%get3A, %get3A_0, %get3A_1] : memref<1x1000x16xf32, #tpu.memory_space<vmem>>, vector<1x1000x16xf32>
    %get3A_3 = vector.shape_cast %get3A_2 : vector<1x1000x16xf32> to vector<1000x16xf32>
    %slice3A = vector.extract_strided_slice %get3A_3 {offsets = [0, 0], sizes = [1000, 1], strides = [1, 1]} : vector<1000x16xf32> to vector<1000x1xf32>
    %get3A_4 = arith.constant 0 : index
    %get3A_5 = arith.constant 0 : index
    %get3A_6 = arith.constant 0 : index
    %get3A_7 = vector.load %arg2[%get3A_4, %get3A_5, %get3A_6] : memref<1x1000x16xf32, #tpu.memory_space<vmem>>, vector<1x1000x16xf32>
    %get3A_8 = vector.shape_cast %get3A_7 : vector<1x1000x16xf32> to vector<1000x16xf32>
    %slice3A_9 = vector.extract_strided_slice %get3A_8 {offsets = [0, 0], sizes = [1000, 1], strides = [1, 1]} : vector<1000x16xf32> to vector<1000x1xf32>
    %add3A = arith.addf %slice3A, %slice3A_9 : vector<1000x1xf32>
    %add3A_10 = arith.constant 1.000000e+00 : f32
    %add3A_11 = vector.broadcast %add3A_10 : f32 to vector<1000x1xf32>
    %add3A_12 = arith.addf %add3A, %add3A_11 : vector<1000x1xf32>
    %max3A = arith.constant 1.000000e+00 : f32
    %max3A_13 = vector.broadcast %max3A : f32 to vector<1000x1xf32>
    %max3A_14 = arith.maximumf %add3A_12, %max3A_13 : vector<1000x1xf32>
    %rsqrt3A = math.rsqrt %max3A_14 : vector<1000x1xf32>
    %swap3A = arith.constant 0 : index
    %swap3A_15 = arith.constant 0 : index
    %swap3A_16 = vector.load %arg4[%swap3A, %swap3A_15] : memref<1000x1xf32, #tpu.memory_space<vmem>>, vector<1000x1xf32>
    tpu.vector_store %arg4[%swap3A, %swap3A_15], %rsqrt3A {strides = array<i32>} : memref<1000x1xf32, #tpu.memory_space<vmem>>, vector<1000x1xf32>,
    %get3A_17 = arith.constant 0 : index
    %get3A_18 = arith.constant 0 : index
    %get3A_19 = vector.load %arg3[%get3A_17, %get3A_18] : memref<1000x128xf32, #tpu.memory_space<vmem>>, vector<1000x128xf32>
    %mul3A = vector.broadcast %rsqrt3A : vector<1000x1xf32> to vector<1000x128xf32>
    %mul3A_20 = arith.mulf %get3A_19, %mul3A : vector<1000x128xf32>
    %swap3A_21 = arith.constant 0 : index
    %swap3A_22 = arith.constant 0 : index
    %swap3A_23 = vector.load %arg5[%swap3A_21, %swap3A_22] : memref<1000x128xf32, #tpu.memory_space<vmem>>, vector<1000x128xf32>
    tpu.vector_store %arg5[%swap3A_21, %swap3A_22], %mul3A_20 {strides = array<i32>} : memref<1000x128xf32, #tpu.memory_space<vmem>>, vector<1000x128xf32>,
    return
  }
  func.func @transform_0(%arg0: i32) -> (i32, i32, i32) {
    %c0_i32 = arith.constant 0 : i32
    %c0_i32_0 = arith.constant 0 : i32
    %c0_i32_1 = arith.constant 0 : i32
    return %c0_i32, %arg0, %c0_i32_0 : i32, i32, i32
  }
  func.func @transform_1(%arg0: i32) -> (i32, i32, i32) {
    %c1_i32 = arith.constant 1 : i32
    %c0_i32 = arith.constant 0 : i32
    %c0_i32_0 = arith.constant 0 : i32
    return %c1_i32, %arg0, %c0_i32 : i32, i32, i32
  }
  func.func @transform_2(%arg0: i32) -> (i32, i32) {
    %c0_i32 = arith.constant 0 : i32
    %c0_i32_0 = arith.constant 0 : i32
    return %arg0, %c0_i32 : i32, i32
  }
  func.func @transform_3(%arg0: i32) -> (i32, i32) {
    %c0_i32 = arith.constant 0 : i32
    %c0_i32_0 = arith.constant 0 : i32
    return %arg0, %c0_i32 : i32, i32
  }
  func.func @transform_4(%arg0: i32) -> (i32, i32) {
    %c0_i32 = arith.constant 0 : i32
    %c0_i32_0 = arith.constant 0 : i32
    return %arg0, %c0_i32 : i32, i32
  }
}

module attributes {stable_mosaic.version = 14 : i64} {
  func.func @body(%arg0: i32, %arg1: memref<1x1000x128xf32, #tpu.memory_space<vmem>>, %arg2: memref<1x1000x128xf32, #tpu.memory_space<vmem>>, %arg3: memref<1000x128xf32, #tpu.memory_space<vmem>>, %arg4: memref<1000x1xf32, #tpu.memory_space<vmem>>, %arg5: memref<128x256xf32, #tpu.memory_space<vmem>>, %arg6: memref<1x256xf32, #tpu.memory_space<vmem>>, %arg7: memref<256x128xf32, #tpu.memory_space<vmem>>, %arg8: memref<1000x128xf32, #tpu.memory_space<vmem>>) attributes {dimension_semantics = [#tpu.dimension_semantics<arbitrary>], iteration_bounds = array<i64: 10>, scalar_prefetch = 0 : i64, scratch_operands = 0 : i64, tpu.core_type = #tpu.core_type<tc>, window_params = [{transform_indices = @transform_0, window_bounds = array<i64: 1, 1000, 128>}, {transform_indices = @transform_1, window_bounds = array<i64: 1, 1000, 128>}, {transform_indices = @transform_2, window_bounds = array<i64: 1000, 128>}, {transform_indices = @transform_3, window_bounds = array<i64: 1000, 1>}, {pipeline_mode = #tpu.pipeline_mode<synchronous>, transform_indices = @transform_4, window_bounds = array<i64: 128, 256>}, {pipeline_mode = #tpu.pipeline_mode<synchronous>, transform_indices = @transform_5, window_bounds = array<i64: 1, 256>}, {pipeline_mode = #tpu.pipeline_mode<synchronous>, transform_indices = @transform_6, window_bounds = array<i64: 256, 128>}, {transform_indices = @transform_7, window_bounds = array<i64: 1000, 128>}]} {
    %get3A = arith.constant 0 : index
    %get3A_0 = arith.constant 0 : index
    %get3A_1 = arith.constant 0 : index
    %get3A_2 = vector.load %arg1[%get3A, %get3A_0, %get3A_1] : memref<1x1000x128xf32, #tpu.memory_space<vmem>>, vector<1x1000x128xf32>
    %get3A_3 = vector.shape_cast %get3A_2 : vector<1x1000x128xf32> to vector<1000x128xf32>
    %get3A_4 = arith.constant 0 : index
    %get3A_5 = arith.constant 0 : index
    %get3A_6 = arith.constant 0 : index
    %get3A_7 = vector.load %arg2[%get3A_4, %get3A_5, %get3A_6] : memref<1x1000x128xf32, #tpu.memory_space<vmem>>, vector<1x1000x128xf32>
    %get3A_8 = vector.shape_cast %get3A_7 : vector<1x1000x128xf32> to vector<1000x128xf32>
    %add3A = arith.addf %get3A_3, %get3A_8 : vector<1000x128xf32>
    %get3A_9 = arith.constant 0 : index
    %get3A_10 = arith.constant 0 : index
    %get3A_11 = vector.load %arg3[%get3A_9, %get3A_10] : memref<1000x128xf32, #tpu.memory_space<vmem>>, vector<1000x128xf32>
    %add3A_12 = arith.addf %add3A, %get3A_11 : vector<1000x128xf32>
    %get3A_13 = arith.constant 0 : index
    %get3A_14 = arith.constant 0 : index
    %get3A_15 = vector.load %arg4[%get3A_13, %get3A_14] : memref<1000x1xf32, #tpu.memory_space<vmem>>, vector<1000x1xf32>
    %mul3A = vector.broadcast %get3A_15 : vector<1000x1xf32> to vector<1000x128xf32>
    %mul3A_16 = arith.mulf %add3A_12, %mul3A : vector<1000x128xf32>
    %get3A_17 = arith.constant 0 : index
    %get3A_18 = arith.constant 0 : index
    %get3A_19 = vector.load %arg5[%get3A_17, %get3A_18] : memref<128x256xf32, #tpu.memory_space<vmem>>, vector<128x256xf32>
    %dot_general3A = arith.constant dense<0.000000e+00> : vector<1000x256xf32>
    %dot_general3A_20 = tpu.matmul %mul3A_16, %get3A_19, %dot_general3A {dimension_numbers = #tpu.dot_dimension_numbers<[1], [0], [0], [1], [0, 0, 1, 1], [], []>, transpose_lhs_hint = false} : vector<1000x128xf32>, vector<128x256xf32>, vector<1000x256xf32> -> vector<1000x256xf32>
    %get3A_21 = arith.constant 0 : index
    %get3A_22 = arith.constant 0 : index
    %get3A_23 = vector.load %arg6[%get3A_21, %get3A_22] : memref<1x256xf32, #tpu.memory_space<vmem>>, vector<1x256xf32>
    %add3A_24 = vector.broadcast %get3A_23 : vector<1x256xf32> to vector<1000x256xf32>
    %add3A_25 = arith.addf %dot_general3A_20, %add3A_24 : vector<1000x256xf32>
    %max3A = arith.constant 0.000000e+00 : f32
    %max3A_26 = vector.broadcast %max3A : f32 to vector<1000x256xf32>
    %max3A_27 = arith.maximumf %add3A_25, %max3A_26 : vector<1000x256xf32>
    %get3A_28 = arith.constant 0 : index
    %get3A_29 = arith.constant 0 : index
    %get3A_30 = vector.load %arg7[%get3A_28, %get3A_29] : memref<256x128xf32, #tpu.memory_space<vmem>>, vector<256x128xf32>
    %dot_general3A_31 = arith.constant dense<0.000000e+00> : vector<1000x128xf32>
    %dot_general3A_32 = tpu.matmul %max3A_27, %get3A_30, %dot_general3A_31 {dimension_numbers = #tpu.dot_dimension_numbers<[1], [0], [0], [1], [0, 0, 1, 1], [], []>, transpose_lhs_hint = false} : vector<1000x256xf32>, vector<256x128xf32>, vector<1000x128xf32> -> vector<1000x128xf32>
    %get3A_33 = arith.constant 0 : index
    %get3A_34 = arith.constant 0 : index
    %get3A_35 = vector.load %arg4[%get3A_33, %get3A_34] : memref<1000x1xf32, #tpu.memory_space<vmem>>, vector<1000x1xf32>
    %mul3A_36 = vector.broadcast %get3A_35 : vector<1000x1xf32> to vector<1000x128xf32>
    %mul3A_37 = arith.mulf %dot_general3A_32, %mul3A_36 : vector<1000x128xf32>
    %swap3A = arith.constant 0 : index
    %swap3A_38 = arith.constant 0 : index
    %swap3A_39 = vector.load %arg8[%swap3A, %swap3A_38] : memref<1000x128xf32, #tpu.memory_space<vmem>>, vector<1000x128xf32>
    tpu.vector_store %arg8[%swap3A, %swap3A_38], %mul3A_37 {strides = array<i32>} : memref<1000x128xf32, #tpu.memory_space<vmem>>, vector<1000x128xf32>,
    return
  }
  func.func @transform_0(%arg0: i32) -> (i32, i32, i32) {
    %c0_i32 = arith.constant 0 : i32
    %c0_i32_0 = arith.constant 0 : i32
    %c0_i32_1 = arith.constant 0 : i32
    return %c0_i32, %arg0, %c0_i32_0 : i32, i32, i32
  }
  func.func @transform_1(%arg0: i32) -> (i32, i32, i32) {
    %c1_i32 = arith.constant 1 : i32
    %c0_i32 = arith.constant 0 : i32
    %c0_i32_0 = arith.constant 0 : i32
    return %c1_i32, %arg0, %c0_i32 : i32, i32, i32
  }
  func.func @transform_2(%arg0: i32) -> (i32, i32) {
    %c0_i32 = arith.constant 0 : i32
    %c0_i32_0 = arith.constant 0 : i32
    return %arg0, %c0_i32 : i32, i32
  }
  func.func @transform_3(%arg0: i32) -> (i32, i32) {
    %c0_i32 = arith.constant 0 : i32
    %c0_i32_0 = arith.constant 0 : i32
    return %arg0, %c0_i32 : i32, i32
  }
  func.func @transform_4(%arg0: i32) -> (i32, i32) {
    %c0_i32 = arith.constant 0 : i32
    %c0_i32_0 = arith.constant 0 : i32
    %c0_i32_1 = arith.constant 0 : i32
    return %c0_i32, %c0_i32_0 : i32, i32
  }
  func.func @transform_5(%arg0: i32) -> (i32, i32) {
    %c0_i32 = arith.constant 0 : i32
    %c0_i32_0 = arith.constant 0 : i32
    %c0_i32_1 = arith.constant 0 : i32
    return %c0_i32, %c0_i32_0 : i32, i32
  }
  func.func @transform_6(%arg0: i32) -> (i32, i32) {
    %c0_i32 = arith.constant 0 : i32
    %c0_i32_0 = arith.constant 0 : i32
    %c0_i32_1 = arith.constant 0 : i32
    return %c0_i32, %c0_i32_0 : i32, i32
  }
  func.func @transform_7(%arg0: i32) -> (i32, i32) {
    %c0_i32 = arith.constant 0 : i32
    %c0_i32_0 = arith.constant 0 : i32
    return %arg0, %c0_i32 : i32, i32
  }
}

module attributes {stable_mosaic.version = 14 : i64} {
  func.func @body(%arg0: i32, %arg1: i32, %arg2: memref<1x1000x128xf32, #tpu.memory_space<vmem>>, %arg3: memref<1x1000x128xf32, #tpu.memory_space<vmem>>, %arg4: memref<1000x128xf32, #tpu.memory_space<vmem>>, %arg5: memref<1000x1xf32, #tpu.memory_space<vmem>>, %arg6: memref<1x128xf32, #tpu.memory_space<vmem>>, %arg7: memref<1x128x128xf32, #tpu.memory_space<vmem>>, %arg8: memref<1x1x128xf32, #tpu.memory_space<vmem>>, %arg9: memref<1x1000x128xf32, #tpu.memory_space<vmem>>) attributes {dimension_semantics = [#tpu.dimension_semantics<arbitrary>, #tpu.dimension_semantics<arbitrary>], iteration_bounds = array<i64: 10, 2>, scalar_prefetch = 0 : i64, scratch_operands = 0 : i64, tpu.core_type = #tpu.core_type<tc>, window_params = [{transform_indices = @transform_0, window_bounds = array<i64: 1, 1000, 128>}, {transform_indices = @transform_1, window_bounds = array<i64: 1, 1000, 128>}, {transform_indices = @transform_2, window_bounds = array<i64: 1000, 128>}, {transform_indices = @transform_3, window_bounds = array<i64: 1000, 1>}, {pipeline_mode = #tpu.pipeline_mode<synchronous>, transform_indices = @transform_4, window_bounds = array<i64: 1, 128>}, {transform_indices = @transform_5, window_bounds = array<i64: 1, 128, 128>}, {transform_indices = @transform_6, window_bounds = array<i64: 1, 1, 128>}, {transform_indices = @transform_7, window_bounds = array<i64: 1, 1000, 128>}]} {
    %get3A = arith.constant 0 : index
    %get3A_0 = arith.constant 0 : index
    %get3A_1 = arith.constant 0 : index
    %get3A_2 = vector.load %arg2[%get3A, %get3A_0, %get3A_1] : memref<1x1000x128xf32, #tpu.memory_space<vmem>>, vector<1x1000x128xf32>
    %get3A_3 = vector.shape_cast %get3A_2 : vector<1x1000x128xf32> to vector<1000x128xf32>
    %get3A_4 = arith.constant 0 : index
    %get3A_5 = arith.constant 0 : index
    %get3A_6 = arith.constant 0 : index
    %get3A_7 = vector.load %arg3[%get3A_4, %get3A_5, %get3A_6] : memref<1x1000x128xf32, #tpu.memory_space<vmem>>, vector<1x1000x128xf32>
    %get3A_8 = vector.shape_cast %get3A_7 : vector<1x1000x128xf32> to vector<1000x128xf32>
    %add3A = arith.addf %get3A_3, %get3A_8 : vector<1000x128xf32>
    %get3A_9 = arith.constant 0 : index
    %get3A_10 = arith.constant 0 : index
    %get3A_11 = vector.load %arg4[%get3A_9, %get3A_10] : memref<1000x128xf32, #tpu.memory_space<vmem>>, vector<1000x128xf32>
    %add3A_12 = arith.addf %add3A, %get3A_11 : vector<1000x128xf32>
    %get3A_13 = arith.constant 0 : index
    %get3A_14 = arith.constant 0 : index
    %get3A_15 = vector.load %arg5[%get3A_13, %get3A_14] : memref<1000x1xf32, #tpu.memory_space<vmem>>, vector<1000x1xf32>
    %mul3A = vector.broadcast %get3A_15 : vector<1000x1xf32> to vector<1000x128xf32>
    %mul3A_16 = arith.mulf %add3A_12, %mul3A : vector<1000x128xf32>
    %get3A_17 = arith.constant 0 : index
    %get3A_18 = arith.constant 0 : index
    %get3A_19 = vector.load %arg6[%get3A_17, %get3A_18] : memref<1x128xf32, #tpu.memory_space<vmem>>, vector<1x128xf32>
    %add3A_20 = vector.broadcast %get3A_19 : vector<1x128xf32> to vector<1000x128xf32>
    %add3A_21 = arith.addf %mul3A_16, %add3A_20 : vector<1000x128xf32>
    %get3A_22 = arith.constant 0 : index
    %get3A_23 = arith.constant 0 : index
    %get3A_24 = arith.constant 0 : index
    %get3A_25 = vector.load %arg7[%get3A_22, %get3A_23, %get3A_24] : memref<1x128x128xf32, #tpu.memory_space<vmem>>, vector<1x128x128xf32>
    %get3A_26 = vector.shape_cast %get3A_25 : vector<1x128x128xf32> to vector<128x128xf32>
    %dot_general3A = arith.constant dense<0.000000e+00> : vector<1000x128xf32>
    %dot_general3A_27 = tpu.matmul %add3A_21, %get3A_26, %dot_general3A {dimension_numbers = #tpu.dot_dimension_numbers<[1], [0], [0], [1], [0, 0, 1, 1], [], []>, transpose_lhs_hint = false} : vector<1000x128xf32>, vector<128x128xf32>, vector<1000x128xf32> -> vector<1000x128xf32>
    %get3A_28 = arith.constant 0 : index
    %get3A_29 = arith.constant 0 : index
    %get3A_30 = arith.constant 0 : index
    %get3A_31 = vector.load %arg8[%get3A_28, %get3A_29, %get3A_30] : memref<1x1x128xf32, #tpu.memory_space<vmem>>, vector<1x1x128xf32>
    %get3A_32 = vector.shape_cast %get3A_31 : vector<1x1x128xf32> to vector<1x128xf32>
    %add3A_33 = vector.broadcast %get3A_32 : vector<1x128xf32> to vector<1000x128xf32>
    %add3A_34 = arith.addf %dot_general3A_27, %add3A_33 : vector<1000x128xf32>
    %swap3A = arith.constant 0 : index
    %swap3A_35 = arith.constant 0 : index
    %swap3A_36 = arith.constant 0 : index
    %swap3A_37 = vector.load %arg9[%swap3A, %swap3A_35, %swap3A_36] : memref<1x1000x128xf32, #tpu.memory_space<vmem>>, vector<1x1000x128xf32>
    %swap3A_38 = vector.shape_cast %swap3A_37 : vector<1x1000x128xf32> to vector<1000x128xf32>
    %swap3A_39 = vector.shape_cast %add3A_34 : vector<1000x128xf32> to vector<1x1000x128xf32>
    tpu.vector_store %arg9[%swap3A, %swap3A_35, %swap3A_36], %swap3A_39 {strides = array<i32>} : memref<1x1000x128xf32, #tpu.memory_space<vmem>>, vector<1x1000x128xf32>,
    return
  }
  func.func @transform_0(%arg0: i32, %arg1: i32) -> (i32, i32, i32) {
    %c0_i32 = arith.constant 0 : i32
    %c0_i32_0 = arith.constant 0 : i32
    %c0_i32_1 = arith.constant 0 : i32
    return %c0_i32, %arg0, %c0_i32_0 : i32, i32, i32
  }
  func.func @transform_1(%arg0: i32, %arg1: i32) -> (i32, i32, i32) {
    %c1_i32 = arith.constant 1 : i32
    %c0_i32 = arith.constant 0 : i32
    %c0_i32_0 = arith.constant 0 : i32
    return %c1_i32, %arg0, %c0_i32 : i32, i32, i32
  }
  func.func @transform_2(%arg0: i32, %arg1: i32) -> (i32, i32) {
    %c0_i32 = arith.constant 0 : i32
    %c0_i32_0 = arith.constant 0 : i32
    return %arg0, %c0_i32 : i32, i32
  }
  func.func @transform_3(%arg0: i32, %arg1: i32) -> (i32, i32) {
    %c0_i32 = arith.constant 0 : i32
    %c0_i32_0 = arith.constant 0 : i32
    return %arg0, %c0_i32 : i32, i32
  }
  func.func @transform_4(%arg0: i32, %arg1: i32) -> (i32, i32) {
    %c0_i32 = arith.constant 0 : i32
    %c0_i32_0 = arith.constant 0 : i32
    %c0_i32_1 = arith.constant 0 : i32
    return %c0_i32, %c0_i32_0 : i32, i32
  }
  func.func @transform_5(%arg0: i32, %arg1: i32) -> (i32, i32, i32) {
    %c0_i32 = arith.constant 0 : i32
    %c0_i32_0 = arith.constant 0 : i32
    %c0_i32_1 = arith.constant 0 : i32
    return %arg1, %c0_i32, %c0_i32_0 : i32, i32, i32
  }
  func.func @transform_6(%arg0: i32, %arg1: i32) -> (i32, i32, i32) {
    %c0_i32 = arith.constant 0 : i32
    %c0_i32_0 = arith.constant 0 : i32
    %c0_i32_1 = arith.constant 0 : i32
    return %arg1, %c0_i32, %c0_i32_0 : i32, i32, i32
  }
  func.func @transform_7(%arg0: i32, %arg1: i32) -> (i32, i32, i32) {
    %c0_i32 = arith.constant 0 : i32
    %c0_i32_0 = arith.constant 0 : i32
    return %arg1, %arg0, %c0_i32 : i32, i32, i32
  }
}

module attributes {stable_mosaic.version = 14 : i64} {
  func.func @body(%arg0: i32, %arg1: memref<2000x128xf32, #tpu.memory_space<vmem>>, %arg2: memref<2000x128xf32, #tpu.memory_space<vmem>>, %arg3: memref<128x64xf32, #tpu.memory_space<vmem>>, %arg4: memref<1x64xf32, #tpu.memory_space<vmem>>, %arg5: memref<64x32xf32, #tpu.memory_space<vmem>>, %arg6: memref<1x32xf32, #tpu.memory_space<vmem>>, %arg7: memref<1x32xf32, #tpu.memory_space<vmem>>, %arg8: memref<1x1xf32, #tpu.memory_space<vmem>>, %arg9: memref<2000x1xf32, #tpu.memory_space<vmem>>) attributes {dimension_semantics = [#tpu.dimension_semantics<arbitrary>], iteration_bounds = array<i64: 40>, scalar_prefetch = 0 : i64, scratch_operands = 0 : i64, tpu.core_type = #tpu.core_type<tc>, window_params = [{transform_indices = @transform_0, window_bounds = array<i64: 2000, 128>}, {transform_indices = @transform_1, window_bounds = array<i64: 2000, 128>}, {pipeline_mode = #tpu.pipeline_mode<synchronous>, transform_indices = @transform_2, window_bounds = array<i64: 128, 64>}, {pipeline_mode = #tpu.pipeline_mode<synchronous>, transform_indices = @transform_3, window_bounds = array<i64: 1, 64>}, {pipeline_mode = #tpu.pipeline_mode<synchronous>, transform_indices = @transform_4, window_bounds = array<i64: 64, 32>}, {pipeline_mode = #tpu.pipeline_mode<synchronous>, transform_indices = @transform_5, window_bounds = array<i64: 1, 32>}, {pipeline_mode = #tpu.pipeline_mode<synchronous>, transform_indices = @transform_6, window_bounds = array<i64: 1, 32>}, {pipeline_mode = #tpu.pipeline_mode<synchronous>, transform_indices = @transform_7, window_bounds = array<i64: 1, 1>}, {transform_indices = @transform_8, window_bounds = array<i64: 2000, 1>}]} {
    %get3A = arith.constant 0 : index
    %get3A_0 = arith.constant 0 : index
    %get3A_1 = vector.load %arg1[%get3A, %get3A_0] : memref<2000x128xf32, #tpu.memory_space<vmem>>, vector<2000x128xf32>
    %get3A_2 = arith.constant 0 : index
    %get3A_3 = arith.constant 0 : index
    %get3A_4 = vector.load %arg2[%get3A_2, %get3A_3] : memref<2000x128xf32, #tpu.memory_space<vmem>>, vector<2000x128xf32>
    %add3A = arith.addf %get3A_1, %get3A_4 : vector<2000x128xf32>
    %max3A = arith.constant 0.000000e+00 : f32
    %max3A_5 = vector.broadcast %max3A : f32 to vector<2000x128xf32>
    %max3A_6 = arith.maximumf %add3A, %max3A_5 : vector<2000x128xf32>
    %get3A_7 = arith.constant 0 : index
    %get3A_8 = arith.constant 0 : index
    %get3A_9 = vector.load %arg3[%get3A_7, %get3A_8] : memref<128x64xf32, #tpu.memory_space<vmem>>, vector<128x64xf32>
    %dot_general3A = arith.constant dense<0.000000e+00> : vector<2000x64xf32>
    %dot_general3A_10 = tpu.matmul %max3A_6, %get3A_9, %dot_general3A {dimension_numbers = #tpu.dot_dimension_numbers<[1], [0], [0], [1], [0, 0, 1, 1], [], []>, transpose_lhs_hint = false} : vector<2000x128xf32>, vector<128x64xf32>, vector<2000x64xf32> -> vector<2000x64xf32>
    %get3A_11 = arith.constant 0 : index
    %get3A_12 = arith.constant 0 : index
    %get3A_13 = vector.load %arg4[%get3A_11, %get3A_12] : memref<1x64xf32, #tpu.memory_space<vmem>>, vector<1x64xf32>
    %add3A_14 = vector.broadcast %get3A_13 : vector<1x64xf32> to vector<2000x64xf32>
    %add3A_15 = arith.addf %dot_general3A_10, %add3A_14 : vector<2000x64xf32>
    %max3A_16 = arith.constant 0.000000e+00 : f32
    %max3A_17 = vector.broadcast %max3A_16 : f32 to vector<2000x64xf32>
    %max3A_18 = arith.maximumf %add3A_15, %max3A_17 : vector<2000x64xf32>
    %get3A_19 = arith.constant 0 : index
    %get3A_20 = arith.constant 0 : index
    %get3A_21 = vector.load %arg5[%get3A_19, %get3A_20] : memref<64x32xf32, #tpu.memory_space<vmem>>, vector<64x32xf32>
    %dot_general3A_22 = arith.constant dense<0.000000e+00> : vector<2000x32xf32>
    %dot_general3A_23 = tpu.matmul %max3A_18, %get3A_21, %dot_general3A_22 {dimension_numbers = #tpu.dot_dimension_numbers<[1], [0], [0], [1], [0, 0, 1, 1], [], []>, transpose_lhs_hint = false} : vector<2000x64xf32>, vector<64x32xf32>, vector<2000x32xf32> -> vector<2000x32xf32>
    %get3A_24 = arith.constant 0 : index
    %get3A_25 = arith.constant 0 : index
    %get3A_26 = vector.load %arg6[%get3A_24, %get3A_25] : memref<1x32xf32, #tpu.memory_space<vmem>>, vector<1x32xf32>
    %add3A_27 = vector.broadcast %get3A_26 : vector<1x32xf32> to vector<2000x32xf32>
    %add3A_28 = arith.addf %dot_general3A_23, %add3A_27 : vector<2000x32xf32>
    %max3A_29 = arith.constant 0.000000e+00 : f32
    %max3A_30 = vector.broadcast %max3A_29 : f32 to vector<2000x32xf32>
    %max3A_31 = arith.maximumf %add3A_28, %max3A_30 : vector<2000x32xf32>
    %get3A_32 = arith.constant 0 : index
    %get3A_33 = arith.constant 0 : index
    %get3A_34 = vector.load %arg7[%get3A_32, %get3A_33] : memref<1x32xf32, #tpu.memory_space<vmem>>, vector<1x32xf32>
    %mul3A = vector.broadcast %get3A_34 : vector<1x32xf32> to vector<2000x32xf32>
    %mul3A_35 = arith.mulf %max3A_31, %mul3A : vector<2000x32xf32>
    %reduce_sum3A = arith.constant dense<0.000000e+00> : vector<2000xf32>
    %reduce_sum3A_36 = vector.multi_reduction <add>, %mul3A_35, %reduce_sum3A [1] : vector<2000x32xf32> to vector<2000xf32>
    %broadcast_in_dim3A = vector.shape_cast %reduce_sum3A_36 : vector<2000xf32> to vector<2000x1xf32>
    %get3A_37 = arith.constant 0 : index
    %get3A_38 = arith.constant 0 : index
    %get3A_39 = vector.load %arg8[%get3A_37, %get3A_38] : memref<1x1xf32, #tpu.memory_space<vmem>>, vector<1x1xf32>
    %add3A_40 = vector.broadcast %get3A_39 : vector<1x1xf32> to vector<2000x1xf32>
    %add3A_41 = arith.addf %broadcast_in_dim3A, %add3A_40 : vector<2000x1xf32>
    %swap3A = arith.constant 0 : index
    %swap3A_42 = arith.constant 0 : index
    %swap3A_43 = vector.load %arg9[%swap3A, %swap3A_42] : memref<2000x1xf32, #tpu.memory_space<vmem>>, vector<2000x1xf32>
    tpu.vector_store %arg9[%swap3A, %swap3A_42], %add3A_41 {strides = array<i32>} : memref<2000x1xf32, #tpu.memory_space<vmem>>, vector<2000x1xf32>,
    return
  }
  func.func @transform_0(%arg0: i32) -> (i32, i32) {
    %c0_i32 = arith.constant 0 : i32
    %c0_i32_0 = arith.constant 0 : i32
    return %arg0, %c0_i32 : i32, i32
  }
  func.func @transform_1(%arg0: i32) -> (i32, i32) {
    %add3A = arith.constant 40 : i32
    %add3A_0 = arith.addi %arg0, %add3A : i32
    %c0_i32 = arith.constant 0 : i32
    %c0_i32_1 = arith.constant 0 : i32
    return %add3A_0, %c0_i32 : i32, i32
  }
  func.func @transform_2(%arg0: i32) -> (i32, i32) {
    %c0_i32 = arith.constant 0 : i32
    %c0_i32_0 = arith.constant 0 : i32
    %c0_i32_1 = arith.constant 0 : i32
    return %c0_i32, %c0_i32_0 : i32, i32
  }
  func.func @transform_3(%arg0: i32) -> (i32, i32) {
    %c0_i32 = arith.constant 0 : i32
    %c0_i32_0 = arith.constant 0 : i32
    %c0_i32_1 = arith.constant 0 : i32
    return %c0_i32, %c0_i32_0 : i32, i32
  }
  func.func @transform_4(%arg0: i32) -> (i32, i32) {
    %c0_i32 = arith.constant 0 : i32
    %c0_i32_0 = arith.constant 0 : i32
    %c0_i32_1 = arith.constant 0 : i32
    return %c0_i32, %c0_i32_0 : i32, i32
  }
  func.func @transform_5(%arg0: i32) -> (i32, i32) {
    %c0_i32 = arith.constant 0 : i32
    %c0_i32_0 = arith.constant 0 : i32
    %c0_i32_1 = arith.constant 0 : i32
    return %c0_i32, %c0_i32_0 : i32, i32
  }
  func.func @transform_6(%arg0: i32) -> (i32, i32) {
    %c0_i32 = arith.constant 0 : i32
    %c0_i32_0 = arith.constant 0 : i32
    %c0_i32_1 = arith.constant 0 : i32
    return %c0_i32, %c0_i32_0 : i32, i32
  }
  func.func @transform_7(%arg0: i32) -> (i32, i32) {
    %c0_i32 = arith.constant 0 : i32
    %c0_i32_0 = arith.constant 0 : i32
    %c0_i32_1 = arith.constant 0 : i32
    return %c0_i32, %c0_i32_0 : i32, i32
  }
  func.func @transform_8(%arg0: i32) -> (i32, i32) {
    %c0_i32 = arith.constant 0 : i32
    %c0_i32_0 = arith.constant 0 : i32
    return %arg0, %c0_i32 : i32, i32
  }
}

</mosaic_0001>

<sc_bundles>
// kernel: kernel.16.cloned.1.call-start
scs
__scs_entry_jumppad:
0x0: {  	(pc) =	sbr.rel $0x88, $3  }
0x1: {  	(tag) =	ssettag $0x0;
	lr =	simm.s32 $0x1  }
0x2: {  	[smem:$0x3F93] =	sst lr;
	_ =	strace $0xD0000000  }
0x3: {  	_ = 	snop  }
0x4: {  	_ = 	snop  }
0x5: {  	_ = 	snop  }
0x6: {  	_ = 	snop  }
0x7: {  	_ = 	snop  }
__scs_overlays_trampoline_lowered:
0x8: {  	[smem:$0x3FA2] =	sst s0  }
0x9: {  	[smem:$0x3FA3] =	sst s1  }
0xa: {  	[smem:$0x3FA4] =	sst s2  }
0xb: {  	[smem:$0x3FA5] =	sst s3  }
0xc: {  	[smem:$0x3FA6] =	sst s4  }
0xd: {  	[smem:$0x3FA7] =	sst s5  }
0xe: {  	[smem:$0x3FA8] =	sst s6  }
0xf: {  	[smem:$0x3FA9] =	sst s7  }
0x10: {  	[smem:$0x3FAA] =	sst s8  }
0x11: {  	[smem:$0x3FAB] =	sst s9;
	s0 =	simm.s32 @!p0 $0x0  }
0x12: {  	s1 =	sld [smem:$0x3F91];
	s0 =	simm.s32 @p0 $0x1  }
0x13: {  	[smem:$0x3FAC] =	sst s0;
	s0 =	simm.s32 @!p1 $0x0  }
0x14: {  	s2 =	sld [smem:$0x3F90];
	s0 =	simm.s32 @p1 $0x1  }
0x15: {  	[smem:$0x3FAD] =	sst s0;
	s0 =	simm.s32 @!p2 $0x0  }
0x16: {  	s3 =	sld [smem:$0x3FDB];
	s0 =	simm.s32 @p2 $0x1  }
0x17: {  	s4 =	simm.s32 $0x1BF5;
	[smem:$0x3FAF] =	sst s0  }
0x18: {  	s0 =	sld [smem:$0x3F92];
	_ =	swait.ge [sflag:s4], $0x0  }
0x19: {  	s7 =	sld [smem:$0x3F93]  }
0x1a: {  	s8 =	sadd.s32 $0xFFFFE003, lr  }
0x1b: {  	s9 =	sadd.s32 $0xFFFFFEF7, lr;
	s5 =	simm.s32 $0xFFFFFFFF;
	p2 =	slt.u32 s8, $0xFFFFF086  }
0x1c: {  	p1 =	slt.u32 s9, $0xF7A;
	s5 =	simm.s32 @!p2 $0x0  }
0x1d: {  	s5 =	simm.s32 @p1 $0x1;
	p0 =	seq.s32 s7, s2  }
0x1e: {  	s7 =	smul.u32 @!p0 $0xF7A, s2;
	p2 =	seq.s32 @!p0 s5, $0x0  }
0x1f: {  	s9 =	smul.u32 $0xF7A, s1;
	s8 =	simm.s32 @!p0 $0x1BF5;
	p2 =	por !p2, p0  }
0x20: {  	[sflag:s8] =	ssyncset.s32 @!p0 $0xFFFFF086;
	s6 =	sadd.s32 @!p0 s3, s7;
	s7 =	simm.s32 @!p0 $0x108  }
0x21: {  	s3 =	sadd.s32 s3, s9;
	s6 =	sadd.s32 @!p0 $0x88, s6;
	s7 =	simm.s32 @p2 $0x1082  }
0x22: {  	[simem:s7], [sflag:s8] =	dma.local @!p0 [hbm:s6], $0xF7A  }
0x23: {  	s9 =	sor.u32 $0xD0000000, s2;
	s6 =	simm.s32 $0x108;
	_ =	swait.ge @!p0 [sflag:s8], $0x0  }
0x24: {  	s3 =	sadd.s32 $0x88, s3;
	s6 =	simm.s32 @!p1 $0x1082;
	[sflag:s4] =	ssyncset.s32 $0xFFFFF086  }
0x25: {  	[simem:s6], [sflag:s4] =	dma.local [hbm:s3], $0xF7A  }
0x26: {  	[smem:$0x3F93] =	sst s1;
	(tag) =	ssettag s2;
	_ =	strace s9  }
0x27: {  	s1 =	sld [smem:$0x3FA3]  }
0x28: {  	s2 =	sld [smem:$0x3FA4]  }
0x29: {  	s4 =	sld [smem:$0x3FA6]  }
0x2a: {  	p0 =	seq.s32 s5, $0x0;
	s5 =	sld [smem:$0x3FA7]  }
0x2b: {  	s6 =	sld [smem:$0x3FA8]  }
0x2c: {  	s7 =	sld [smem:$0x3FA9]  }
0x2d: {  	s3 =	simm.s32 $0x108;
	s8 =	sld [smem:$0x3FAA]  }
0x2e: {  	s3 =	simm.s32 @!p0 $0x1082;
	s9 =	sld [smem:$0x3FAB]  }
0x2f: {  	lr =	sadd.s32 s0, s3;
	s0 =	sld [smem:$0x3FA2]  }
0x30: {  	s3 =	sld [smem:$0x3FA5]  }
0x31: {  	[smem:$0x3FAE] =	sst s10  }
0x32: {  	s10 =	sld [smem:$0x3FAC];
	_ =	sdelay $0x3  }
0x33: {  	p0 =	seq.s32 s10, $0x1;
	s10 =	sld [smem:$0x3FAE];
	_ =	sdelay $0x3  }
0x34: {  	[smem:$0x3FAE] =	sst s10  }
0x35: {  	s10 =	sld [smem:$0x3FAD];
	_ =	sdelay $0x3  }
0x36: {  	p1 =	seq.s32 s10, $0x1;
	s10 =	sld [smem:$0x3FAE];
	_ =	sdelay $0x3  }
0x37: {  	[smem:$0x3FAE] =	sst s10  }
0x38: {  	s10 =	sld [smem:$0x3FAF]  }
0x39: {  	_ = 	snop;
	(pc) =	sbr.ind lr, $3  }
0x3a: {  	_ = 	snop  }
0x3b: {  	_ = 	snop  }
0x3c: {  	p2 =	seq.s32 s10, $0x1;
	s10 =	sld [smem:$0x3FAE]  }
0x3d: {  	_ =	shalt  }
0x3e: {  	_ =	shalt  }
0x3f: {  	_ =	shalt  }
0x40: {  	_ =	shalt  }
0x41: {  	_ =	shalt  }
0x42: {  	_ =	shalt  }
0x43: {  	_ =	shalt  }
0x44: {  	_ =	shalt  }
0x45: {  	_ =	shalt  }
0x46: {  	_ =	shalt  }
0x47: {  	_ =	shalt  }
0x48: {  	_ =	shalt  }
0x49: {  	_ =	shalt  }
0x4a: {  	_ =	shalt  }
0x4b: {  	_ =	shalt  }
0x4c: {  	_ =	shalt  }
0x4d: {  	_ =	shalt  }
0x4e: {  	_ =	shalt  }
0x4f: {  	_ =	shalt  }
0x50: {  	_ =	shalt  }
0x51: {  	_ =	shalt  }
0x52: {  	_ =	shalt  }
0x53: {  	_ =	shalt  }
0x54: {  	_ =	shalt  }
0x55: {  	_ =	shalt  }
0x56: {  	_ =	shalt  }
0x57: {  	_ =	shalt  }
0x58: {  	_ =	shalt  }
0x59: {  	_ =	shalt  }
0x5a: {  	_ =	shalt  }
0x5b: {  	_ =	shalt  }
0x5c: {  	_ =	shalt  }
0x5d: {  	_ =	shalt  }
0x5e: {  	_ =	shalt  }
0x5f: {  	_ =	shalt  }
0x60: {  	_ =	shalt  }
0x61: {  	_ =	shalt  }
0x62: {  	_ =	shalt  }
0x63: {  	_ =	shalt  }
0x64: {  	_ =	shalt  }
0x65: {  	_ =	shalt  }
0x66: {  	_ =	shalt  }
0x67: {  	_ =	shalt  }
0x68: {  	_ =	shalt  }
0x69: {  	_ =	shalt  }
0x6a: {  	_ =	shalt  }
0x6b: {  	_ =	shalt  }
0x6c: {  	_ =	shalt  }
0x6d: {  	_ =	shalt  }
0x6e: {  	_ =	shalt  }
0x6f: {  	_ =	shalt  }
0x70: {  	_ =	shalt  }
0x71: {  	_ =	shalt  }
0x72: {  	_ =	shalt  }
0x73: {  	_ =	shalt  }
0x74: {  	_ =	shalt  }
0x75: {  	_ =	shalt  }
0x76: {  	_ =	shalt  }
0x77: {  	_ =	shalt  }
0x78: {  	_ =	shalt  }
0x79: {  	_ =	shalt  }
0x7a: {  	_ =	shalt  }
0x7b: {  	_ =	shalt  }
0x7c: {  	_ =	shalt  }
0x7d: {  	_ =	shalt  }
0x7e: {  	_ =	shalt  }
0x7f: {  	_ =	shalt  }
0x80: {  	_ =	shalt  }
0x81: {  	_ =	shalt  }
0x82: {  	_ =	shalt  }
0x83: {  	_ =	shalt  }
0x84: {  	_ =	shalt  }
0x85: {  	_ =	shalt  }
0x86: {  	_ =	shalt  }
0x87: {  	_ =	shalt  }
.Lfunc_end0:
.L_simem_size_0:
called_computation_lowered:
.L_overlay_start_0:
0x88: {  	s2 =	sld [smem:$0x3FD9]  }
0x89: {  	s3 =	sld [smem:$0x3FFE];
	_ =	sdelay $0x1  }
0x8a: {  	s1 =	srdreg.scid  }
0x8b: {  	s0 =	sand.u32 $0x1, s1  }
0x8c: {  	s16 =	sshll.u32 s0, $0xA;
	s2 =	sadd.s32 s3, s2  }
0x8d: {  	s2 =	sadd.s32 s2, s16  }
0x8e: {  	[smem:$0x3FBA] =	sst s2  }
0x8f: {  	_ = 	snop  }
0x90: {  	(tm) =	ssettm $0x1  }
0x91: {  	s17 =	sld [smem:$0x3FFB];
	_ =	sdelay $0x3  }
0x92: {  	_ =	strace s17  }
0x93: {  	s2 =	sld [smem:$0x3FFC];
	_ =	sdelay $0x3  }
0x94: {  	_ =	strace s2  }
0x95: {  	s2 =	sld [smem:$0x3FFD];
	_ =	sdelay $0x3  }
0x96: {  	_ =	strace s2  }
0x97: {  	_ =	strace $0x8FFFFFFF  }
0x98: {  	s18 =	sld [smem:$0x3FDB];
	_ =	sdelay $0x1  }
0x99: {  	s19 =	simm.s32 $_scs_section_size  }
0x9a: {  	s4 =	simm.s32 $_size__tile_overlayer_lowered;
	s5 =	simm.s32 $_tile_overlayer_lowered  }
0x9b: {  	s22 =	simm.s32 $0x1BFF;
	s21 =	sshll.u32 s5, $0x1;
	s2 =	sadd.s32 s19, s18  }
0x9c: {  	s6 =	simm.s32 $0x0;
	s20 =	sshll.u32 s4, $0x1;
	s4 =	sadd.s32 s21, s2  }
0x9d: {  	[timem:s6], [sflag:s22] =	dma.local [hbm:s4], s20  }
0x9e: {  	_ =	swait.ge [sflag:s22], s20  }
0x9f: {  	s3 =	ssub.s32 $0x0, s20;
	[sflag:s22] =	ssyncset.done $0x0  }
0xa0: {  	[sflag:s22] =	ssyncadd.s32 s3;
	_ =	sdelay $0x1  }
0xa1: {  	s23 =	simm.s32 $0x1B8B  }
0xa2: {  	_ =	swait.ge [sflag:s23], $0x1  }
0xa3: {  	[sflag:s23] =	ssyncset.done $0x0  }
0xa4: {  	s25 =	simm.s32 $0x1B8E;
	s24 =	sld [smem:$0x3FFE];
	[sflag:s23] =	ssyncadd.s32 $0xFFFFFFFF  }
0xa5: {  	s26 =	simm.s32 $execute0_lowered;
	[smem:$0x3FD2] =	sst s25  }
0xa6: {  	s4 =	sshll.u32 s26, $0x1;
	_ =	strace $0x80000046;
	[dreg:$0x1] =	wrdreg $0xFFFFFFFF  }
0xa7: {  	s28 =	simm.s32 $_size_execute0_lowered;
	s2 =	sadd.s32 s2, s4;
	[dreg:$0x0] =	wrdreg $0x0  }
0xa8: {  	s4 =	sshll.u32 s28, $0x1;
	[dreg:$0x2] =	wrdreg s2  }
0xa9: {  	[dreg:$0x3] =	wrdreg s4  }
0xaa: {  	[dreg:$0x4] =	wrdreg $0xC0  }
0xab: {  	_ =	task [dreg:s6], $0x5FFFF  }
0xac: {  	[dreg:$0x1] =	wrdreg $0xFFFFFFFF  }
0xad: {  	[dreg:$0x0] =	wrdreg $0x60  }
0xae: {  	[dreg:$0x2] =	wrdreg s24  }
0xaf: {  	[dreg:$0x3] =	wrdreg $0x8800  }
0xb0: {  	[dreg:$0x4] =	wrdreg $0x9  }
0xb1: {  	_ =	task.clear_ibuf [dreg:s6], $0x5FFFF;
	_ =	strace $0x90000046  }
0xb2: {  	s29 =	simm.s32 $0x9;
	_ =	strace $0x80000048  }
0xb3: {  	_ =	swait.ge [sflag:s29], $0x1  }
0xb4: {  	[sflag:s29] =	ssyncadd.s32 $0xFFFFFFFF  }
0xb5: {  	_ =	strace $0x90000048  }
0xb6: {  	_ =	sfence  }
0xb7: {  	s30 =	sld [smem:$0x0];
	_ =	sdelay $0x2  }
0xb8: {  	s31 =	sshll.u32 s1, $0xD;
	s1 =	sshrl.u32 s1, $0x2  }
0xb9: {  	s3 =	sand.u32 $0x4000, s31;
	s1 =	sadd.s32 s1, s30  }
0xba: {  	s0 =	sor.u32 s3, s0;
	s1 =	sshll.u32 s1, $0x11  }
0xbb: {  	s0 =	sor.u32 s1, s0  }
0xbc: {  	s0 =	sadd.s32 $0x8F2B, s0  }
0xbd: {  	[sflag:s0] =	ssyncadd.remote.s32 $0x1  }
0xbe: {  	_ =	sfence.sel $0xFFFF  }
0xbf: {  	[dreg:$0x0] =	wrdreg $0xFFFFFFFF;
	(pc) =	sbr.abs _section_cstart, $3  }
0xc0: {  	[dreg:$0x1] =	wrdreg $0xFFFFFFFF  }
0xc1: {  	_ =	task.clear_ibuf [dreg:s6], $0x2FFFF;
	_ =	strace $0x9FFFFFFF  }
0xc2: {  	(tm) =	ssettm $0x7FFFFFFF  }
0xc3: {  	_ =	shalt  }
tec
execute0_lowered:
.L_overlay_start_1:
0x0: {  	(tag) =	ssettag $0x1  }
0x1: {  	s7 =	rddreg [dreg:$0x0]  }
0x2: {  	s2 =	rddreg [dreg:$0x1]  }
0x3: {  	s0 =	rddreg [dreg:$0x2]  }
0x4: {  	s3 =	simm.s32 $0x0;
	s1 =	stileid.u32;
	s5 =	srdreg.scid  }
0x5: {  	s14 =	simm.s32 $0x1;
	s18 =	simm.s32 $0x0;
	[smem:$0x7FF] =	sst s3  }
0x6: {  	s8 =	smul.u32 $0x2780, s1;
	s4 =	sadd.s32 $0x5400, s7;
	s12 =	sand.u32 $0x1, s5  }
0x7: {  	s5 =	sadd.s32 $0xF200, s7;
	s10 =	sadd.s32 $0x14400, s7;
	s28 =	sshll.u32 s1, $0x1  }
0x8: {  	s15 =	sadd.s32 $0x25080, s2;
	s31 =	sshll.u32 s1, $0x8;
	p0 =	seq.s32 s1, $0xF  }
0x9: {  	_ =	strace $0x80000047;
	s9 =	ssub.s32 $0x2, s12;
	s13 =	smul.u32 $0x27100, s12  }
0xa: {  	s29 =	sor.u32 s28, s12;
	s12 =	sshll.u32 s12, $0x7;
	s15 =	sshrl.u32 @p0 s15, $0x3  }
0xb: {  	s16 =	sshll.u32 @!p0 s1, $0x6;
	s6 =	sshrl.u32 s8, $0x3;
	s11 =	sshrl.u32 s9, $0x1  }
0xc: {  	s17 =	sadd.s32 s8, s2;
	s30 =	ssub.s32 $0x9E3, s29;
	s12 =	sor.u32 s12, s31  }
0xd: {  	s16 =	sor.u32 @!p0 $0x1C01, s16;
	s6 =	sadd.s32 s6, s7;
	s11 =	ssub.s32 s9, s11  }
0xe: {  	s8 =	sadd.s32 s8, s13;
	s7 =	sadd.s32 $0x13E10, s7;
	s13 =	sshrl.u32 s13, $0x3  }
0xf: {  	s17 =	sshrl.u32 @!p0 s17, $0x3;
	s6 =	sadd.s32 $0xF400, s6;
	s8 =	sshrl.u32 s8, $0x3  }
0x10: {  	s8 =	sadd.s32 s10, s8;
	s10 =	sadd.s32 s10, s13;
	s13 =	simm.s32 $0x80  }
0x11: {  	s9 =	sadd.s32 $0x4A10, s10;
	s10 =	smax.u32 s11, $0x1;
	s11 =	sshrl.u32 s30, $0x5  }
.LBB2_1:
0x12: {  	[tilespmem:s13], [sflag:$0x1] =	stream.linear.gather [hbm4b:s5+s3], $0x800, $0x38;
	[tilespmem:$0x2F90] =	vst v63  }
0x13: {  	_ =	swait.ge [sflag:s14], $0x800  }
0x14: {  	[sflag:s14] =	ssyncset.done $0x0  }
0x15: {  	s21 =	simm.s32 @p0 $0x1FC1;
	s20 =	simm.s32 @p0 $0x1;
	[sflag:s14] =	ssyncadd.s32 $0xFFFFF800  }
0x16: {  	[spmem:s15], [sflag:s21] =	dma.local @p0 [hbm:s7], $0x410  }
0x17: {  	_ =	swait.ge @p0 [sflag:s20], $0x410  }
0x18: {  	[sflag:s20] =	ssyncset.done @p0 $0x0  }
0x19: {  	s19 =	simm.s32 @!p0 $0x1;
	p2 =	sne.s32 s11, $0x1;
	[sflag:s20] =	ssyncadd.s32 @p0 $0xFFFFFBF0  }
0x1a: {  	[spmem:s17], [sflag:s16] =	dma.local @!p0 [hbm:s6], $0x4F0  }
.Ltmp0:
0x1b: {  	_ =	swait.ge @!p0 [sflag:s19], $0x4F0;
	(pc) =	sbr.rel @!p2 .LBB2_4-.Ltmp0, $4  }
0x1c: {  	[sflag:s19] =	ssyncset.done @!p0 $0x0  }
0x1d: {  	[sflag:s19] =	ssyncadd.s32 @!p0 $0xFFFFFB10  }
0x1e: {  	[bflag:$0x0] =	sbarrier.arrive $0xFFFF  }
0x1f: {  	s22 =	sadd.s32 $0xFFFFFFFF, s11;
	s24 =	sshrl.u32 s12, $0x3;
	p1 =	por $0x0, $0x0  }
0x20: {  	s23 =	sadd.s32 s4, s24  }
0x21: {  	[tilespmem:s3], [sflag:$0x1] =	stream.linear.gather [hbm4b:s23+s3], $0x80, $0x38;
	[tilespmem:$0x2F90] =	vst v63  }
0x22: {  	p2 =	sne.s32 s22, $0x1;
	_ =	swait.ge [sflag:s14], $0x80  }
.Ltmp1:
0x23: {  	[sflag:s14] =	ssyncset.done $0x0;
	(pc) =	sbr.rel @!p2 .LBB2_4-.Ltmp1, $4  }
0x24: {  	[sflag:s14] =	ssyncadd.s32 $0xFFFFFF80  }
0x25: {  	[spmem:s2] =	stream.indirect.scatter.add.f32 [tilespmem:s13], [sflag:$0x1], $0x10, s3, s13, $0xb8;
	[tilespmem:$0x2F90] =	vst v63  }
0x26: {  	s22 =	sadd.s32 $0xFFFFFFFF, s22;
	s23 =	sadd.s32 $0x1000, s12;
	_ =	swait.ge [sflag:s14], $0x800  }
0x27: {  	p1 =	por $0x1, $0x1;
	s24 =	sshrl.u32 s23, $0x3;
	[sflag:s14] =	ssyncset.done $0x0  }
.LBB2_3:
0x28: {  	p2 =	sne.s32 s22, $0x1;
	s24 =	sadd.s32 s4, s24;
	[sflag:s14] =	ssyncadd.s32 $0xFFFFF800  }
0x29: {  	[tilespmem:s3], [sflag:$0x1] =	stream.linear.gather [hbm4b:s24+s3], $0x80, $0x38;
	[tilespmem:$0x2F90] =	vst v63  }
0x2a: {  	s22 =	sadd.s32 $0xFFFFFFFF, s22;
	_ =	swait.ge [sflag:s14], $0x80  }
.Ltmp2:
0x2b: {  	[sflag:s14] =	ssyncset.done $0x0;
	(pc) =	sbr.rel @p2 .LBB2_3-.Ltmp2, $4  }
0x2c: {  	[sflag:s14] =	ssyncadd.s32 $0xFFFFFF80  }
0x2d: {  	[spmem:s2] =	stream.indirect.scatter.add.f32 [tilespmem:s13], [sflag:$0x1], $0x10, s3, s13, $0xb8;
	[tilespmem:$0x2F90] =	vst v63  }
0x2e: {  	s23 =	sadd.s32 $0x1000, s23;
	_ =	swait.ge [sflag:s14], $0x800  }
0x2f: {  	s24 =	sshrl.u32 s23, $0x3;
	[sflag:s14] =	ssyncset.done $0x0  }
.LBB2_4:
0x30: {  	s22 =	sadd.s32 s4, s24;
	[sflag:s14] =	ssyncadd.s32 @p1 $0xFFFFF800  }
0x31: {  	[tilespmem:s3], [sflag:$0x1] =	stream.linear.gather [hbm4b:s22+s3], $0x80, $0x38;
	[tilespmem:$0x2F90] =	vst v63  }
0x32: {  	_ =	swait.ge [sflag:s14], $0x80  }
0x33: {  	[sflag:s14] =	ssyncset.done $0x0  }
0x34: {  	[sflag:s14] =	ssyncadd.s32 $0xFFFFFF80  }
0x35: {  	[spmem:s2] =	stream.indirect.scatter.add.f32 [tilespmem:s13], [sflag:$0x1], $0x10, s3, s13, $0xb8;
	[tilespmem:$0x2F90] =	vst v63  }
0x36: {  	_ =	swait.ge [sflag:s14], $0x800  }
0x37: {  	[sflag:s14] =	ssyncset.done $0x0  }
0x38: {  	[sflag:s14] =	ssyncadd.s32 $0xFFFFF800  }
0x39: {  	[bflag:$0x0] =	sbarrier.arrive $0xFFFF  }
0x3a: {  	[hbm:s9], [sflag:s21] =	dma.local @p0 [spmem:s15], $0x410  }
0x3b: {  	s18 =	sadd.s32 $0x1, s18;
	_ =	swait.ge @p0 [sflag:s20], $0x410  }
0x3c: {  	p1 =	sne.s32 s18, s10;
	[sflag:s20] =	ssyncset.done @p0 $0x0  }
.Ltmp3:
0x3d: {  	[sflag:s20] =	ssyncadd.s32 @p0 $0xFFFFFBF0;
	(pc) =	sbr.rel @p1 .LBB2_1-.Ltmp3, $4  }
0x3e: {  	[hbm:s8], [sflag:s16] =	dma.local @!p0 [spmem:s17], $0x4F0  }
0x3f: {  	_ =	swait.ge @!p0 [sflag:s19], $0x4F0  }
0x40: {  	[sflag:s19] =	ssyncset.done @!p0 $0x0  }
0x41: {  	[sflag:s19] =	ssyncadd.s32 @!p0 $0xFFFFFB10  }
0x42: {  	_ =	sfence.sel $0x180000  }
0x43: {  	[bflag:$0x0] =	sbarrier.arrive $0xFFFF  }
0x44: {  	p0 =	sne.s32 s1, $0x0;
	_ =	strace $0x90000047  }
0x45: {  	s0 =	sadd.s32 @!p0 $0x100000, s0;
	[bflag:$0x2] =	sbarrier.arrive $0xFFFF  }
0x46: {  	[sflag:s0] =	ssyncadd.tile.s32 @!p0 $0x1;
	_ =	shalt  }
.Lfunc_end2:
_tile_overlayer_lowered:
.L_overlay_start_2:
0x47: {  	(tag) =	ssettag $0x2  }
0x48: {  	s0 =	rddreg [dreg:$0x0];
	s2 =	stileid.u32  }
0x49: {  	s1 =	rddreg [dreg:$0x1];
	p0 =	sne.s32 s2, $0x0  }
0x4a: {  	s3 =	rddreg [dreg:$0x2];
	[bflag:$0x3] =	sbarrier.arrive $0xFFFF;
	s2 =	simm.s32 @!p0 $0x1C01  }
0x4b: {  	[timem:s3], [sflag:s2] =	dma.local @!p0 [hbm:s0], s1  }
0x4c: {  	s0 =	simm.s32 @!p0 $0x1  }
0x4d: {  	_ =	swait.ge @!p0 [sflag:s0], s1  }
0x4e: {  	s1 =	ssub.s32 @!p0 $0x0, s1;
	[sflag:s0] =	ssyncset.done @!p0 $0x0  }
0x4f: {  	[sflag:s0] =	ssyncadd.s32 @!p0 s1  }
0x50: {  	[bflag:$0x3] =	sbarrier.arrive $0xFFFF  }
0x51: {  	_ =	shalt  }

// kernel: kernel.19.cloned.1.call-start
scs
__scs_entry_jumppad:
0x0: {  	(pc) =	sbr.rel $0x88, $3  }
0x1: {  	(tag) =	ssettag $0x0;
	lr =	simm.s32 $0x1  }
0x2: {  	[smem:$0x3F93] =	sst lr;
	_ =	strace $0xD0000000  }
0x3: {  	_ = 	snop  }
0x4: {  	_ = 	snop  }
0x5: {  	_ = 	snop  }
0x6: {  	_ = 	snop  }
0x7: {  	_ = 	snop  }
__scs_overlays_trampoline_lowered:
0x8: {  	[smem:$0x3FA2] =	sst s0  }
0x9: {  	[smem:$0x3FA3] =	sst s1  }
0xa: {  	[smem:$0x3FA4] =	sst s2  }
0xb: {  	[smem:$0x3FA5] =	sst s3  }
0xc: {  	[smem:$0x3FA6] =	sst s4  }
0xd: {  	[smem:$0x3FA7] =	sst s5  }
0xe: {  	[smem:$0x3FA8] =	sst s6  }
0xf: {  	[smem:$0x3FA9] =	sst s7  }
0x10: {  	[smem:$0x3FAA] =	sst s8  }
0x11: {  	[smem:$0x3FAB] =	sst s9;
	s0 =	simm.s32 @!p0 $0x0  }
0x12: {  	s1 =	sld [smem:$0x3F91];
	s0 =	simm.s32 @p0 $0x1  }
0x13: {  	[smem:$0x3FAC] =	sst s0;
	s0 =	simm.s32 @!p1 $0x0  }
0x14: {  	s2 =	sld [smem:$0x3F90];
	s0 =	simm.s32 @p1 $0x1  }
0x15: {  	[smem:$0x3FAD] =	sst s0;
	s0 =	simm.s32 @!p2 $0x0  }
0x16: {  	s3 =	sld [smem:$0x3FDB];
	s0 =	simm.s32 @p2 $0x1  }
0x17: {  	s4 =	simm.s32 $0x1BF5;
	[smem:$0x3FAF] =	sst s0  }
0x18: {  	s0 =	sld [smem:$0x3F92];
	_ =	swait.ge [sflag:s4], $0x0  }
0x19: {  	s7 =	sld [smem:$0x3F93]  }
0x1a: {  	s8 =	sadd.s32 $0xFFFFE003, lr  }
0x1b: {  	s9 =	sadd.s32 $0xFFFFFEF7, lr;
	s5 =	simm.s32 $0xFFFFFFFF;
	p2 =	slt.u32 s8, $0xFFFFF086  }
0x1c: {  	p1 =	slt.u32 s9, $0xF7A;
	s5 =	simm.s32 @!p2 $0x0  }
0x1d: {  	s5 =	simm.s32 @p1 $0x1;
	p0 =	seq.s32 s7, s2  }
0x1e: {  	s7 =	smul.u32 @!p0 $0xF7A, s2;
	p2 =	seq.s32 @!p0 s5, $0x0  }
0x1f: {  	s9 =	smul.u32 $0xF7A, s1;
	s8 =	simm.s32 @!p0 $0x1BF5;
	p2 =	por !p2, p0  }
0x20: {  	[sflag:s8] =	ssyncset.s32 @!p0 $0xFFFFF086;
	s6 =	sadd.s32 @!p0 s3, s7;
	s7 =	simm.s32 @!p0 $0x108  }
0x21: {  	s3 =	sadd.s32 s3, s9;
	s6 =	sadd.s32 @!p0 $0x88, s6;
	s7 =	simm.s32 @p2 $0x1082  }
0x22: {  	[simem:s7], [sflag:s8] =	dma.local @!p0 [hbm:s6], $0xF7A  }
0x23: {  	s9 =	sor.u32 $0xD0000000, s2;
	s6 =	simm.s32 $0x108;
	_ =	swait.ge @!p0 [sflag:s8], $0x0  }
0x24: {  	s3 =	sadd.s32 $0x88, s3;
	s6 =	simm.s32 @!p1 $0x1082;
	[sflag:s4] =	ssyncset.s32 $0xFFFFF086  }
0x25: {  	[simem:s6], [sflag:s4] =	dma.local [hbm:s3], $0xF7A  }
0x26: {  	[smem:$0x3F93] =	sst s1;
	(tag) =	ssettag s2;
	_ =	strace s9  }
0x27: {  	s1 =	sld [smem:$0x3FA3]  }
0x28: {  	s2 =	sld [smem:$0x3FA4]  }
0x29: {  	s4 =	sld [smem:$0x3FA6]  }
0x2a: {  	p0 =	seq.s32 s5, $0x0;
	s5 =	sld [smem:$0x3FA7]  }
0x2b: {  	s6 =	sld [smem:$0x3FA8]  }
0x2c: {  	s7 =	sld [smem:$0x3FA9]  }
0x2d: {  	s3 =	simm.s32 $0x108;
	s8 =	sld [smem:$0x3FAA]  }
0x2e: {  	s3 =	simm.s32 @!p0 $0x1082;
	s9 =	sld [smem:$0x3FAB]  }
0x2f: {  	lr =	sadd.s32 s0, s3;
	s0 =	sld [smem:$0x3FA2]  }
0x30: {  	s3 =	sld [smem:$0x3FA5]  }
0x31: {  	[smem:$0x3FAE] =	sst s10  }
0x32: {  	s10 =	sld [smem:$0x3FAC];
	_ =	sdelay $0x3  }
0x33: {  	p0 =	seq.s32 s10, $0x1;
	s10 =	sld [smem:$0x3FAE];
	_ =	sdelay $0x3  }
0x34: {  	[smem:$0x3FAE] =	sst s10  }
0x35: {  	s10 =	sld [smem:$0x3FAD];
	_ =	sdelay $0x3  }
0x36: {  	p1 =	seq.s32 s10, $0x1;
	s10 =	sld [smem:$0x3FAE];
	_ =	sdelay $0x3  }
0x37: {  	[smem:$0x3FAE] =	sst s10  }
0x38: {  	s10 =	sld [smem:$0x3FAF]  }
0x39: {  	_ = 	snop;
	(pc) =	sbr.ind lr, $3  }
0x3a: {  	_ = 	snop  }
0x3b: {  	_ = 	snop  }
0x3c: {  	p2 =	seq.s32 s10, $0x1;
	s10 =	sld [smem:$0x3FAE]  }
0x3d: {  	_ =	shalt  }
0x3e: {  	_ =	shalt  }
0x3f: {  	_ =	shalt  }
0x40: {  	_ =	shalt  }
0x41: {  	_ =	shalt  }
0x42: {  	_ =	shalt  }
0x43: {  	_ =	shalt  }
0x44: {  	_ =	shalt  }
0x45: {  	_ =	shalt  }
0x46: {  	_ =	shalt  }
0x47: {  	_ =	shalt  }
0x48: {  	_ =	shalt  }
0x49: {  	_ =	shalt  }
0x4a: {  	_ =	shalt  }
0x4b: {  	_ =	shalt  }
0x4c: {  	_ =	shalt  }
0x4d: {  	_ =	shalt  }
0x4e: {  	_ =	shalt  }
0x4f: {  	_ =	shalt  }
0x50: {  	_ =	shalt  }
0x51: {  	_ =	shalt  }
0x52: {  	_ =	shalt  }
0x53: {  	_ =	shalt  }
0x54: {  	_ =	shalt  }
0x55: {  	_ =	shalt  }
0x56: {  	_ =	shalt  }
0x57: {  	_ =	shalt  }
0x58: {  	_ =	shalt  }
0x59: {  	_ =	shalt  }
0x5a: {  	_ =	shalt  }
0x5b: {  	_ =	shalt  }
0x5c: {  	_ =	shalt  }
0x5d: {  	_ =	shalt  }
0x5e: {  	_ =	shalt  }
0x5f: {  	_ =	shalt  }
0x60: {  	_ =	shalt  }
0x61: {  	_ =	shalt  }
0x62: {  	_ =	shalt  }
0x63: {  	_ =	shalt  }
0x64: {  	_ =	shalt  }
0x65: {  	_ =	shalt  }
0x66: {  	_ =	shalt  }
0x67: {  	_ =	shalt  }
0x68: {  	_ =	shalt  }
0x69: {  	_ =	shalt  }
0x6a: {  	_ =	shalt  }
0x6b: {  	_ =	shalt  }
0x6c: {  	_ =	shalt  }
0x6d: {  	_ =	shalt  }
0x6e: {  	_ =	shalt  }
0x6f: {  	_ =	shalt  }
0x70: {  	_ =	shalt  }
0x71: {  	_ =	shalt  }
0x72: {  	_ =	shalt  }
0x73: {  	_ =	shalt  }
0x74: {  	_ =	shalt  }
0x75: {  	_ =	shalt  }
0x76: {  	_ =	shalt  }
0x77: {  	_ =	shalt  }
0x78: {  	_ =	shalt  }
0x79: {  	_ =	shalt  }
0x7a: {  	_ =	shalt  }
0x7b: {  	_ =	shalt  }
0x7c: {  	_ =	shalt  }
0x7d: {  	_ =	shalt  }
0x7e: {  	_ =	shalt  }
0x7f: {  	_ =	shalt  }
0x80: {  	_ =	shalt  }
0x81: {  	_ =	shalt  }
0x82: {  	_ =	shalt  }
0x83: {  	_ =	shalt  }
0x84: {  	_ =	shalt  }
0x85: {  	_ =	shalt  }
0x86: {  	_ =	shalt  }
0x87: {  	_ =	shalt  }
.Lfunc_end0:
.L_simem_size_0:
called_computation.1_lowered:
.L_overlay_start_0:
0x88: {  	s2 =	sld [smem:$0x3FD9]  }
0x89: {  	s3 =	sld [smem:$0x3FFE];
	_ =	sdelay $0x1  }
0x8a: {  	s1 =	srdreg.scid  }
0x8b: {  	s0 =	sand.u32 $0x1, s1  }
0x8c: {  	s17 =	sshll.u32 s0, $0xA;
	s2 =	sadd.s32 s3, s2  }
0x8d: {  	s2 =	sadd.s32 s2, s17  }
0x8e: {  	[smem:$0x3FBA] =	sst s2  }
0x8f: {  	_ = 	snop  }
0x90: {  	s2 =	sld [smem:$0x3FD0];
	(tm) =	ssettm $0x1  }
0x91: {  	s18 =	sld [smem:$0x3FFB];
	_ =	sdelay $0x3  }
0x92: {  	_ =	strace s18  }
0x93: {  	s3 =	sld [smem:$0x3FFC];
	_ =	sdelay $0x3  }
0x94: {  	_ =	strace s3  }
0x95: {  	s3 =	sld [smem:$0x3FFD];
	_ =	sdelay $0x3  }
0x96: {  	_ =	strace s3  }
0x97: {  	_ =	strace $0x8FFFFFFF  }
0x98: {  	s19 =	sld [smem:$0x3FDB];
	_ =	sdelay $0x1  }
0x99: {  	s4 =	simm.s32 $_scs_section_size  }
0x9a: {  	s5 =	simm.s32 $_size__tile_overlayer_lowered;
	s6 =	simm.s32 $_tile_overlayer_lowered  }
0x9b: {  	s22 =	simm.s32 $0x1BFF;
	s21 =	sshll.u32 s6, $0x1;
	s3 =	sadd.s32 s4, s19  }
0x9c: {  	s7 =	simm.s32 $0x0;
	s20 =	sshll.u32 s5, $0x1;
	s5 =	sadd.s32 s21, s3  }
0x9d: {  	[timem:s7], [sflag:s22] =	dma.local [hbm:s5], s20  }
0x9e: {  	_ =	swait.ge [sflag:s22], s20  }
0x9f: {  	s4 =	ssub.s32 $0x0, s20;
	[sflag:s22] =	ssyncset.done $0x0  }
0xa0: {  	[sflag:s22] =	ssyncadd.s32 s4;
	_ =	sdelay $0x1  }
0xa1: {  	s23 =	simm.s32 $0x1B8B  }
0xa2: {  	_ =	swait.ge [sflag:s23], $0x1  }
0xa3: {  	[sflag:s23] =	ssyncset.done $0x0  }
0xa4: {  	s25 =	simm.s32 $0x1B8E;
	s24 =	sld [smem:$0x3FFE];
	[sflag:s23] =	ssyncadd.s32 $0xFFFFFFFF  }
0xa5: {  	s26 =	simm.s32 $execute0_lowered;
	[smem:$0x3FD2] =	sst s25  }
0xa6: {  	s5 =	sshll.u32 s26, $0x1;
	_ =	strace $0x80000049;
	[dreg:$0x1] =	wrdreg $0xFFFFFFFF  }
0xa7: {  	s28 =	simm.s32 $_size_execute0_lowered;
	s3 =	sadd.s32 s3, s5;
	[dreg:$0x0] =	wrdreg $0x0  }
0xa8: {  	s5 =	sshll.u32 s28, $0x1;
	[dreg:$0x2] =	wrdreg s3  }
0xa9: {  	[dreg:$0x3] =	wrdreg s5  }
0xaa: {  	[dreg:$0x4] =	wrdreg $0xC0  }
0xab: {  	_ =	task [dreg:s7], $0x5FFFF  }
0xac: {  	[dreg:$0x1] =	wrdreg $0xFFFFFFFF  }
0xad: {  	[dreg:$0x0] =	wrdreg $0x60  }
0xae: {  	[dreg:$0x2] =	wrdreg s24  }
0xaf: {  	[dreg:$0x3] =	wrdreg s2  }
0xb0: {  	[dreg:$0x4] =	wrdreg $0x41000  }
0xb1: {  	[dreg:$0x5] =	wrdreg $0x9  }
0xb2: {  	_ =	task.clear_ibuf [dreg:s7], $0x6FFFF;
	_ =	strace $0x90000049  }
0xb3: {  	s29 =	simm.s32 $0x9;
	_ =	strace $0x8000004B  }
0xb4: {  	_ =	swait.ge [sflag:s29], $0x1  }
0xb5: {  	[sflag:s29] =	ssyncadd.s32 $0xFFFFFFFF  }
0xb6: {  	_ =	strace $0x9000004B  }
0xb7: {  	_ =	sfence  }
0xb8: {  	s30 =	sld [smem:$0x0];
	_ =	sdelay $0x2  }
0xb9: {  	s31 =	sshll.u32 s1, $0xD;
	s1 =	sshrl.u32 s1, $0x2  }
0xba: {  	s3 =	sand.u32 $0x4000, s31;
	s1 =	sadd.s32 s1, s30  }
0xbb: {  	s0 =	sor.u32 s3, s0;
	s1 =	sshll.u32 s1, $0x11  }
0xbc: {  	s0 =	sor.u32 s1, s0  }
0xbd: {  	s0 =	sadd.s32 $0x8F2B, s0  }
0xbe: {  	[sflag:s0] =	ssyncadd.remote.s32 $0x1  }
0xbf: {  	_ =	sfence.sel $0xFFFF  }
0xc0: {  	[dreg:$0x0] =	wrdreg $0xFFFFFFFF;
	(pc) =	sbr.abs _section_cstart, $3  }
0xc1: {  	[dreg:$0x1] =	wrdreg $0xFFFFFFFF  }
0xc2: {  	_ =	task.clear_ibuf [dreg:s7], $0x2FFFF;
	_ =	strace $0x9FFFFFFF  }
0xc3: {  	(tm) =	ssettm $0x7FFFFFFF  }
tec
execute0_lowered:
.L_overlay_start_1:
0x0: {  	(tag) =	ssettag $0x1  }
0x1: {  	s8 =	rddreg [dreg:$0x0]  }
0x2: {  	s1 =	rddreg [dreg:$0x1]  }
0x3: {  	s3 =	rddreg [dreg:$0x2]  }
0x4: {  	s0 =	rddreg [dreg:$0x3]  }
0x5: {  	s4 =	simm.s32 $0x0;
	s2 =	stileid.u32;
	s9 =	srdreg.scid  }
0x6: {  	s18 =	simm.s32 $0x80;
	s19 =	simm.s32 $0x100;
	s20 =	simm.s32 $0x0  }
0x7: {  	[smem:$0x7FF] =	sst s4;
	s7 =	smul.u32 $0x2780, s2;
	s5 =	sadd.s32 $0xF200, s8  }
0x8: {  	s6 =	sadd.s32 $0x5400, s8;
	s13 =	sand.u32 $0x1, s9;
	s10 =	smul.u32 $0x4F000, s2  }
0x9: {  	s11 =	sadd.s32 $0x5D600, s8;
	s26 =	smul.u32 $0x13C00, s2;
	s15 =	sshll.u32 s2, $0x1  }
0xa: {  	s17 =	sadd.s32 $0x128400, s3;
	s31 =	sshll.u32 s2, $0x8;
	p0 =	seq.s32 s2, $0xF  }
0xb: {  	_ =	strace $0x8000004A;
	s9 =	ssub.s32 $0x2, s13;
	s14 =	smul.u32 $0x138800, s13  }
0xc: {  	s30 =	sor.u32 s15, s13;
	s13 =	sshll.u32 s13, $0x7;
	s15 =	sshll.u32 @!p0 s2, $0x6  }
0xd: {  	s7 =	sadd.s32 s7, s8;
	s12 =	sshrl.u32 s9, $0x1;
	s25 =	sshrl.u32 s10, $0x2  }
0xe: {  	s8 =	sadd.s32 $0x5B480, s8;
	s13 =	sor.u32 s13, s31;
	s15 =	sor.u32 @!p0 $0x1C01, s15  }
0xf: {  	s12 =	ssub.s32 s9, s12;
	s16 =	sadd.s32 s25, s3;
	s7 =	sadd.s32 $0x36400, s7  }
0x10: {  	s28 =	sadd.s32 s26, s14;
	s29 =	sshrl.u32 s14, $0x3;
	s14 =	ssub.s32 $0x9E3, s30  }
0x11: {  	s9 =	sshrl.u32 s28, $0x3;
	s10 =	sadd.s32 s11, s29;
	s16 =	sshrl.u32 @!p0 s16, $0x3  }
0x12: {  	s9 =	sadd.s32 s11, s9;
	s10 =	sadd.s32 $0x25080, s10;
	s11 =	smax.u32 s12, $0x1  }
0x13: {  	s12 =	sshrl.u32 s14, $0x5;
	s14 =	sshrl.u32 @p0 s17, $0x3;
	s17 =	simm.s32 $0x1  }
.LBB2_1:
0x14: {  	s23 =	simm.s32 @p0 $0x1FC1;
	s22 =	simm.s32 @p0 $0x1  }
0x15: {  	[spmem:s14], [sflag:s23] =	dma.local @p0 [hbm:s8], $0x2080  }
0x16: {  	_ =	swait.ge @p0 [sflag:s22], $0x2080  }
0x17: {  	[sflag:s22] =	ssyncset.done @p0 $0x0  }
0x18: {  	s21 =	simm.s32 @!p0 $0x1;
	p2 =	sne.s32 s12, $0x1;
	[sflag:s22] =	ssyncadd.s32 @p0 $0xFFFFDF80  }
0x19: {  	[spmem:s16], [sflag:s15] =	dma.local @!p0 [hbm:s7], $0x2780  }
.Ltmp0:
0x1a: {  	_ =	swait.ge @!p0 [sflag:s21], $0x2780;
	(pc) =	sbr.rel @!p2 .LBB2_4-.Ltmp0, $4  }
0x1b: {  	[sflag:s21] =	ssyncset.done @!p0 $0x0  }
0x1c: {  	[sflag:s21] =	ssyncadd.s32 @!p0 $0xFFFFD880  }
0x1d: {  	[bflag:$0x0] =	sbarrier.arrive $0xFFFF  }
0x1e: {  	s24 =	sadd.s32 $0xFFFFFFFF, s12;
	s26 =	sshrl.u32 s13, $0x3;
	p1 =	por $0x0, $0x0  }
0x1f: {  	s25 =	sadd.s32 s1, s26  }
0x20: {  	[tilespmem:s4], [sflag:$0x1] =	stream.linear.gather [hbm4b:s25+s4], $0x80, $0x38;
	[tilespmem:$0x17980] =	vst v63  }
0x21: {  	_ =	swait.ge [sflag:s17], $0x80  }
0x22: {  	[sflag:s17] =	ssyncset.done $0x0  }
0x23: {  	s31 =	sadd.s32 s6, s26;
	[sflag:s17] =	ssyncadd.s32 $0xFFFFFF80  }
0x24: {  	[tilespmem:s18], [sflag:$0x1] =	stream.linear.gather [hbm4b:s31+s4], $0x80, $0x38;
	[tilespmem:$0x17980] =	vst v63  }
0x25: {  	_ =	swait.ge [sflag:s17], $0x80  }
0x26: {  	[sflag:s17] =	ssyncset.done $0x0  }
0x27: {  	[sflag:s17] =	ssyncadd.s32 $0xFFFFFF80  }
0x28: {  	[tilespmem:s19], [sflag:$0x1] =	stream.indirect.gather [hbm4b:s5+s18], $0x80, s4, s18, $0xb8;
	[tilespmem:$0x17980] =	vst v63  }
0x29: {  	p2 =	sne.s32 s24, $0x1;
	_ =	swait.ge [sflag:s17], $0x4000  }
.Ltmp1:
0x2a: {  	[sflag:s17] =	ssyncset.done $0x0;
	(pc) =	sbr.rel @!p2 .LBB2_4-.Ltmp1, $4  }
0x2b: {  	[sflag:s17] =	ssyncadd.s32 $0xFFFFC000  }
0x2c: {  	[spmem:s3] =	stream.indirect.scatter.add.f32 [tilespmem:s19], [sflag:$0x1], $0x80, s18, s18, $0xb8;
	[tilespmem:$0x17980] =	vst v63  }
0x2d: {  	s24 =	sadd.s32 $0xFFFFFFFF, s24;
	s25 =	sadd.s32 $0x1000, s13;
	_ =	swait.ge [sflag:s17], $0x4000  }
0x2e: {  	p1 =	por $0x1, $0x1;
	s26 =	sshrl.u32 s25, $0x3;
	[sflag:s17] =	ssyncset.done $0x0  }
.LBB2_3:
0x2f: {  	p2 =	sne.s32 s24, $0x1;
	s28 =	sadd.s32 s1, s26;
	[sflag:s17] =	ssyncadd.s32 $0xFFFFC000  }
0x30: {  	[tilespmem:s4], [sflag:$0x1] =	stream.linear.gather [hbm4b:s28+s4], $0x80, $0x38;
	[tilespmem:$0x17980] =	vst v63  }
0x31: {  	s24 =	sadd.s32 $0xFFFFFFFF, s24;
	_ =	swait.ge [sflag:s17], $0x80  }
0x32: {  	[sflag:s17] =	ssyncset.done $0x0  }
0x33: {  	s26 =	sadd.s32 s6, s26;
	[sflag:s17] =	ssyncadd.s32 $0xFFFFFF80  }
0x34: {  	[tilespmem:s18], [sflag:$0x1] =	stream.linear.gather [hbm4b:s26+s4], $0x80, $0x38;
	[tilespmem:$0x17980] =	vst v63  }
0x35: {  	_ =	swait.ge [sflag:s17], $0x80  }
0x36: {  	[sflag:s17] =	ssyncset.done $0x0  }
0x37: {  	[sflag:s17] =	ssyncadd.s32 $0xFFFFFF80  }
0x38: {  	[tilespmem:s19], [sflag:$0x1] =	stream.indirect.gather [hbm4b:s5+s18], $0x80, s4, s18, $0xb8;
	[tilespmem:$0x17980] =	vst v63  }
0x39: {  	_ =	swait.ge [sflag:s17], $0x4000  }
.Ltmp2:
0x3a: {  	[sflag:s17] =	ssyncset.done $0x0;
	(pc) =	sbr.rel @p2 .LBB2_3-.Ltmp2, $4  }
0x3b: {  	[sflag:s17] =	ssyncadd.s32 $0xFFFFC000  }
0x3c: {  	[spmem:s3] =	stream.indirect.scatter.add.f32 [tilespmem:s19], [sflag:$0x1], $0x80, s18, s18, $0xb8;
	[tilespmem:$0x17980] =	vst v63  }
0x3d: {  	s25 =	sadd.s32 $0x1000, s25;
	_ =	swait.ge [sflag:s17], $0x4000  }
0x3e: {  	s26 =	sshrl.u32 s25, $0x3;
	[sflag:s17] =	ssyncset.done $0x0  }
.LBB2_4:
0x3f: {  	s24 =	sadd.s32 s1, s26;
	[sflag:s17] =	ssyncadd.s32 @p1 $0xFFFFC000  }
0x40: {  	[tilespmem:s4], [sflag:$0x1] =	stream.linear.gather [hbm4b:s24+s4], $0x80, $0x38;
	[tilespmem:$0x17980] =	vst v63  }
0x41: {  	_ =	swait.ge [sflag:s17], $0x80  }
0x42: {  	[sflag:s17] =	ssyncset.done $0x0  }
0x43: {  	s31 =	sadd.s32 s6, s26;
	[sflag:s17] =	ssyncadd.s32 $0xFFFFFF80  }
0x44: {  	[tilespmem:s18], [sflag:$0x1] =	stream.linear.gather [hbm4b:s31+s4], $0x80, $0x38;
	[tilespmem:$0x17980] =	vst v63  }
0x45: {  	_ =	swait.ge [sflag:s17], $0x80  }
0x46: {  	[sflag:s17] =	ssyncset.done $0x0  }
0x47: {  	[sflag:s17] =	ssyncadd.s32 $0xFFFFFF80  }
0x48: {  	[tilespmem:s19], [sflag:$0x1] =	stream.indirect.gather [hbm4b:s5+s18], $0x80, s4, s18, $0xb8;
	[tilespmem:$0x17980] =	vst v63  }
0x49: {  	_ =	swait.ge [sflag:s17], $0x4000  }
0x4a: {  	[sflag:s17] =	ssyncset.done $0x0  }
0x4b: {  	[sflag:s17] =	ssyncadd.s32 $0xFFFFC000  }
0x4c: {  	[spmem:s3] =	stream.indirect.scatter.add.f32 [tilespmem:s19], [sflag:$0x1], $0x80, s18, s18, $0xb8;
	[tilespmem:$0x17980] =	vst v63  }
0x4d: {  	_ =	swait.ge [sflag:s17], $0x4000  }
0x4e: {  	[sflag:s17] =	ssyncset.done $0x0  }
0x4f: {  	[sflag:s17] =	ssyncadd.s32 $0xFFFFC000  }
0x50: {  	[bflag:$0x0] =	sbarrier.arrive $0xFFFF  }
0x51: {  	[hbm:s10], [sflag:s23] =	dma.local @p0 [spmem:s14], $0x2080  }
0x52: {  	s20 =	sadd.s32 $0x1, s20;
	_ =	swait.ge @p0 [sflag:s22], $0x2080  }
0x53: {  	p1 =	sne.s32 s20, s11;
	[sflag:s22] =	ssyncset.done @p0 $0x0  }
.Ltmp3:
0x54: {  	[sflag:s22] =	ssyncadd.s32 @p0 $0xFFFFDF80;
	(pc) =	sbr.rel @p1 .LBB2_1-.Ltmp3, $4  }
0x55: {  	[hbm:s9], [sflag:s15] =	dma.local @!p0 [spmem:s16], $0x2780  }
0x56: {  	_ =	swait.ge @!p0 [sflag:s21], $0x2780  }
0x57: {  	[sflag:s21] =	ssyncset.done @!p0 $0x0  }
0x58: {  	[sflag:s21] =	ssyncadd.s32 @!p0 $0xFFFFD880  }
0x59: {  	_ =	sfence.sel $0x180000  }
0x5a: {  	[bflag:$0x0] =	sbarrier.arrive $0xFFFF  }
0x5b: {  	p0 =	sne.s32 s2, $0x0;
	_ =	strace $0x9000004A  }
0x5c: {  	s0 =	sadd.s32 @!p0 $0x100000, s0;
	[bflag:$0x2] =	sbarrier.arrive $0xFFFF  }
0x5d: {  	[sflag:s0] =	ssyncadd.tile.s32 @!p0 $0x1;
	_ =	shalt  }
.Lfunc_end2:
_tile_overlayer_lowered:
.L_overlay_start_2:
0x5e: {  	(tag) =	ssettag $0x2  }
0x5f: {  	s0 =	rddreg [dreg:$0x0];
	s2 =	stileid.u32  }
0x60: {  	s1 =	rddreg [dreg:$0x1];
	p0 =	sne.s32 s2, $0x0  }
0x61: {  	s3 =	rddreg [dreg:$0x2];
	[bflag:$0x3] =	sbarrier.arrive $0xFFFF;
	s2 =	simm.s32 @!p0 $0x1C01  }
0x62: {  	[timem:s3], [sflag:s2] =	dma.local @!p0 [hbm:s0], s1  }
0x63: {  	s0 =	simm.s32 @!p0 $0x1  }
0x64: {  	_ =	swait.ge @!p0 [sflag:s0], s1  }
0x65: {  	s1 =	ssub.s32 @!p0 $0x0, s1;
	[sflag:s0] =	ssyncset.done @!p0 $0x0  }
0x66: {  	[sflag:s0] =	ssyncadd.s32 @!p0 s1  }
0x67: {  	[bflag:$0x3] =	sbarrier.arrive $0xFFFF  }
0x68: {  	_ =	shalt  }

// kernel: kernel.22.cloned.1.call-start
scs
__scs_entry_jumppad:
0x0: {  	(pc) =	sbr.rel $0x88, $3  }
0x1: {  	(tag) =	ssettag $0x0;
	lr =	simm.s32 $0x1  }
0x2: {  	[smem:$0x3F93] =	sst lr;
	_ =	strace $0xD0000000  }
0x3: {  	_ = 	snop  }
0x4: {  	_ = 	snop  }
0x5: {  	_ = 	snop  }
0x6: {  	_ = 	snop  }
0x7: {  	_ = 	snop  }
__scs_overlays_trampoline_lowered:
0x8: {  	[smem:$0x3FA2] =	sst s0  }
0x9: {  	[smem:$0x3FA3] =	sst s1  }
0xa: {  	[smem:$0x3FA4] =	sst s2  }
0xb: {  	[smem:$0x3FA5] =	sst s3  }
0xc: {  	[smem:$0x3FA6] =	sst s4  }
0xd: {  	[smem:$0x3FA7] =	sst s5  }
0xe: {  	[smem:$0x3FA8] =	sst s6  }
0xf: {  	[smem:$0x3FA9] =	sst s7  }
0x10: {  	[smem:$0x3FAA] =	sst s8  }
0x11: {  	[smem:$0x3FAB] =	sst s9;
	s0 =	simm.s32 @!p0 $0x0  }
0x12: {  	s1 =	sld [smem:$0x3F91];
	s0 =	simm.s32 @p0 $0x1  }
0x13: {  	[smem:$0x3FAC] =	sst s0;
	s0 =	simm.s32 @!p1 $0x0  }
0x14: {  	s2 =	sld [smem:$0x3F90];
	s0 =	simm.s32 @p1 $0x1  }
0x15: {  	[smem:$0x3FAD] =	sst s0;
	s0 =	simm.s32 @!p2 $0x0  }
0x16: {  	s3 =	sld [smem:$0x3FDB];
	s0 =	simm.s32 @p2 $0x1  }
0x17: {  	s4 =	simm.s32 $0x1BF5;
	[smem:$0x3FAF] =	sst s0  }
0x18: {  	s0 =	sld [smem:$0x3F92];
	_ =	swait.ge [sflag:s4], $0x0  }
0x19: {  	s7 =	sld [smem:$0x3F93]  }
0x1a: {  	s8 =	sadd.s32 $0xFFFFE003, lr  }
0x1b: {  	s9 =	sadd.s32 $0xFFFFFEF7, lr;
	s5 =	simm.s32 $0xFFFFFFFF;
	p2 =	slt.u32 s8, $0xFFFFF086  }
0x1c: {  	p1 =	slt.u32 s9, $0xF7A;
	s5 =	simm.s32 @!p2 $0x0  }
0x1d: {  	s5 =	simm.s32 @p1 $0x1;
	p0 =	seq.s32 s7, s2  }
0x1e: {  	s7 =	smul.u32 @!p0 $0xF7A, s2;
	p2 =	seq.s32 @!p0 s5, $0x0  }
0x1f: {  	s9 =	smul.u32 $0xF7A, s1;
	s8 =	simm.s32 @!p0 $0x1BF5;
	p2 =	por !p2, p0  }
0x20: {  	[sflag:s8] =	ssyncset.s32 @!p0 $0xFFFFF086;
	s6 =	sadd.s32 @!p0 s3, s7;
	s7 =	simm.s32 @!p0 $0x108  }
0x21: {  	s3 =	sadd.s32 s3, s9;
	s6 =	sadd.s32 @!p0 $0x88, s6;
	s7 =	simm.s32 @p2 $0x1082  }
0x22: {  	[simem:s7], [sflag:s8] =	dma.local @!p0 [hbm:s6], $0xF7A  }
0x23: {  	s9 =	sor.u32 $0xD0000000, s2;
	s6 =	simm.s32 $0x108;
	_ =	swait.ge @!p0 [sflag:s8], $0x0  }
0x24: {  	s3 =	sadd.s32 $0x88, s3;
	s6 =	simm.s32 @!p1 $0x1082;
	[sflag:s4] =	ssyncset.s32 $0xFFFFF086  }
0x25: {  	[simem:s6], [sflag:s4] =	dma.local [hbm:s3], $0xF7A  }
0x26: {  	[smem:$0x3F93] =	sst s1;
	(tag) =	ssettag s2;
	_ =	strace s9  }
0x27: {  	s1 =	sld [smem:$0x3FA3]  }
0x28: {  	s2 =	sld [smem:$0x3FA4]  }
0x29: {  	s4 =	sld [smem:$0x3FA6]  }
0x2a: {  	p0 =	seq.s32 s5, $0x0;
	s5 =	sld [smem:$0x3FA7]  }
0x2b: {  	s6 =	sld [smem:$0x3FA8]  }
0x2c: {  	s7 =	sld [smem:$0x3FA9]  }
0x2d: {  	s3 =	simm.s32 $0x108;
	s8 =	sld [smem:$0x3FAA]  }
0x2e: {  	s3 =	simm.s32 @!p0 $0x1082;
	s9 =	sld [smem:$0x3FAB]  }
0x2f: {  	lr =	sadd.s32 s0, s3;
	s0 =	sld [smem:$0x3FA2]  }
0x30: {  	s3 =	sld [smem:$0x3FA5]  }
0x31: {  	[smem:$0x3FAE] =	sst s10  }
0x32: {  	s10 =	sld [smem:$0x3FAC];
	_ =	sdelay $0x3  }
0x33: {  	p0 =	seq.s32 s10, $0x1;
	s10 =	sld [smem:$0x3FAE];
	_ =	sdelay $0x3  }
0x34: {  	[smem:$0x3FAE] =	sst s10  }
0x35: {  	s10 =	sld [smem:$0x3FAD];
	_ =	sdelay $0x3  }
0x36: {  	p1 =	seq.s32 s10, $0x1;
	s10 =	sld [smem:$0x3FAE];
	_ =	sdelay $0x3  }
0x37: {  	[smem:$0x3FAE] =	sst s10  }
0x38: {  	s10 =	sld [smem:$0x3FAF]  }
0x39: {  	_ = 	snop;
	(pc) =	sbr.ind lr, $3  }
0x3a: {  	_ = 	snop  }
0x3b: {  	_ = 	snop  }
0x3c: {  	p2 =	seq.s32 s10, $0x1;
	s10 =	sld [smem:$0x3FAE]  }
0x3d: {  	_ =	shalt  }
0x3e: {  	_ =	shalt  }
0x3f: {  	_ =	shalt  }
0x40: {  	_ =	shalt  }
0x41: {  	_ =	shalt  }
0x42: {  	_ =	shalt  }
0x43: {  	_ =	shalt  }
0x44: {  	_ =	shalt  }
0x45: {  	_ =	shalt  }
0x46: {  	_ =	shalt  }
0x47: {  	_ =	shalt  }
0x48: {  	_ =	shalt  }
0x49: {  	_ =	shalt  }
0x4a: {  	_ =	shalt  }
0x4b: {  	_ =	shalt  }
0x4c: {  	_ =	shalt  }
0x4d: {  	_ =	shalt  }
0x4e: {  	_ =	shalt  }
0x4f: {  	_ =	shalt  }
0x50: {  	_ =	shalt  }
0x51: {  	_ =	shalt  }
0x52: {  	_ =	shalt  }
0x53: {  	_ =	shalt  }
0x54: {  	_ =	shalt  }
0x55: {  	_ =	shalt  }
0x56: {  	_ =	shalt  }
0x57: {  	_ =	shalt  }
0x58: {  	_ =	shalt  }
0x59: {  	_ =	shalt  }
0x5a: {  	_ =	shalt  }
0x5b: {  	_ =	shalt  }
0x5c: {  	_ =	shalt  }
0x5d: {  	_ =	shalt  }
0x5e: {  	_ =	shalt  }
0x5f: {  	_ =	shalt  }
0x60: {  	_ =	shalt  }
0x61: {  	_ =	shalt  }
0x62: {  	_ =	shalt  }
0x63: {  	_ =	shalt  }
0x64: {  	_ =	shalt  }
0x65: {  	_ =	shalt  }
0x66: {  	_ =	shalt  }
0x67: {  	_ =	shalt  }
0x68: {  	_ =	shalt  }
0x69: {  	_ =	shalt  }
0x6a: {  	_ =	shalt  }
0x6b: {  	_ =	shalt  }
0x6c: {  	_ =	shalt  }
0x6d: {  	_ =	shalt  }
0x6e: {  	_ =	shalt  }
0x6f: {  	_ =	shalt  }
0x70: {  	_ =	shalt  }
0x71: {  	_ =	shalt  }
0x72: {  	_ =	shalt  }
0x73: {  	_ =	shalt  }
0x74: {  	_ =	shalt  }
0x75: {  	_ =	shalt  }
0x76: {  	_ =	shalt  }
0x77: {  	_ =	shalt  }
0x78: {  	_ =	shalt  }
0x79: {  	_ =	shalt  }
0x7a: {  	_ =	shalt  }
0x7b: {  	_ =	shalt  }
0x7c: {  	_ =	shalt  }
0x7d: {  	_ =	shalt  }
0x7e: {  	_ =	shalt  }
0x7f: {  	_ =	shalt  }
0x80: {  	_ =	shalt  }
0x81: {  	_ =	shalt  }
0x82: {  	_ =	shalt  }
0x83: {  	_ =	shalt  }
0x84: {  	_ =	shalt  }
0x85: {  	_ =	shalt  }
0x86: {  	_ =	shalt  }
0x87: {  	_ =	shalt  }
.Lfunc_end0:
.L_simem_size_0:
called_computation.2_lowered:
.L_overlay_start_0:
0x88: {  	s2 =	sld [smem:$0x3FD9]  }
0x89: {  	s3 =	sld [smem:$0x3FFE];
	_ =	sdelay $0x1  }
0x8a: {  	s1 =	srdreg.scid  }
0x8b: {  	s0 =	sand.u32 $0x1, s1  }
0x8c: {  	s17 =	sshll.u32 s0, $0xA;
	s2 =	sadd.s32 s3, s2  }
0x8d: {  	s2 =	sadd.s32 s2, s17  }
0x8e: {  	[smem:$0x3FBA] =	sst s2  }
0x8f: {  	_ = 	snop  }
0x90: {  	s2 =	sld [smem:$0x3FD0];
	(tm) =	ssettm $0x1  }
0x91: {  	s18 =	sld [smem:$0x3FFB];
	_ =	sdelay $0x3  }
0x92: {  	_ =	strace s18  }
0x93: {  	s3 =	sld [smem:$0x3FFC];
	_ =	sdelay $0x3  }
0x94: {  	_ =	strace s3  }
0x95: {  	s3 =	sld [smem:$0x3FFD];
	_ =	sdelay $0x3  }
0x96: {  	_ =	strace s3  }
0x97: {  	_ =	strace $0x8FFFFFFF  }
0x98: {  	s19 =	sld [smem:$0x3FDB];
	_ =	sdelay $0x1  }
0x99: {  	s4 =	simm.s32 $_scs_section_size  }
0x9a: {  	s5 =	simm.s32 $_size__tile_overlayer_lowered;
	s6 =	simm.s32 $_tile_overlayer_lowered  }
0x9b: {  	s22 =	simm.s32 $0x1BFF;
	s21 =	sshll.u32 s6, $0x1;
	s3 =	sadd.s32 s4, s19  }
0x9c: {  	s7 =	simm.s32 $0x0;
	s20 =	sshll.u32 s5, $0x1;
	s5 =	sadd.s32 s21, s3  }
0x9d: {  	[timem:s7], [sflag:s22] =	dma.local [hbm:s5], s20  }
0x9e: {  	_ =	swait.ge [sflag:s22], s20  }
0x9f: {  	s4 =	ssub.s32 $0x0, s20;
	[sflag:s22] =	ssyncset.done $0x0  }
0xa0: {  	[sflag:s22] =	ssyncadd.s32 s4;
	_ =	sdelay $0x1  }
0xa1: {  	s23 =	simm.s32 $0x1B8B  }
0xa2: {  	_ =	swait.ge [sflag:s23], $0x1  }
0xa3: {  	[sflag:s23] =	ssyncset.done $0x0  }
0xa4: {  	s25 =	simm.s32 $0x1B8E;
	s24 =	sld [smem:$0x3FFE];
	[sflag:s23] =	ssyncadd.s32 $0xFFFFFFFF  }
0xa5: {  	s26 =	simm.s32 $execute0_lowered;
	[smem:$0x3FD2] =	sst s25  }
0xa6: {  	s5 =	sshll.u32 s26, $0x1;
	_ =	strace $0x8000004C;
	[dreg:$0x1] =	wrdreg $0xFFFFFFFF  }
0xa7: {  	s28 =	simm.s32 $_size_execute0_lowered;
	s3 =	sadd.s32 s3, s5;
	[dreg:$0x0] =	wrdreg $0x0  }
0xa8: {  	s5 =	sshll.u32 s28, $0x1;
	[dreg:$0x2] =	wrdreg s3  }
0xa9: {  	[dreg:$0x3] =	wrdreg s5  }
0xaa: {  	[dreg:$0x4] =	wrdreg $0xC0  }
0xab: {  	_ =	task [dreg:s7], $0x5FFFF  }
0xac: {  	[dreg:$0x1] =	wrdreg $0xFFFFFFFF  }
0xad: {  	[dreg:$0x0] =	wrdreg $0x60  }
0xae: {  	[dreg:$0x2] =	wrdreg s24  }
0xaf: {  	[dreg:$0x3] =	wrdreg s2  }
0xb0: {  	[dreg:$0x4] =	wrdreg $0x41000  }
0xb1: {  	[dreg:$0x5] =	wrdreg $0x9  }
0xb2: {  	_ =	task.clear_ibuf [dreg:s7], $0x6FFFF;
	_ =	strace $0x9000004C  }
0xb3: {  	s29 =	simm.s32 $0x9;
	_ =	strace $0x8000004E  }
0xb4: {  	_ =	swait.ge [sflag:s29], $0x1  }
0xb5: {  	[sflag:s29] =	ssyncadd.s32 $0xFFFFFFFF  }
0xb6: {  	_ =	strace $0x9000004E  }
0xb7: {  	_ =	sfence  }
0xb8: {  	s30 =	sld [smem:$0x0];
	_ =	sdelay $0x2  }
0xb9: {  	s31 =	sshll.u32 s1, $0xD;
	s1 =	sshrl.u32 s1, $0x2  }
0xba: {  	s3 =	sand.u32 $0x4000, s31;
	s1 =	sadd.s32 s1, s30  }
0xbb: {  	s0 =	sor.u32 s3, s0;
	s1 =	sshll.u32 s1, $0x11  }
0xbc: {  	s0 =	sor.u32 s1, s0  }
0xbd: {  	s0 =	sadd.s32 $0x8F2B, s0  }
0xbe: {  	[sflag:s0] =	ssyncadd.remote.s32 $0x1  }
0xbf: {  	_ =	sfence.sel $0xFFFF  }
0xc0: {  	[dreg:$0x0] =	wrdreg $0xFFFFFFFF;
	(pc) =	sbr.abs _section_cstart, $3  }
0xc1: {  	[dreg:$0x1] =	wrdreg $0xFFFFFFFF  }
0xc2: {  	_ =	task.clear_ibuf [dreg:s7], $0x2FFFF;
	_ =	strace $0x9FFFFFFF  }
0xc3: {  	(tm) =	ssettm $0x7FFFFFFF  }
tec
execute0_lowered:
.L_overlay_start_1:
0x0: {  	(tag) =	ssettag $0x1  }
0x1: {  	s8 =	rddreg [dreg:$0x0]  }
0x2: {  	s1 =	rddreg [dreg:$0x1]  }
0x3: {  	s3 =	rddreg [dreg:$0x2]  }
0x4: {  	s0 =	rddreg [dreg:$0x3]  }
0x5: {  	s4 =	simm.s32 $0x0;
	s2 =	stileid.u32;
	s9 =	srdreg.scid  }
0x6: {  	s18 =	simm.s32 $0x80;
	s19 =	simm.s32 $0x100;
	s20 =	simm.s32 $0x0  }
0x7: {  	[smem:$0x7FF] =	sst s4;
	s7 =	smul.u32 $0x2780, s2;
	s5 =	sadd.s32 $0xF200, s8  }
0x8: {  	s6 =	sadd.s32 $0x5400, s8;
	s13 =	sand.u32 $0x1, s9;
	s10 =	smul.u32 $0x4F000, s2  }
0x9: {  	s11 =	sadd.s32 $0x5D600, s8;
	s26 =	smul.u32 $0x13C00, s2;
	s15 =	sshll.u32 s2, $0x1  }
0xa: {  	s17 =	sadd.s32 $0x128400, s3;
	s31 =	sshll.u32 s2, $0x8;
	p0 =	seq.s32 s2, $0xF  }
0xb: {  	_ =	strace $0x8000004D;
	s9 =	ssub.s32 $0x2, s13;
	s14 =	smul.u32 $0x138800, s13  }
0xc: {  	s30 =	sor.u32 s15, s13;
	s13 =	sshll.u32 s13, $0x7;
	s15 =	sshll.u32 @!p0 s2, $0x6  }
0xd: {  	s7 =	sadd.s32 s7, s8;
	s12 =	sshrl.u32 s9, $0x1;
	s25 =	sshrl.u32 s10, $0x2  }
0xe: {  	s8 =	sadd.s32 $0x5B480, s8;
	s13 =	sor.u32 s13, s31;
	s15 =	sor.u32 @!p0 $0x1C01, s15  }
0xf: {  	s12 =	ssub.s32 s9, s12;
	s16 =	sadd.s32 s25, s3;
	s7 =	sadd.s32 $0x36400, s7  }
0x10: {  	s28 =	sadd.s32 s26, s14;
	s29 =	sshrl.u32 s14, $0x3;
	s14 =	ssub.s32 $0x9E3, s30  }
0x11: {  	s9 =	sshrl.u32 s28, $0x3;
	s10 =	sadd.s32 s11, s29;
	s16 =	sshrl.u32 @!p0 s16, $0x3  }
0x12: {  	s9 =	sadd.s32 s11, s9;
	s10 =	sadd.s32 $0x25080, s10;
	s11 =	smax.u32 s12, $0x1  }
0x13: {  	s12 =	sshrl.u32 s14, $0x5;
	s14 =	sshrl.u32 @p0 s17, $0x3;
	s17 =	simm.s32 $0x1  }
.LBB2_1:
0x14: {  	s23 =	simm.s32 @p0 $0x1FC1;
	s22 =	simm.s32 @p0 $0x1  }
0x15: {  	[spmem:s14], [sflag:s23] =	dma.local @p0 [hbm:s8], $0x2080  }
0x16: {  	_ =	swait.ge @p0 [sflag:s22], $0x2080  }
0x17: {  	[sflag:s22] =	ssyncset.done @p0 $0x0  }
0x18: {  	s21 =	simm.s32 @!p0 $0x1;
	p2 =	sne.s32 s12, $0x1;
	[sflag:s22] =	ssyncadd.s32 @p0 $0xFFFFDF80  }
0x19: {  	[spmem:s16], [sflag:s15] =	dma.local @!p0 [hbm:s7], $0x2780  }
.Ltmp0:
0x1a: {  	_ =	swait.ge @!p0 [sflag:s21], $0x2780;
	(pc) =	sbr.rel @!p2 .LBB2_4-.Ltmp0, $4  }
0x1b: {  	[sflag:s21] =	ssyncset.done @!p0 $0x0  }
0x1c: {  	[sflag:s21] =	ssyncadd.s32 @!p0 $0xFFFFD880  }
0x1d: {  	[bflag:$0x0] =	sbarrier.arrive $0xFFFF  }
0x1e: {  	s24 =	sadd.s32 $0xFFFFFFFF, s12;
	s26 =	sshrl.u32 s13, $0x3;
	p1 =	por $0x0, $0x0  }
0x1f: {  	s25 =	sadd.s32 s1, s26  }
0x20: {  	[tilespmem:s4], [sflag:$0x1] =	stream.linear.gather [hbm4b:s25+s4], $0x80, $0x38;
	[tilespmem:$0x17980] =	vst v63  }
0x21: {  	_ =	swait.ge [sflag:s17], $0x80  }
0x22: {  	[sflag:s17] =	ssyncset.done $0x0  }
0x23: {  	s31 =	sadd.s32 s6, s26;
	[sflag:s17] =	ssyncadd.s32 $0xFFFFFF80  }
0x24: {  	[tilespmem:s18], [sflag:$0x1] =	stream.linear.gather [hbm4b:s31+s4], $0x80, $0x38;
	[tilespmem:$0x17980] =	vst v63  }
0x25: {  	_ =	swait.ge [sflag:s17], $0x80  }
0x26: {  	[sflag:s17] =	ssyncset.done $0x0  }
0x27: {  	[sflag:s17] =	ssyncadd.s32 $0xFFFFFF80  }
0x28: {  	[tilespmem:s19], [sflag:$0x1] =	stream.indirect.gather [hbm4b:s5+s18], $0x80, s4, s18, $0xb8;
	[tilespmem:$0x17980] =	vst v63  }
0x29: {  	p2 =	sne.s32 s24, $0x1;
	_ =	swait.ge [sflag:s17], $0x4000  }
.Ltmp1:
0x2a: {  	[sflag:s17] =	ssyncset.done $0x0;
	(pc) =	sbr.rel @!p2 .LBB2_4-.Ltmp1, $4  }
0x2b: {  	[sflag:s17] =	ssyncadd.s32 $0xFFFFC000  }
0x2c: {  	[spmem:s3] =	stream.indirect.scatter.add.f32 [tilespmem:s19], [sflag:$0x1], $0x80, s18, s18, $0xb8;
	[tilespmem:$0x17980] =	vst v63  }
0x2d: {  	s24 =	sadd.s32 $0xFFFFFFFF, s24;
	s25 =	sadd.s32 $0x1000, s13;
	_ =	swait.ge [sflag:s17], $0x4000  }
0x2e: {  	p1 =	por $0x1, $0x1;
	s26 =	sshrl.u32 s25, $0x3;
	[sflag:s17] =	ssyncset.done $0x0  }
.LBB2_3:
0x2f: {  	p2 =	sne.s32 s24, $0x1;
	s28 =	sadd.s32 s1, s26;
	[sflag:s17] =	ssyncadd.s32 $0xFFFFC000  }
0x30: {  	[tilespmem:s4], [sflag:$0x1] =	stream.linear.gather [hbm4b:s28+s4], $0x80, $0x38;
	[tilespmem:$0x17980] =	vst v63  }
0x31: {  	s24 =	sadd.s32 $0xFFFFFFFF, s24;
	_ =	swait.ge [sflag:s17], $0x80  }
0x32: {  	[sflag:s17] =	ssyncset.done $0x0  }
0x33: {  	s26 =	sadd.s32 s6, s26;
	[sflag:s17] =	ssyncadd.s32 $0xFFFFFF80  }
0x34: {  	[tilespmem:s18], [sflag:$0x1] =	stream.linear.gather [hbm4b:s26+s4], $0x80, $0x38;
	[tilespmem:$0x17980] =	vst v63  }
0x35: {  	_ =	swait.ge [sflag:s17], $0x80  }
0x36: {  	[sflag:s17] =	ssyncset.done $0x0  }
0x37: {  	[sflag:s17] =	ssyncadd.s32 $0xFFFFFF80  }
0x38: {  	[tilespmem:s19], [sflag:$0x1] =	stream.indirect.gather [hbm4b:s5+s18], $0x80, s4, s18, $0xb8;
	[tilespmem:$0x17980] =	vst v63  }
0x39: {  	_ =	swait.ge [sflag:s17], $0x4000  }
.Ltmp2:
0x3a: {  	[sflag:s17] =	ssyncset.done $0x0;
	(pc) =	sbr.rel @p2 .LBB2_3-.Ltmp2, $4  }
0x3b: {  	[sflag:s17] =	ssyncadd.s32 $0xFFFFC000  }
0x3c: {  	[spmem:s3] =	stream.indirect.scatter.add.f32 [tilespmem:s19], [sflag:$0x1], $0x80, s18, s18, $0xb8;
	[tilespmem:$0x17980] =	vst v63  }
0x3d: {  	s25 =	sadd.s32 $0x1000, s25;
	_ =	swait.ge [sflag:s17], $0x4000  }
0x3e: {  	s26 =	sshrl.u32 s25, $0x3;
	[sflag:s17] =	ssyncset.done $0x0  }
.LBB2_4:
0x3f: {  	s24 =	sadd.s32 s1, s26;
	[sflag:s17] =	ssyncadd.s32 @p1 $0xFFFFC000  }
0x40: {  	[tilespmem:s4], [sflag:$0x1] =	stream.linear.gather [hbm4b:s24+s4], $0x80, $0x38;
	[tilespmem:$0x17980] =	vst v63  }
0x41: {  	_ =	swait.ge [sflag:s17], $0x80  }
0x42: {  	[sflag:s17] =	ssyncset.done $0x0  }
0x43: {  	s31 =	sadd.s32 s6, s26;
	[sflag:s17] =	ssyncadd.s32 $0xFFFFFF80  }
0x44: {  	[tilespmem:s18], [sflag:$0x1] =	stream.linear.gather [hbm4b:s31+s4], $0x80, $0x38;
	[tilespmem:$0x17980] =	vst v63  }
0x45: {  	_ =	swait.ge [sflag:s17], $0x80  }
0x46: {  	[sflag:s17] =	ssyncset.done $0x0  }
0x47: {  	[sflag:s17] =	ssyncadd.s32 $0xFFFFFF80  }
0x48: {  	[tilespmem:s19], [sflag:$0x1] =	stream.indirect.gather [hbm4b:s5+s18], $0x80, s4, s18, $0xb8;
	[tilespmem:$0x17980] =	vst v63  }
0x49: {  	_ =	swait.ge [sflag:s17], $0x4000  }
0x4a: {  	[sflag:s17] =	ssyncset.done $0x0  }
0x4b: {  	[sflag:s17] =	ssyncadd.s32 $0xFFFFC000  }
0x4c: {  	[spmem:s3] =	stream.indirect.scatter.add.f32 [tilespmem:s19], [sflag:$0x1], $0x80, s18, s18, $0xb8;
	[tilespmem:$0x17980] =	vst v63  }
0x4d: {  	_ =	swait.ge [sflag:s17], $0x4000  }
0x4e: {  	[sflag:s17] =	ssyncset.done $0x0  }
0x4f: {  	[sflag:s17] =	ssyncadd.s32 $0xFFFFC000  }
0x50: {  	[bflag:$0x0] =	sbarrier.arrive $0xFFFF  }
0x51: {  	[hbm:s10], [sflag:s23] =	dma.local @p0 [spmem:s14], $0x2080  }
0x52: {  	s20 =	sadd.s32 $0x1, s20;
	_ =	swait.ge @p0 [sflag:s22], $0x2080  }
0x53: {  	p1 =	sne.s32 s20, s11;
	[sflag:s22] =	ssyncset.done @p0 $0x0  }
.Ltmp3:
0x54: {  	[sflag:s22] =	ssyncadd.s32 @p0 $0xFFFFDF80;
	(pc) =	sbr.rel @p1 .LBB2_1-.Ltmp3, $4  }
0x55: {  	[hbm:s9], [sflag:s15] =	dma.local @!p0 [spmem:s16], $0x2780  }
0x56: {  	_ =	swait.ge @!p0 [sflag:s21], $0x2780  }
0x57: {  	[sflag:s21] =	ssyncset.done @!p0 $0x0  }
0x58: {  	[sflag:s21] =	ssyncadd.s32 @!p0 $0xFFFFD880  }
0x59: {  	_ =	sfence.sel $0x180000  }
0x5a: {  	[bflag:$0x0] =	sbarrier.arrive $0xFFFF  }
0x5b: {  	p0 =	sne.s32 s2, $0x0;
	_ =	strace $0x9000004D  }
0x5c: {  	s0 =	sadd.s32 @!p0 $0x100000, s0;
	[bflag:$0x2] =	sbarrier.arrive $0xFFFF  }
0x5d: {  	[sflag:s0] =	ssyncadd.tile.s32 @!p0 $0x1;
	_ =	shalt  }
.Lfunc_end2:
_tile_overlayer_lowered:
.L_overlay_start_2:
0x5e: {  	(tag) =	ssettag $0x2  }
0x5f: {  	s0 =	rddreg [dreg:$0x0];
	s2 =	stileid.u32  }
0x60: {  	s1 =	rddreg [dreg:$0x1];
	p0 =	sne.s32 s2, $0x0  }
0x61: {  	s3 =	rddreg [dreg:$0x2];
	[bflag:$0x3] =	sbarrier.arrive $0xFFFF;
	s2 =	simm.s32 @!p0 $0x1C01  }
0x62: {  	[timem:s3], [sflag:s2] =	dma.local @!p0 [hbm:s0], s1  }
0x63: {  	s0 =	simm.s32 @!p0 $0x1  }
0x64: {  	_ =	swait.ge @!p0 [sflag:s0], s1  }
0x65: {  	s1 =	ssub.s32 @!p0 $0x0, s1;
	[sflag:s0] =	ssyncset.done @!p0 $0x0  }
0x66: {  	[sflag:s0] =	ssyncadd.s32 @!p0 s1  }
0x67: {  	[bflag:$0x3] =	sbarrier.arrive $0xFFFF  }
0x68: {  	_ =	shalt  }

// kernel: kernel.25.cloned.1.call-start
scs
__scs_entry_jumppad:
0x0: {  	(pc) =	sbr.rel $0x88, $3  }
0x1: {  	(tag) =	ssettag $0x0;
	lr =	simm.s32 $0x1  }
0x2: {  	[smem:$0x3F93] =	sst lr;
	_ =	strace $0xD0000000  }
0x3: {  	_ = 	snop  }
0x4: {  	_ = 	snop  }
0x5: {  	_ = 	snop  }
0x6: {  	_ = 	snop  }
0x7: {  	_ = 	snop  }
__scs_overlays_trampoline_lowered:
0x8: {  	[smem:$0x3FA2] =	sst s0  }
0x9: {  	[smem:$0x3FA3] =	sst s1  }
0xa: {  	[smem:$0x3FA4] =	sst s2  }
0xb: {  	[smem:$0x3FA5] =	sst s3  }
0xc: {  	[smem:$0x3FA6] =	sst s4  }
0xd: {  	[smem:$0x3FA7] =	sst s5  }
0xe: {  	[smem:$0x3FA8] =	sst s6  }
0xf: {  	[smem:$0x3FA9] =	sst s7  }
0x10: {  	[smem:$0x3FAA] =	sst s8  }
0x11: {  	[smem:$0x3FAB] =	sst s9;
	s0 =	simm.s32 @!p0 $0x0  }
0x12: {  	s1 =	sld [smem:$0x3F91];
	s0 =	simm.s32 @p0 $0x1  }
0x13: {  	[smem:$0x3FAC] =	sst s0;
	s0 =	simm.s32 @!p1 $0x0  }
0x14: {  	s2 =	sld [smem:$0x3F90];
	s0 =	simm.s32 @p1 $0x1  }
0x15: {  	[smem:$0x3FAD] =	sst s0;
	s0 =	simm.s32 @!p2 $0x0  }
0x16: {  	s3 =	sld [smem:$0x3FDB];
	s0 =	simm.s32 @p2 $0x1  }
0x17: {  	s4 =	simm.s32 $0x1BF5;
	[smem:$0x3FAF] =	sst s0  }
0x18: {  	s0 =	sld [smem:$0x3F92];
	_ =	swait.ge [sflag:s4], $0x0  }
0x19: {  	s7 =	sld [smem:$0x3F93]  }
0x1a: {  	s8 =	sadd.s32 $0xFFFFE003, lr  }
0x1b: {  	s9 =	sadd.s32 $0xFFFFFEF7, lr;
	s5 =	simm.s32 $0xFFFFFFFF;
	p2 =	slt.u32 s8, $0xFFFFF086  }
0x1c: {  	p1 =	slt.u32 s9, $0xF7A;
	s5 =	simm.s32 @!p2 $0x0  }
0x1d: {  	s5 =	simm.s32 @p1 $0x1;
	p0 =	seq.s32 s7, s2  }
0x1e: {  	s7 =	smul.u32 @!p0 $0xF7A, s2;
	p2 =	seq.s32 @!p0 s5, $0x0  }
0x1f: {  	s9 =	smul.u32 $0xF7A, s1;
	s8 =	simm.s32 @!p0 $0x1BF5;
	p2 =	por !p2, p0  }
0x20: {  	[sflag:s8] =	ssyncset.s32 @!p0 $0xFFFFF086;
	s6 =	sadd.s32 @!p0 s3, s7;
	s7 =	simm.s32 @!p0 $0x108  }
0x21: {  	s3 =	sadd.s32 s3, s9;
	s6 =	sadd.s32 @!p0 $0x88, s6;
	s7 =	simm.s32 @p2 $0x1082  }
0x22: {  	[simem:s7], [sflag:s8] =	dma.local @!p0 [hbm:s6], $0xF7A  }
0x23: {  	s9 =	sor.u32 $0xD0000000, s2;
	s6 =	simm.s32 $0x108;
	_ =	swait.ge @!p0 [sflag:s8], $0x0  }
0x24: {  	s3 =	sadd.s32 $0x88, s3;
	s6 =	simm.s32 @!p1 $0x1082;
	[sflag:s4] =	ssyncset.s32 $0xFFFFF086  }
0x25: {  	[simem:s6], [sflag:s4] =	dma.local [hbm:s3], $0xF7A  }
0x26: {  	[smem:$0x3F93] =	sst s1;
	(tag) =	ssettag s2;
	_ =	strace s9  }
0x27: {  	s1 =	sld [smem:$0x3FA3]  }
0x28: {  	s2 =	sld [smem:$0x3FA4]  }
0x29: {  	s4 =	sld [smem:$0x3FA6]  }
0x2a: {  	p0 =	seq.s32 s5, $0x0;
	s5 =	sld [smem:$0x3FA7]  }
0x2b: {  	s6 =	sld [smem:$0x3FA8]  }
0x2c: {  	s7 =	sld [smem:$0x3FA9]  }
0x2d: {  	s3 =	simm.s32 $0x108;
	s8 =	sld [smem:$0x3FAA]  }
0x2e: {  	s3 =	simm.s32 @!p0 $0x1082;
	s9 =	sld [smem:$0x3FAB]  }
0x2f: {  	lr =	sadd.s32 s0, s3;
	s0 =	sld [smem:$0x3FA2]  }
0x30: {  	s3 =	sld [smem:$0x3FA5]  }
0x31: {  	[smem:$0x3FAE] =	sst s10  }
0x32: {  	s10 =	sld [smem:$0x3FAC];
	_ =	sdelay $0x3  }
0x33: {  	p0 =	seq.s32 s10, $0x1;
	s10 =	sld [smem:$0x3FAE];
	_ =	sdelay $0x3  }
0x34: {  	[smem:$0x3FAE] =	sst s10  }
0x35: {  	s10 =	sld [smem:$0x3FAD];
	_ =	sdelay $0x3  }
0x36: {  	p1 =	seq.s32 s10, $0x1;
	s10 =	sld [smem:$0x3FAE];
	_ =	sdelay $0x3  }
0x37: {  	[smem:$0x3FAE] =	sst s10  }
0x38: {  	s10 =	sld [smem:$0x3FAF]  }
0x39: {  	_ = 	snop;
	(pc) =	sbr.ind lr, $3  }
0x3a: {  	_ = 	snop  }
0x3b: {  	_ = 	snop  }
0x3c: {  	p2 =	seq.s32 s10, $0x1;
	s10 =	sld [smem:$0x3FAE]  }
0x3d: {  	_ =	shalt  }
0x3e: {  	_ =	shalt  }
0x3f: {  	_ =	shalt  }
0x40: {  	_ =	shalt  }
0x41: {  	_ =	shalt  }
0x42: {  	_ =	shalt  }
0x43: {  	_ =	shalt  }
0x44: {  	_ =	shalt  }
0x45: {  	_ =	shalt  }
0x46: {  	_ =	shalt  }
0x47: {  	_ =	shalt  }
0x48: {  	_ =	shalt  }
0x49: {  	_ =	shalt  }
0x4a: {  	_ =	shalt  }
0x4b: {  	_ =	shalt  }
0x4c: {  	_ =	shalt  }
0x4d: {  	_ =	shalt  }
0x4e: {  	_ =	shalt  }
0x4f: {  	_ =	shalt  }
0x50: {  	_ =	shalt  }
0x51: {  	_ =	shalt  }
0x52: {  	_ =	shalt  }
0x53: {  	_ =	shalt  }
0x54: {  	_ =	shalt  }
0x55: {  	_ =	shalt  }
0x56: {  	_ =	shalt  }
0x57: {  	_ =	shalt  }
0x58: {  	_ =	shalt  }
0x59: {  	_ =	shalt  }
0x5a: {  	_ =	shalt  }
0x5b: {  	_ =	shalt  }
0x5c: {  	_ =	shalt  }
0x5d: {  	_ =	shalt  }
0x5e: {  	_ =	shalt  }
0x5f: {  	_ =	shalt  }
0x60: {  	_ =	shalt  }
0x61: {  	_ =	shalt  }
0x62: {  	_ =	shalt  }
0x63: {  	_ =	shalt  }
0x64: {  	_ =	shalt  }
0x65: {  	_ =	shalt  }
0x66: {  	_ =	shalt  }
0x67: {  	_ =	shalt  }
0x68: {  	_ =	shalt  }
0x69: {  	_ =	shalt  }
0x6a: {  	_ =	shalt  }
0x6b: {  	_ =	shalt  }
0x6c: {  	_ =	shalt  }
0x6d: {  	_ =	shalt  }
0x6e: {  	_ =	shalt  }
0x6f: {  	_ =	shalt  }
0x70: {  	_ =	shalt  }
0x71: {  	_ =	shalt  }
0x72: {  	_ =	shalt  }
0x73: {  	_ =	shalt  }
0x74: {  	_ =	shalt  }
0x75: {  	_ =	shalt  }
0x76: {  	_ =	shalt  }
0x77: {  	_ =	shalt  }
0x78: {  	_ =	shalt  }
0x79: {  	_ =	shalt  }
0x7a: {  	_ =	shalt  }
0x7b: {  	_ =	shalt  }
0x7c: {  	_ =	shalt  }
0x7d: {  	_ =	shalt  }
0x7e: {  	_ =	shalt  }
0x7f: {  	_ =	shalt  }
0x80: {  	_ =	shalt  }
0x81: {  	_ =	shalt  }
0x82: {  	_ =	shalt  }
0x83: {  	_ =	shalt  }
0x84: {  	_ =	shalt  }
0x85: {  	_ =	shalt  }
0x86: {  	_ =	shalt  }
0x87: {  	_ =	shalt  }
.Lfunc_end0:
.L_simem_size_0:
called_computation.3_lowered:
.L_overlay_start_0:
0x88: {  	s2 =	sld [smem:$0x3FD9]  }
0x89: {  	s3 =	sld [smem:$0x3FFE];
	_ =	sdelay $0x1  }
0x8a: {  	s1 =	srdreg.scid  }
0x8b: {  	s0 =	sand.u32 $0x1, s1  }
0x8c: {  	s16 =	sshll.u32 s0, $0xA;
	s2 =	sadd.s32 s3, s2  }
0x8d: {  	s2 =	sadd.s32 s2, s16  }
0x8e: {  	[smem:$0x3FBA] =	sst s2  }
0x8f: {  	_ = 	snop  }
0x90: {  	(tm) =	ssettm $0x1  }
0x91: {  	s17 =	sld [smem:$0x3FFB];
	_ =	sdelay $0x3  }
0x92: {  	_ =	strace s17  }
0x93: {  	s2 =	sld [smem:$0x3FFC];
	_ =	sdelay $0x3  }
0x94: {  	_ =	strace s2  }
0x95: {  	s2 =	sld [smem:$0x3FFD];
	_ =	sdelay $0x3  }
0x96: {  	_ =	strace s2  }
0x97: {  	_ =	strace $0x8FFFFFFF  }
0x98: {  	s18 =	sld [smem:$0x3FDB];
	_ =	sdelay $0x1  }
0x99: {  	s19 =	simm.s32 $_scs_section_size  }
0x9a: {  	s4 =	simm.s32 $_size__tile_overlayer_lowered;
	s5 =	simm.s32 $_tile_overlayer_lowered  }
0x9b: {  	s22 =	simm.s32 $0x1BFF;
	s21 =	sshll.u32 s5, $0x1;
	s2 =	sadd.s32 s19, s18  }
0x9c: {  	s6 =	simm.s32 $0x0;
	s20 =	sshll.u32 s4, $0x1;
	s4 =	sadd.s32 s21, s2  }
0x9d: {  	[timem:s6], [sflag:s22] =	dma.local [hbm:s4], s20  }
0x9e: {  	_ =	swait.ge [sflag:s22], s20  }
0x9f: {  	s3 =	ssub.s32 $0x0, s20;
	[sflag:s22] =	ssyncset.done $0x0  }
0xa0: {  	[sflag:s22] =	ssyncadd.s32 s3;
	_ =	sdelay $0x1  }
0xa1: {  	s23 =	simm.s32 $0x1B8B  }
0xa2: {  	_ =	swait.ge [sflag:s23], $0x1  }
0xa3: {  	[sflag:s23] =	ssyncset.done $0x0  }
0xa4: {  	s25 =	simm.s32 $0x1B8E;
	s24 =	sld [smem:$0x3FFE];
	[sflag:s23] =	ssyncadd.s32 $0xFFFFFFFF  }
0xa5: {  	s26 =	simm.s32 $execute0_lowered;
	[smem:$0x3FD2] =	sst s25  }
0xa6: {  	s4 =	sshll.u32 s26, $0x1;
	_ =	strace $0x8000004F;
	[dreg:$0x1] =	wrdreg $0xFFFFFFFF  }
0xa7: {  	s28 =	simm.s32 $_size_execute0_lowered;
	s2 =	sadd.s32 s2, s4;
	[dreg:$0x0] =	wrdreg $0x0  }
0xa8: {  	s4 =	sshll.u32 s28, $0x1;
	[dreg:$0x2] =	wrdreg s2  }
0xa9: {  	[dreg:$0x3] =	wrdreg s4  }
0xaa: {  	[dreg:$0x4] =	wrdreg $0xC0  }
0xab: {  	_ =	task [dreg:s6], $0x5FFFF  }
0xac: {  	[dreg:$0x1] =	wrdreg $0xFFFFFFFF  }
0xad: {  	[dreg:$0x0] =	wrdreg $0x60  }
0xae: {  	[dreg:$0x2] =	wrdreg s24  }
0xaf: {  	[dreg:$0x3] =	wrdreg $0x9  }
0xb0: {  	_ =	task.clear_ibuf [dreg:s6], $0x4FFFF;
	_ =	strace $0x9000004F  }
0xb1: {  	s29 =	simm.s32 $0x9;
	_ =	strace $0x80000051  }
0xb2: {  	_ =	swait.ge [sflag:s29], $0x1  }
0xb3: {  	[sflag:s29] =	ssyncadd.s32 $0xFFFFFFFF  }
0xb4: {  	_ =	strace $0x90000051  }
0xb5: {  	_ =	sfence  }
0xb6: {  	s30 =	sld [smem:$0x0];
	_ =	sdelay $0x2  }
0xb7: {  	s31 =	sshll.u32 s1, $0xD;
	s1 =	sshrl.u32 s1, $0x2  }
0xb8: {  	s3 =	sand.u32 $0x4000, s31;
	s1 =	sadd.s32 s1, s30  }
0xb9: {  	s0 =	sor.u32 s3, s0;
	s1 =	sshll.u32 s1, $0x11  }
0xba: {  	s0 =	sor.u32 s1, s0  }
0xbb: {  	s0 =	sadd.s32 $0x8F2B, s0  }
0xbc: {  	[sflag:s0] =	ssyncadd.remote.s32 $0x1  }
0xbd: {  	_ =	sfence.sel $0xFFFF  }
0xbe: {  	[dreg:$0x0] =	wrdreg $0xFFFFFFFF;
	(pc) =	sbr.abs _section_cstart, $3  }
0xbf: {  	[dreg:$0x1] =	wrdreg $0xFFFFFFFF  }
0xc0: {  	_ =	task.clear_ibuf [dreg:s6], $0x2FFFF;
	_ =	strace $0x9FFFFFFF  }
0xc1: {  	(tm) =	ssettm $0x7FFFFFFF  }
tec
execute0_lowered:
.L_overlay_start_1:
0x0: {  	(tag) =	ssettag $0x1  }
0x1: {  	s5 =	rddreg [dreg:$0x0]  }
0x2: {  	s0 =	rddreg [dreg:$0x1];
	s1 =	simm.s32 $0x0;
	s2 =	srdreg.scid  }
0x3: {  	[smem:$0x7FF] =	sst s1;
	s8 =	sand.u32 $0x1, s2;
	s3 =	sadd.s32 $0x5400, s5  }
0x4: {  	s2 =	stileid.u32;
	s4 =	sadd.s32 $0xAB800, s5;
	s5 =	sadd.s32 $0xBF200, s5  }
0x5: {  	_ =	strace $0x80000050;
	s6 =	ssub.s32 $0x2, s8;
	s9 =	sshll.u32 s2, $0x1  }
0x6: {  	s10 =	sshll.u32 s2, $0x8;
	s11 =	sshll.u32 s8, $0x7;
	s7 =	sshrl.u32 s6, $0x1  }
0x7: {  	s12 =	sshll.u32 s2, $0xC;
	s7 =	ssub.s32 s6, s7;
	s6 =	sor.u32 s8, s9  }
0x8: {  	s13 =	sshll.u32 s8, $0xB;
	s7 =	smax.u32 s7, $0x1;
	s9 =	ssub.s32 $0x501, s6  }
0x9: {  	s8 =	sshrl.u32 s9, $0x5;
	s9 =	sor.u32 s11, s10;
	s10 =	sor.u32 s13, s12  }
0xa: {  	s11 =	simm.s32 $0x1;
	s12 =	simm.s32 $0x80;
	s13 =	simm.s32 $0x0  }
.LBB2_1:
0xb: {  	p1 =	sne.s32 s8, $0x1  }
.Ltmp0:
0xc: {  	_ = 	snop;
	(pc) =	sbr.rel @!p1 .LBB2_2-.Ltmp0, $4  }
0xd: {  	_ = 	snop  }
0xe: {  	p0 =	slt.s32 s6, $0x271;
	s14 =	sadd.s32 $0x3A980, s9  }
0xf: {  	s14 =	smov.u32 @p0 s9  }
0x10: {  	s16 =	sadd.s32 $0xFFFFFFFF, s8;
	p0 =	por $0x0, $0x0;
	s18 =	sshrl.u32 s14, $0x3  }
0x11: {  	s14 =	sadd.s32 s4, s18  }
0x12: {  	[tilespmem:s1], [sflag:$0x1] =	stream.linear.gather [hbm4b:s14+s1], $0x80, $0x38;
	[tilespmem:$0x4080] =	vst v63  }
0x13: {  	s15 =	sadd.s32 $0x1000, s9;
	_ =	swait.ge [sflag:s11], $0x80  }
0x14: {  	s17 =	sand.u32 $0x1FFFF800, s10;
	p1 =	sne.s32 s16, $0x1;
	[sflag:s11] =	ssyncset.done $0x0  }
0x15: {  	s14 =	sadd.s32 $0x20, s6;
	s18 =	sadd.s32 $0x3A980, s15;
	[sflag:s11] =	ssyncadd.s32 $0xFFFFFF80  }
0x16: {  	[tilespmem:s12], [sflag:$0x1] =	stream.indirect.gather [hbm4b:s3+s12], $0x80, s1, s12, $0xb8;
	[tilespmem:$0x4080] =	vst v63  }
.Ltmp1:
0x17: {  	p0 =	slt.s32 s14, $0x271;
	_ =	swait.ge [sflag:s11], $0x4000;
	(pc) =	sbr.rel @!p1 .LBB2_4-.Ltmp1, $4  }
0x18: {  	s17 =	sadd.s32 s5, s17;
	s18 =	smov.u32 @p0 s15;
	[sflag:s11] =	ssyncset.done $0x0  }
0x19: {  	p0 =	por $0x1, $0x1;
	s18 =	sshrl.u32 s18, $0x3;
	[sflag:s11] =	ssyncadd.s32 $0xFFFFC000  }
0x1a: {  	[hbm4b:s17+s1] =	stream.linear.scatter [tilespmem:s12], [sflag:$0x1], $0x4000, $0x38;
	[tilespmem:$0x4080] =	vst v63  }
0x1b: {  	s17 =	sadd.s32 $0xFFFFFFFF, s16;
	s16 =	smov.u32 s10;
	_ =	swait.ge [sflag:s11], $0x4000  }
.LBB2_5:
0x1c: {  	s18 =	sadd.s32 s4, s18;
	[sflag:s11] =	ssyncset.done $0x0;
	s16 =	sadd.s32 $0x10000, s16  }
0x1d: {  	p1 =	sne.s32 s17, $0x1;
	s17 =	sadd.s32 $0xFFFFFFFF, s17;
	[sflag:s11] =	ssyncadd.s32 $0xFFFFC000  }
0x1e: {  	[tilespmem:s1], [sflag:$0x1] =	stream.linear.gather [hbm4b:s18+s1], $0x80, $0x38;
	[tilespmem:$0x4080] =	vst v63  }
0x1f: {  	_ =	swait.ge [sflag:s11], $0x80  }
0x20: {  	[sflag:s11] =	ssyncset.done $0x0  }
0x21: {  	s14 =	sadd.s32 $0x20, s14;
	s15 =	sadd.s32 $0x1000, s15;
	[sflag:s11] =	ssyncadd.s32 $0xFFFFFF80  }
0x22: {  	[tilespmem:s12], [sflag:$0x1] =	stream.indirect.gather [hbm4b:s3+s12], $0x80, s1, s12, $0xb8;
	[tilespmem:$0x4080] =	vst v63  }
.Ltmp2:
0x23: {  	s18 =	sand.u32 $0x1FFFF800, s16;
	_ =	swait.ge [sflag:s11], $0x4000;
	(pc) =	sbr.rel @p1 .LBB2_5-.Ltmp2, $4  }
0x24: {  	p2 =	slt.s32 s14, $0x271;
	s19 =	sadd.s32 $0x3A980, s15;
	[sflag:s11] =	ssyncset.done $0x0  }
0x25: {  	s19 =	smov.u32 @p2 s15;
	s18 =	sadd.s32 s5, s18;
	[sflag:s11] =	ssyncadd.s32 $0xFFFFC000  }
0x26: {  	[hbm4b:s18+s1] =	stream.linear.scatter [tilespmem:s12], [sflag:$0x1], $0x4000, $0x38;
	[tilespmem:$0x4080] =	vst v63  }
0x27: {  	s18 =	sshrl.u32 s19, $0x3;
	_ =	swait.ge [sflag:s11], $0x4000  }
.LBB2_6:
0x28: {  	[sflag:s11] =	ssyncset.done @p0 $0x0  }
0x29: {  	s14 =	sadd.s32 s4, s18;
	[sflag:s11] =	ssyncadd.s32 @p0 $0xFFFFC000  }
0x2a: {  	[tilespmem:s1], [sflag:$0x1] =	stream.linear.gather [hbm4b:s14+s1], $0x80, $0x38;
	[tilespmem:$0x4080] =	vst v63  }
0x2b: {  	_ =	swait.ge [sflag:s11], $0x80  }
0x2c: {  	[sflag:s11] =	ssyncset.done $0x0  }
0x2d: {  	s15 =	smov.u32 s10;
	s14 =	sadd.s32 @p0 $0x10000, s16;
	[sflag:s11] =	ssyncadd.s32 $0xFFFFFF80  }
0x2e: {  	[tilespmem:s12], [sflag:$0x1] =	stream.indirect.gather [hbm4b:s3+s12], $0x80, s1, s12, $0xb8;
	[tilespmem:$0x4080] =	vst v63  }
0x2f: {  	s15 =	smov.u32 @p0 s14;
	_ =	swait.ge [sflag:s11], $0x4000  }
0x30: {  	s13 =	sadd.s32 $0x1, s13;
	s14 =	sand.u32 $0x1FFFF800, s15;
	[sflag:s11] =	ssyncset.done $0x0  }
0x31: {  	p0 =	sne.s32 s13, s7;
	s14 =	sadd.s32 s5, s14;
	[sflag:s11] =	ssyncadd.s32 $0xFFFFC000  }
0x32: {  	[hbm4b:s14+s1] =	stream.linear.scatter [tilespmem:s12], [sflag:$0x1], $0x4000, $0x38;
	[tilespmem:$0x4080] =	vst v63  }
.Ltmp3:
0x33: {  	_ = 	snop;
	(pc) =	sbr.rel @p0 .LBB2_1-.Ltmp3, $4  }
.Ltmp4:
0x34: {  	_ = 	snop;
	(pc) =	sbr.rel @!p0 .LBB2_7-.Ltmp4, $4  }
0x35: {  	_ =	swait.ge [sflag:s11], $0x4000  }
0x36: {  	[sflag:s11] =	ssyncset.done $0x0  }
0x37: {  	[sflag:s11] =	ssyncadd.s32 $0xFFFFC000  }
0x38: {  	_ = 	snop  }
.LBB2_2:
.Ltmp5:
0x39: {  	(pc) =	sbr.rel .LBB2_6-.Ltmp5, $2  }
0x3a: {  	_ =	sdelay $0x2  }
0x3b: {  	s16 =	smov.u32 s10  }
.LBB2_4:
.Ltmp6:
0x3c: {  	(pc) =	sbr.rel .LBB2_6-.Ltmp6, $2  }
0x3d: {  	_ =	sdelay $0x2  }
0x3e: {  	s16 =	smov.u32 s10  }
.LBB2_7:
0x3f: {  	_ =	sfence.sel $0x180000  }
0x40: {  	[bflag:$0x0] =	sbarrier.arrive $0xFFFF  }
0x41: {  	p0 =	sne.s32 s2, $0x0;
	_ =	strace $0x90000050  }
0x42: {  	s0 =	sadd.s32 @!p0 $0x100000, s0;
	[bflag:$0x2] =	sbarrier.arrive $0xFFFF  }
0x43: {  	[sflag:s0] =	ssyncadd.tile.s32 @!p0 $0x1;
	_ =	shalt  }
.Lfunc_end2:
_tile_overlayer_lowered:
.L_overlay_start_2:
0x44: {  	(tag) =	ssettag $0x2  }
0x45: {  	s0 =	rddreg [dreg:$0x0];
	s2 =	stileid.u32  }
0x46: {  	s1 =	rddreg [dreg:$0x1];
	p0 =	sne.s32 s2, $0x0  }
0x47: {  	s3 =	rddreg [dreg:$0x2];
	[bflag:$0x3] =	sbarrier.arrive $0xFFFF;
	s2 =	simm.s32 @!p0 $0x1C01  }
0x48: {  	[timem:s3], [sflag:s2] =	dma.local @!p0 [hbm:s0], s1  }
0x49: {  	s0 =	simm.s32 @!p0 $0x1  }
0x4a: {  	_ =	swait.ge @!p0 [sflag:s0], s1  }
0x4b: {  	s1 =	ssub.s32 @!p0 $0x0, s1;
	[sflag:s0] =	ssyncset.done @!p0 $0x0  }
0x4c: {  	[sflag:s0] =	ssyncadd.s32 @!p0 s1  }
0x4d: {  	[bflag:$0x3] =	sbarrier.arrive $0xFFFF  }
0x4e: {  	_ =	shalt  }

// kernel: kernel.28.cloned.1.call-start
scs
__scs_entry_jumppad:
0x0: {  	(pc) =	sbr.rel $0x88, $3  }
0x1: {  	(tag) =	ssettag $0x0;
	lr =	simm.s32 $0x1  }
0x2: {  	[smem:$0x3F93] =	sst lr;
	_ =	strace $0xD0000000  }
0x3: {  	_ = 	snop  }
0x4: {  	_ = 	snop  }
0x5: {  	_ = 	snop  }
0x6: {  	_ = 	snop  }
0x7: {  	_ = 	snop  }
__scs_overlays_trampoline_lowered:
0x8: {  	[smem:$0x3FA2] =	sst s0  }
0x9: {  	[smem:$0x3FA3] =	sst s1  }
0xa: {  	[smem:$0x3FA4] =	sst s2  }
0xb: {  	[smem:$0x3FA5] =	sst s3  }
0xc: {  	[smem:$0x3FA6] =	sst s4  }
0xd: {  	[smem:$0x3FA7] =	sst s5  }
0xe: {  	[smem:$0x3FA8] =	sst s6  }
0xf: {  	[smem:$0x3FA9] =	sst s7  }
0x10: {  	[smem:$0x3FAA] =	sst s8  }
0x11: {  	[smem:$0x3FAB] =	sst s9;
	s0 =	simm.s32 @!p0 $0x0  }
0x12: {  	s1 =	sld [smem:$0x3F91];
	s0 =	simm.s32 @p0 $0x1  }
0x13: {  	[smem:$0x3FAC] =	sst s0;
	s0 =	simm.s32 @!p1 $0x0  }
0x14: {  	s2 =	sld [smem:$0x3F90];
	s0 =	simm.s32 @p1 $0x1  }
0x15: {  	[smem:$0x3FAD] =	sst s0;
	s0 =	simm.s32 @!p2 $0x0  }
0x16: {  	s3 =	sld [smem:$0x3FDB];
	s0 =	simm.s32 @p2 $0x1  }
0x17: {  	s4 =	simm.s32 $0x1BF5;
	[smem:$0x3FAF] =	sst s0  }
0x18: {  	s0 =	sld [smem:$0x3F92];
	_ =	swait.ge [sflag:s4], $0x0  }
0x19: {  	s7 =	sld [smem:$0x3F93]  }
0x1a: {  	s8 =	sadd.s32 $0xFFFFE003, lr  }
0x1b: {  	s9 =	sadd.s32 $0xFFFFFEF7, lr;
	s5 =	simm.s32 $0xFFFFFFFF;
	p2 =	slt.u32 s8, $0xFFFFF086  }
0x1c: {  	p1 =	slt.u32 s9, $0xF7A;
	s5 =	simm.s32 @!p2 $0x0  }
0x1d: {  	s5 =	simm.s32 @p1 $0x1;
	p0 =	seq.s32 s7, s2  }
0x1e: {  	s7 =	smul.u32 @!p0 $0xF7A, s2;
	p2 =	seq.s32 @!p0 s5, $0x0  }
0x1f: {  	s9 =	smul.u32 $0xF7A, s1;
	s8 =	simm.s32 @!p0 $0x1BF5;
	p2 =	por !p2, p0  }
0x20: {  	[sflag:s8] =	ssyncset.s32 @!p0 $0xFFFFF086;
	s6 =	sadd.s32 @!p0 s3, s7;
	s7 =	simm.s32 @!p0 $0x108  }
0x21: {  	s3 =	sadd.s32 s3, s9;
	s6 =	sadd.s32 @!p0 $0x88, s6;
	s7 =	simm.s32 @p2 $0x1082  }
0x22: {  	[simem:s7], [sflag:s8] =	dma.local @!p0 [hbm:s6], $0xF7A  }
0x23: {  	s9 =	sor.u32 $0xD0000000, s2;
	s6 =	simm.s32 $0x108;
	_ =	swait.ge @!p0 [sflag:s8], $0x0  }
0x24: {  	s3 =	sadd.s32 $0x88, s3;
	s6 =	simm.s32 @!p1 $0x1082;
	[sflag:s4] =	ssyncset.s32 $0xFFFFF086  }
0x25: {  	[simem:s6], [sflag:s4] =	dma.local [hbm:s3], $0xF7A  }
0x26: {  	[smem:$0x3F93] =	sst s1;
	(tag) =	ssettag s2;
	_ =	strace s9  }
0x27: {  	s1 =	sld [smem:$0x3FA3]  }
0x28: {  	s2 =	sld [smem:$0x3FA4]  }
0x29: {  	s4 =	sld [smem:$0x3FA6]  }
0x2a: {  	p0 =	seq.s32 s5, $0x0;
	s5 =	sld [smem:$0x3FA7]  }
0x2b: {  	s6 =	sld [smem:$0x3FA8]  }
0x2c: {  	s7 =	sld [smem:$0x3FA9]  }
0x2d: {  	s3 =	simm.s32 $0x108;
	s8 =	sld [smem:$0x3FAA]  }
0x2e: {  	s3 =	simm.s32 @!p0 $0x1082;
	s9 =	sld [smem:$0x3FAB]  }
0x2f: {  	lr =	sadd.s32 s0, s3;
	s0 =	sld [smem:$0x3FA2]  }
0x30: {  	s3 =	sld [smem:$0x3FA5]  }
0x31: {  	[smem:$0x3FAE] =	sst s10  }
0x32: {  	s10 =	sld [smem:$0x3FAC];
	_ =	sdelay $0x3  }
0x33: {  	p0 =	seq.s32 s10, $0x1;
	s10 =	sld [smem:$0x3FAE];
	_ =	sdelay $0x3  }
0x34: {  	[smem:$0x3FAE] =	sst s10  }
0x35: {  	s10 =	sld [smem:$0x3FAD];
	_ =	sdelay $0x3  }
0x36: {  	p1 =	seq.s32 s10, $0x1;
	s10 =	sld [smem:$0x3FAE];
	_ =	sdelay $0x3  }
0x37: {  	[smem:$0x3FAE] =	sst s10  }
0x38: {  	s10 =	sld [smem:$0x3FAF]  }
0x39: {  	_ = 	snop;
	(pc) =	sbr.ind lr, $3  }
0x3a: {  	_ = 	snop  }
0x3b: {  	_ = 	snop  }
0x3c: {  	p2 =	seq.s32 s10, $0x1;
	s10 =	sld [smem:$0x3FAE]  }
0x3d: {  	_ =	shalt  }
0x3e: {  	_ =	shalt  }
0x3f: {  	_ =	shalt  }
0x40: {  	_ =	shalt  }
0x41: {  	_ =	shalt  }
0x42: {  	_ =	shalt  }
0x43: {  	_ =	shalt  }
0x44: {  	_ =	shalt  }
0x45: {  	_ =	shalt  }
0x46: {  	_ =	shalt  }
0x47: {  	_ =	shalt  }
0x48: {  	_ =	shalt  }
0x49: {  	_ =	shalt  }
0x4a: {  	_ =	shalt  }
0x4b: {  	_ =	shalt  }
0x4c: {  	_ =	shalt  }
0x4d: {  	_ =	shalt  }
0x4e: {  	_ =	shalt  }
0x4f: {  	_ =	shalt  }
0x50: {  	_ =	shalt  }
0x51: {  	_ =	shalt  }
0x52: {  	_ =	shalt  }
0x53: {  	_ =	shalt  }
0x54: {  	_ =	shalt  }
0x55: {  	_ =	shalt  }
0x56: {  	_ =	shalt  }
0x57: {  	_ =	shalt  }
0x58: {  	_ =	shalt  }
0x59: {  	_ =	shalt  }
0x5a: {  	_ =	shalt  }
0x5b: {  	_ =	shalt  }
0x5c: {  	_ =	shalt  }
0x5d: {  	_ =	shalt  }
0x5e: {  	_ =	shalt  }
0x5f: {  	_ =	shalt  }
0x60: {  	_ =	shalt  }
0x61: {  	_ =	shalt  }
0x62: {  	_ =	shalt  }
0x63: {  	_ =	shalt  }
0x64: {  	_ =	shalt  }
0x65: {  	_ =	shalt  }
0x66: {  	_ =	shalt  }
0x67: {  	_ =	shalt  }
0x68: {  	_ =	shalt  }
0x69: {  	_ =	shalt  }
0x6a: {  	_ =	shalt  }
0x6b: {  	_ =	shalt  }
0x6c: {  	_ =	shalt  }
0x6d: {  	_ =	shalt  }
0x6e: {  	_ =	shalt  }
0x6f: {  	_ =	shalt  }
0x70: {  	_ =	shalt  }
0x71: {  	_ =	shalt  }
0x72: {  	_ =	shalt  }
0x73: {  	_ =	shalt  }
0x74: {  	_ =	shalt  }
0x75: {  	_ =	shalt  }
0x76: {  	_ =	shalt  }
0x77: {  	_ =	shalt  }
0x78: {  	_ =	shalt  }
0x79: {  	_ =	shalt  }
0x7a: {  	_ =	shalt  }
0x7b: {  	_ =	shalt  }
0x7c: {  	_ =	shalt  }
0x7d: {  	_ =	shalt  }
0x7e: {  	_ =	shalt  }
0x7f: {  	_ =	shalt  }
0x80: {  	_ =	shalt  }
0x81: {  	_ =	shalt  }
0x82: {  	_ =	shalt  }
0x83: {  	_ =	shalt  }
0x84: {  	_ =	shalt  }
0x85: {  	_ =	shalt  }
0x86: {  	_ =	shalt  }
0x87: {  	_ =	shalt  }
.Lfunc_end0:
.L_simem_size_0:
called_computation.4_lowered:
.L_overlay_start_0:
0x88: {  	s2 =	sld [smem:$0x3FD9]  }
0x89: {  	s3 =	sld [smem:$0x3FFE];
	_ =	sdelay $0x1  }
0x8a: {  	s1 =	srdreg.scid  }
0x8b: {  	s0 =	sand.u32 $0x1, s1  }
0x8c: {  	s16 =	sshll.u32 s0, $0xA;
	s2 =	sadd.s32 s3, s2  }
0x8d: {  	s2 =	sadd.s32 s2, s16  }
0x8e: {  	[smem:$0x3FBA] =	sst s2  }
0x8f: {  	_ = 	snop  }
0x90: {  	(tm) =	ssettm $0x1  }
0x91: {  	s17 =	sld [smem:$0x3FFB];
	_ =	sdelay $0x3  }
0x92: {  	_ =	strace s17  }
0x93: {  	s2 =	sld [smem:$0x3FFC];
	_ =	sdelay $0x3  }
0x94: {  	_ =	strace s2  }
0x95: {  	s2 =	sld [smem:$0x3FFD];
	_ =	sdelay $0x3  }
0x96: {  	_ =	strace s2  }
0x97: {  	_ =	strace $0x8FFFFFFF  }
0x98: {  	s18 =	sld [smem:$0x3FDB];
	_ =	sdelay $0x1  }
0x99: {  	s19 =	simm.s32 $_scs_section_size  }
0x9a: {  	s4 =	simm.s32 $_size__tile_overlayer_lowered;
	s5 =	simm.s32 $_tile_overlayer_lowered  }
0x9b: {  	s22 =	simm.s32 $0x1BFF;
	s21 =	sshll.u32 s5, $0x1;
	s2 =	sadd.s32 s19, s18  }
0x9c: {  	s6 =	simm.s32 $0x0;
	s20 =	sshll.u32 s4, $0x1;
	s4 =	sadd.s32 s21, s2  }
0x9d: {  	[timem:s6], [sflag:s22] =	dma.local [hbm:s4], s20  }
0x9e: {  	_ =	swait.ge [sflag:s22], s20  }
0x9f: {  	s3 =	ssub.s32 $0x0, s20;
	[sflag:s22] =	ssyncset.done $0x0  }
0xa0: {  	[sflag:s22] =	ssyncadd.s32 s3;
	_ =	sdelay $0x1  }
0xa1: {  	s23 =	simm.s32 $0x1B8B  }
0xa2: {  	_ =	swait.ge [sflag:s23], $0x1  }
0xa3: {  	[sflag:s23] =	ssyncset.done $0x0  }
0xa4: {  	s25 =	simm.s32 $0x1B8E;
	s24 =	sld [smem:$0x3FFE];
	[sflag:s23] =	ssyncadd.s32 $0xFFFFFFFF  }
0xa5: {  	s26 =	simm.s32 $execute0_lowered;
	[smem:$0x3FD2] =	sst s25  }
0xa6: {  	s4 =	sshll.u32 s26, $0x1;
	_ =	strace $0x80000052;
	[dreg:$0x1] =	wrdreg $0xFFFFFFFF  }
0xa7: {  	s28 =	simm.s32 $_size_execute0_lowered;
	s2 =	sadd.s32 s2, s4;
	[dreg:$0x0] =	wrdreg $0x0  }
0xa8: {  	s4 =	sshll.u32 s28, $0x1;
	[dreg:$0x2] =	wrdreg s2  }
0xa9: {  	[dreg:$0x3] =	wrdreg s4  }
0xaa: {  	[dreg:$0x4] =	wrdreg $0xC0  }
0xab: {  	_ =	task [dreg:s6], $0x5FFFF  }
0xac: {  	[dreg:$0x1] =	wrdreg $0xFFFFFFFF  }
0xad: {  	[dreg:$0x0] =	wrdreg $0x60  }
0xae: {  	[dreg:$0x2] =	wrdreg s24  }
0xaf: {  	[dreg:$0x3] =	wrdreg $0x9  }
0xb0: {  	_ =	task.clear_ibuf [dreg:s6], $0x4FFFF;
	_ =	strace $0x90000052  }
0xb1: {  	s29 =	simm.s32 $0x9;
	_ =	strace $0x80000054  }
0xb2: {  	_ =	swait.ge [sflag:s29], $0x1  }
0xb3: {  	[sflag:s29] =	ssyncadd.s32 $0xFFFFFFFF  }
0xb4: {  	_ =	strace $0x90000054  }
0xb5: {  	_ =	sfence  }
0xb6: {  	s30 =	sld [smem:$0x0];
	_ =	sdelay $0x2  }
0xb7: {  	s31 =	sshll.u32 s1, $0xD;
	s1 =	sshrl.u32 s1, $0x2  }
0xb8: {  	s3 =	sand.u32 $0x4000, s31;
	s1 =	sadd.s32 s1, s30  }
0xb9: {  	s0 =	sor.u32 s3, s0;
	s1 =	sshll.u32 s1, $0x11  }
0xba: {  	s0 =	sor.u32 s1, s0  }
0xbb: {  	s0 =	sadd.s32 $0x8F2B, s0  }
0xbc: {  	[sflag:s0] =	ssyncadd.remote.s32 $0x1  }
0xbd: {  	_ =	sfence.sel $0xFFFF  }
0xbe: {  	[dreg:$0x0] =	wrdreg $0xFFFFFFFF;
	(pc) =	sbr.abs _section_cstart, $3  }
0xbf: {  	[dreg:$0x1] =	wrdreg $0xFFFFFFFF  }
0xc0: {  	_ =	task.clear_ibuf [dreg:s6], $0x2FFFF;
	_ =	strace $0x9FFFFFFF  }
0xc1: {  	(tm) =	ssettm $0x7FFFFFFF  }
tec
execute0_lowered:
.L_overlay_start_1:
0x0: {  	(tag) =	ssettag $0x1  }
0x1: {  	s5 =	rddreg [dreg:$0x0]  }
0x2: {  	s0 =	rddreg [dreg:$0x1];
	s1 =	simm.s32 $0x0;
	s2 =	srdreg.scid  }
0x3: {  	s12 =	simm.s32 $0x0;
	[smem:$0x7FF] =	sst s1;
	s7 =	sand.u32 $0x1, s2  }
0x4: {  	s3 =	sadd.s32 $0x5400, s5;
	s2 =	stileid.u32;
	s6 =	ssub.s32 $0x2, s7  }
0x5: {  	s4 =	sadd.s32 $0xAB800, s5;
	s9 =	sshll.u32 s2, $0x1;
	s8 =	sshrl.u32 s6, $0x1  }
0x6: {  	s5 =	sadd.s32 $0x330200, s5;
	s8 =	ssub.s32 s6, s8;
	s6 =	sor.u32 s7, s9  }
0x7: {  	_ =	strace $0x80000053;
	s10 =	sshll.u32 s2, $0xC;
	s9 =	ssub.s32 $0x501, s6  }
0x8: {  	s11 =	sshll.u32 s7, $0xB;
	s7 =	smax.u32 s8, $0x1;
	s8 =	sshrl.u32 s9, $0x5  }
0x9: {  	s9 =	sor.u32 s11, s10;
	s10 =	simm.s32 $0x1;
	s11 =	simm.s32 $0x80  }
.LBB2_1:
0xa: {  	p1 =	sne.s32 s8, $0x1  }
.Ltmp0:
0xb: {  	_ = 	snop;
	(pc) =	sbr.rel @!p1 .LBB2_2-.Ltmp0, $4  }
0xc: {  	_ = 	snop  }
0xd: {  	p0 =	slt.s32 s6, $0x271;
	s13 =	simm.s32 $0x271  }
0xe: {  	s13 =	simm.s32 @!p0 $0x9C4  }
0xf: {  	s14 =	sadd.s32 $0xFFFFFFFF, s8;
	p0 =	por $0x0, $0x0;
	s16 =	sadd.s32 s6, s13  }
0x10: {  	s13 =	sshll.u32 s16, $0x4  }
0x11: {  	s13 =	sand.u32 $0x1FFFFFF0, s13  }
0x12: {  	s13 =	sadd.s32 s4, s13  }
0x13: {  	[tilespmem:s1], [sflag:$0x1] =	stream.linear.gather [hbm4b:s13+s1], $0x80, $0x38;
	[tilespmem:$0x4080] =	vst v63  }
0x14: {  	_ =	swait.ge [sflag:s10], $0x80  }
0x15: {  	s15 =	sand.u32 $0x1FFFF800, s9;
	s16 =	simm.s32 $0x271;
	[sflag:s10] =	ssyncset.done $0x0  }
0x16: {  	p1 =	sne.s32 s14, $0x1;
	s13 =	sadd.s32 $0x20, s6;
	[sflag:s10] =	ssyncadd.s32 $0xFFFFFF80  }
0x17: {  	[tilespmem:s11], [sflag:$0x1] =	stream.indirect.gather [hbm4b:s3+s11], $0x80, s1, s11, $0xb8;
	[tilespmem:$0x4080] =	vst v63  }
.Ltmp1:
0x18: {  	p0 =	slt.s32 s13, $0x271;
	_ =	swait.ge [sflag:s10], $0x4000;
	(pc) =	sbr.rel @!p1 .LBB2_4-.Ltmp1, $4  }
0x19: {  	s15 =	sadd.s32 s5, s15;
	s16 =	simm.s32 @!p0 $0x9C4;
	[sflag:s10] =	ssyncset.done $0x0  }
0x1a: {  	p0 =	por $0x1, $0x1;
	s16 =	sadd.s32 s13, s16;
	[sflag:s10] =	ssyncadd.s32 $0xFFFFC000  }
0x1b: {  	[hbm4b:s15+s1] =	stream.linear.scatter [tilespmem:s11], [sflag:$0x1], $0x4000, $0x38;
	[tilespmem:$0x4080] =	vst v63  }
0x1c: {  	s15 =	sadd.s32 $0xFFFFFFFF, s14;
	s14 =	smov.u32 s9;
	_ =	swait.ge [sflag:s10], $0x4000  }
.LBB2_5:
0x1d: {  	s16 =	sshll.u32 s16, $0x4;
	[sflag:s10] =	ssyncset.done $0x0;
	s14 =	sadd.s32 $0x10000, s14  }
0x1e: {  	p1 =	sne.s32 s15, $0x1;
	s16 =	sand.u32 $0x1FFFFFF0, s16;
	[sflag:s10] =	ssyncadd.s32 $0xFFFFC000  }
0x1f: {  	s15 =	sadd.s32 $0xFFFFFFFF, s15;
	s16 =	sadd.s32 s4, s16  }
0x20: {  	[tilespmem:s1], [sflag:$0x1] =	stream.linear.gather [hbm4b:s16+s1], $0x80, $0x38;
	[tilespmem:$0x4080] =	vst v63  }
0x21: {  	_ =	swait.ge [sflag:s10], $0x80  }
0x22: {  	[sflag:s10] =	ssyncset.done $0x0  }
0x23: {  	s13 =	sadd.s32 $0x20, s13;
	s17 =	simm.s32 $0x271;
	[sflag:s10] =	ssyncadd.s32 $0xFFFFFF80  }
0x24: {  	[tilespmem:s11], [sflag:$0x1] =	stream.indirect.gather [hbm4b:s3+s11], $0x80, s1, s11, $0xb8;
	[tilespmem:$0x4080] =	vst v63  }
.Ltmp2:
0x25: {  	s16 =	sand.u32 $0x1FFFF800, s14;
	_ =	swait.ge [sflag:s10], $0x4000;
	(pc) =	sbr.rel @p1 .LBB2_5-.Ltmp2, $4  }
0x26: {  	p2 =	slt.s32 s13, $0x271;
	s16 =	sadd.s32 s5, s16;
	[sflag:s10] =	ssyncset.done $0x0  }
0x27: {  	s17 =	simm.s32 @!p2 $0x9C4;
	[sflag:s10] =	ssyncadd.s32 $0xFFFFC000  }
0x28: {  	[hbm4b:s16+s1] =	stream.linear.scatter [tilespmem:s11], [sflag:$0x1], $0x4000, $0x38;
	[tilespmem:$0x4080] =	vst v63  }
0x29: {  	s16 =	sadd.s32 s13, s17;
	_ =	swait.ge [sflag:s10], $0x4000  }
.LBB2_6:
0x2a: {  	s13 =	sshll.u32 s16, $0x4  }
0x2b: {  	[sflag:s10] =	ssyncset.done @p0 $0x0;
	s13 =	sand.u32 $0x1FFFFFF0, s13  }
0x2c: {  	[sflag:s10] =	ssyncadd.s32 @p0 $0xFFFFC000;
	s13 =	sadd.s32 s4, s13  }
0x2d: {  	[tilespmem:s1], [sflag:$0x1] =	stream.linear.gather [hbm4b:s13+s1], $0x80, $0x38;
	[tilespmem:$0x4080] =	vst v63  }
0x2e: {  	_ =	swait.ge [sflag:s10], $0x80  }
0x2f: {  	[sflag:s10] =	ssyncset.done $0x0  }
0x30: {  	s13 =	sadd.s32 @p0 $0x10000, s14;
	s14 =	smov.u32 s9;
	[sflag:s10] =	ssyncadd.s32 $0xFFFFFF80  }
0x31: {  	[tilespmem:s11], [sflag:$0x1] =	stream.indirect.gather [hbm4b:s3+s11], $0x80, s1, s11, $0xb8;
	[tilespmem:$0x4080] =	vst v63  }
0x32: {  	s14 =	smov.u32 @p0 s13;
	_ =	swait.ge [sflag:s10], $0x4000  }
0x33: {  	s12 =	sadd.s32 $0x1, s12;
	s13 =	sand.u32 $0x1FFFF800, s14;
	[sflag:s10] =	ssyncset.done $0x0  }
0x34: {  	p0 =	sne.s32 s12, s7;
	s13 =	sadd.s32 s5, s13;
	[sflag:s10] =	ssyncadd.s32 $0xFFFFC000  }
0x35: {  	[hbm4b:s13+s1] =	stream.linear.scatter [tilespmem:s11], [sflag:$0x1], $0x4000, $0x38;
	[tilespmem:$0x4080] =	vst v63  }
.Ltmp3:
0x36: {  	_ = 	snop;
	(pc) =	sbr.rel @p0 .LBB2_1-.Ltmp3, $4  }
.Ltmp4:
0x37: {  	_ = 	snop;
	(pc) =	sbr.rel @!p0 .LBB2_7-.Ltmp4, $4  }
0x38: {  	_ =	swait.ge [sflag:s10], $0x4000  }
0x39: {  	[sflag:s10] =	ssyncset.done $0x0  }
0x3a: {  	[sflag:s10] =	ssyncadd.s32 $0xFFFFC000  }
0x3b: {  	_ = 	snop  }
.LBB2_2:
.Ltmp5:
0x3c: {  	(pc) =	sbr.rel .LBB2_6-.Ltmp5, $2  }
0x3d: {  	_ =	sdelay $0x2  }
0x3e: {  	s14 =	smov.u32 s9  }
.LBB2_4:
.Ltmp6:
0x3f: {  	(pc) =	sbr.rel .LBB2_6-.Ltmp6, $2  }
0x40: {  	_ =	sdelay $0x2  }
0x41: {  	s14 =	smov.u32 s9  }
.LBB2_7:
0x42: {  	_ =	sfence.sel $0x180000  }
0x43: {  	[bflag:$0x0] =	sbarrier.arrive $0xFFFF  }
0x44: {  	p0 =	sne.s32 s2, $0x0;
	_ =	strace $0x90000053  }
0x45: {  	s0 =	sadd.s32 @!p0 $0x100000, s0;
	[bflag:$0x2] =	sbarrier.arrive $0xFFFF  }
0x46: {  	[sflag:s0] =	ssyncadd.tile.s32 @!p0 $0x1;
	_ =	shalt  }
.Lfunc_end2:
_tile_overlayer_lowered:
.L_overlay_start_2:
0x47: {  	(tag) =	ssettag $0x2  }
0x48: {  	s0 =	rddreg [dreg:$0x0];
	s2 =	stileid.u32  }
0x49: {  	s1 =	rddreg [dreg:$0x1];
	p0 =	sne.s32 s2, $0x0  }
0x4a: {  	s3 =	rddreg [dreg:$0x2];
	[bflag:$0x3] =	sbarrier.arrive $0xFFFF;
	s2 =	simm.s32 @!p0 $0x1C01  }
0x4b: {  	[timem:s3], [sflag:s2] =	dma.local @!p0 [hbm:s0], s1  }
0x4c: {  	s0 =	simm.s32 @!p0 $0x1  }
0x4d: {  	_ =	swait.ge @!p0 [sflag:s0], s1  }
0x4e: {  	s1 =	ssub.s32 @!p0 $0x0, s1;
	[sflag:s0] =	ssyncset.done @!p0 $0x0  }
0x4f: {  	[sflag:s0] =	ssyncadd.s32 @!p0 s1  }
0x50: {  	[bflag:$0x3] =	sbarrier.arrive $0xFFFF  }
0x51: {  	_ =	shalt  }

// kernel: kernel.31.cloned.1.call-start
scs
__scs_entry_jumppad:
0x0: {  	(pc) =	sbr.rel $0x88, $3  }
0x1: {  	(tag) =	ssettag $0x0;
	lr =	simm.s32 $0x1  }
0x2: {  	[smem:$0x3F93] =	sst lr;
	_ =	strace $0xD0000000  }
0x3: {  	_ = 	snop  }
0x4: {  	_ = 	snop  }
0x5: {  	_ = 	snop  }
0x6: {  	_ = 	snop  }
0x7: {  	_ = 	snop  }
__scs_overlays_trampoline_lowered:
0x8: {  	[smem:$0x3FA2] =	sst s0  }
0x9: {  	[smem:$0x3FA3] =	sst s1  }
0xa: {  	[smem:$0x3FA4] =	sst s2  }
0xb: {  	[smem:$0x3FA5] =	sst s3  }
0xc: {  	[smem:$0x3FA6] =	sst s4  }
0xd: {  	[smem:$0x3FA7] =	sst s5  }
0xe: {  	[smem:$0x3FA8] =	sst s6  }
0xf: {  	[smem:$0x3FA9] =	sst s7  }
0x10: {  	[smem:$0x3FAA] =	sst s8  }
0x11: {  	[smem:$0x3FAB] =	sst s9;
	s0 =	simm.s32 @!p0 $0x0  }
0x12: {  	s1 =	sld [smem:$0x3F91];
	s0 =	simm.s32 @p0 $0x1  }
0x13: {  	[smem:$0x3FAC] =	sst s0;
	s0 =	simm.s32 @!p1 $0x0  }
0x14: {  	s2 =	sld [smem:$0x3F90];
	s0 =	simm.s32 @p1 $0x1  }
0x15: {  	[smem:$0x3FAD] =	sst s0;
	s0 =	simm.s32 @!p2 $0x0  }
0x16: {  	s3 =	sld [smem:$0x3FDB];
	s0 =	simm.s32 @p2 $0x1  }
0x17: {  	s4 =	simm.s32 $0x1BF5;
	[smem:$0x3FAF] =	sst s0  }
0x18: {  	s0 =	sld [smem:$0x3F92];
	_ =	swait.ge [sflag:s4], $0x0  }
0x19: {  	s7 =	sld [smem:$0x3F93]  }
0x1a: {  	s8 =	sadd.s32 $0xFFFFE003, lr  }
0x1b: {  	s9 =	sadd.s32 $0xFFFFFEF7, lr;
	s5 =	simm.s32 $0xFFFFFFFF;
	p2 =	slt.u32 s8, $0xFFFFF086  }
0x1c: {  	p1 =	slt.u32 s9, $0xF7A;
	s5 =	simm.s32 @!p2 $0x0  }
0x1d: {  	s5 =	simm.s32 @p1 $0x1;
	p0 =	seq.s32 s7, s2  }
0x1e: {  	s7 =	smul.u32 @!p0 $0xF7A, s2;
	p2 =	seq.s32 @!p0 s5, $0x0  }
0x1f: {  	s9 =	smul.u32 $0xF7A, s1;
	s8 =	simm.s32 @!p0 $0x1BF5;
	p2 =	por !p2, p0  }
0x20: {  	[sflag:s8] =	ssyncset.s32 @!p0 $0xFFFFF086;
	s6 =	sadd.s32 @!p0 s3, s7;
	s7 =	simm.s32 @!p0 $0x108  }
0x21: {  	s3 =	sadd.s32 s3, s9;
	s6 =	sadd.s32 @!p0 $0x88, s6;
	s7 =	simm.s32 @p2 $0x1082  }
0x22: {  	[simem:s7], [sflag:s8] =	dma.local @!p0 [hbm:s6], $0xF7A  }
0x23: {  	s9 =	sor.u32 $0xD0000000, s2;
	s6 =	simm.s32 $0x108;
	_ =	swait.ge @!p0 [sflag:s8], $0x0  }
0x24: {  	s3 =	sadd.s32 $0x88, s3;
	s6 =	simm.s32 @!p1 $0x1082;
	[sflag:s4] =	ssyncset.s32 $0xFFFFF086  }
0x25: {  	[simem:s6], [sflag:s4] =	dma.local [hbm:s3], $0xF7A  }
0x26: {  	[smem:$0x3F93] =	sst s1;
	(tag) =	ssettag s2;
	_ =	strace s9  }
0x27: {  	s1 =	sld [smem:$0x3FA3]  }
0x28: {  	s2 =	sld [smem:$0x3FA4]  }
0x29: {  	s4 =	sld [smem:$0x3FA6]  }
0x2a: {  	p0 =	seq.s32 s5, $0x0;
	s5 =	sld [smem:$0x3FA7]  }
0x2b: {  	s6 =	sld [smem:$0x3FA8]  }
0x2c: {  	s7 =	sld [smem:$0x3FA9]  }
0x2d: {  	s3 =	simm.s32 $0x108;
	s8 =	sld [smem:$0x3FAA]  }
0x2e: {  	s3 =	simm.s32 @!p0 $0x1082;
	s9 =	sld [smem:$0x3FAB]  }
0x2f: {  	lr =	sadd.s32 s0, s3;
	s0 =	sld [smem:$0x3FA2]  }
0x30: {  	s3 =	sld [smem:$0x3FA5]  }
0x31: {  	[smem:$0x3FAE] =	sst s10  }
0x32: {  	s10 =	sld [smem:$0x3FAC];
	_ =	sdelay $0x3  }
0x33: {  	p0 =	seq.s32 s10, $0x1;
	s10 =	sld [smem:$0x3FAE];
	_ =	sdelay $0x3  }
0x34: {  	[smem:$0x3FAE] =	sst s10  }
0x35: {  	s10 =	sld [smem:$0x3FAD];
	_ =	sdelay $0x3  }
0x36: {  	p1 =	seq.s32 s10, $0x1;
	s10 =	sld [smem:$0x3FAE];
	_ =	sdelay $0x3  }
0x37: {  	[smem:$0x3FAE] =	sst s10  }
0x38: {  	s10 =	sld [smem:$0x3FAF]  }
0x39: {  	_ = 	snop;
	(pc) =	sbr.ind lr, $3  }
0x3a: {  	_ = 	snop  }
0x3b: {  	_ = 	snop  }
0x3c: {  	p2 =	seq.s32 s10, $0x1;
	s10 =	sld [smem:$0x3FAE]  }
0x3d: {  	_ =	shalt  }
0x3e: {  	_ =	shalt  }
0x3f: {  	_ =	shalt  }
0x40: {  	_ =	shalt  }
0x41: {  	_ =	shalt  }
0x42: {  	_ =	shalt  }
0x43: {  	_ =	shalt  }
0x44: {  	_ =	shalt  }
0x45: {  	_ =	shalt  }
0x46: {  	_ =	shalt  }
0x47: {  	_ =	shalt  }
0x48: {  	_ =	shalt  }
0x49: {  	_ =	shalt  }
0x4a: {  	_ =	shalt  }
0x4b: {  	_ =	shalt  }
0x4c: {  	_ =	shalt  }
0x4d: {  	_ =	shalt  }
0x4e: {  	_ =	shalt  }
0x4f: {  	_ =	shalt  }
0x50: {  	_ =	shalt  }
0x51: {  	_ =	shalt  }
0x52: {  	_ =	shalt  }
0x53: {  	_ =	shalt  }
0x54: {  	_ =	shalt  }
0x55: {  	_ =	shalt  }
0x56: {  	_ =	shalt  }
0x57: {  	_ =	shalt  }
0x58: {  	_ =	shalt  }
0x59: {  	_ =	shalt  }
0x5a: {  	_ =	shalt  }
0x5b: {  	_ =	shalt  }
0x5c: {  	_ =	shalt  }
0x5d: {  	_ =	shalt  }
0x5e: {  	_ =	shalt  }
0x5f: {  	_ =	shalt  }
0x60: {  	_ =	shalt  }
0x61: {  	_ =	shalt  }
0x62: {  	_ =	shalt  }
0x63: {  	_ =	shalt  }
0x64: {  	_ =	shalt  }
0x65: {  	_ =	shalt  }
0x66: {  	_ =	shalt  }
0x67: {  	_ =	shalt  }
0x68: {  	_ =	shalt  }
0x69: {  	_ =	shalt  }
0x6a: {  	_ =	shalt  }
0x6b: {  	_ =	shalt  }
0x6c: {  	_ =	shalt  }
0x6d: {  	_ =	shalt  }
0x6e: {  	_ =	shalt  }
0x6f: {  	_ =	shalt  }
0x70: {  	_ =	shalt  }
0x71: {  	_ =	shalt  }
0x72: {  	_ =	shalt  }
0x73: {  	_ =	shalt  }
0x74: {  	_ =	shalt  }
0x75: {  	_ =	shalt  }
0x76: {  	_ =	shalt  }
0x77: {  	_ =	shalt  }
0x78: {  	_ =	shalt  }
0x79: {  	_ =	shalt  }
0x7a: {  	_ =	shalt  }
0x7b: {  	_ =	shalt  }
0x7c: {  	_ =	shalt  }
0x7d: {  	_ =	shalt  }
0x7e: {  	_ =	shalt  }
0x7f: {  	_ =	shalt  }
0x80: {  	_ =	shalt  }
0x81: {  	_ =	shalt  }
0x82: {  	_ =	shalt  }
0x83: {  	_ =	shalt  }
0x84: {  	_ =	shalt  }
0x85: {  	_ =	shalt  }
0x86: {  	_ =	shalt  }
0x87: {  	_ =	shalt  }
.Lfunc_end0:
.L_simem_size_0:
called_computation.5_lowered:
.L_overlay_start_0:
0x88: {  	s2 =	sld [smem:$0x3FD9]  }
0x89: {  	s3 =	sld [smem:$0x3FFE];
	_ =	sdelay $0x1  }
0x8a: {  	s1 =	srdreg.scid  }
0x8b: {  	s0 =	sand.u32 $0x1, s1  }
0x8c: {  	s16 =	sshll.u32 s0, $0xA;
	s2 =	sadd.s32 s3, s2  }
0x8d: {  	s2 =	sadd.s32 s2, s16  }
0x8e: {  	[smem:$0x3FBA] =	sst s2  }
0x8f: {  	_ = 	snop  }
0x90: {  	(tm) =	ssettm $0x1  }
0x91: {  	s17 =	sld [smem:$0x3FFB];
	_ =	sdelay $0x3  }
0x92: {  	_ =	strace s17  }
0x93: {  	s2 =	sld [smem:$0x3FFC];
	_ =	sdelay $0x3  }
0x94: {  	_ =	strace s2  }
0x95: {  	s2 =	sld [smem:$0x3FFD];
	_ =	sdelay $0x3  }
0x96: {  	_ =	strace s2  }
0x97: {  	_ =	strace $0x8FFFFFFF  }
0x98: {  	s18 =	sld [smem:$0x3FDB];
	_ =	sdelay $0x1  }
0x99: {  	s19 =	simm.s32 $_scs_section_size  }
0x9a: {  	s4 =	simm.s32 $_size__tile_overlayer_lowered;
	s5 =	simm.s32 $_tile_overlayer_lowered  }
0x9b: {  	s22 =	simm.s32 $0x1BFF;
	s21 =	sshll.u32 s5, $0x1;
	s2 =	sadd.s32 s19, s18  }
0x9c: {  	s6 =	simm.s32 $0x0;
	s20 =	sshll.u32 s4, $0x1;
	s4 =	sadd.s32 s21, s2  }
0x9d: {  	[timem:s6], [sflag:s22] =	dma.local [hbm:s4], s20  }
0x9e: {  	_ =	swait.ge [sflag:s22], s20  }
0x9f: {  	s3 =	ssub.s32 $0x0, s20;
	[sflag:s22] =	ssyncset.done $0x0  }
0xa0: {  	[sflag:s22] =	ssyncadd.s32 s3;
	_ =	sdelay $0x1  }
0xa1: {  	s23 =	simm.s32 $0x1B8B  }
0xa2: {  	_ =	swait.ge [sflag:s23], $0x1  }
0xa3: {  	[sflag:s23] =	ssyncset.done $0x0  }
0xa4: {  	s25 =	simm.s32 $0x1B8E;
	s24 =	sld [smem:$0x3FFE];
	[sflag:s23] =	ssyncadd.s32 $0xFFFFFFFF  }
0xa5: {  	s26 =	simm.s32 $execute0_lowered;
	[smem:$0x3FD2] =	sst s25  }
0xa6: {  	s4 =	sshll.u32 s26, $0x1;
	_ =	strace $0x80000055;
	[dreg:$0x1] =	wrdreg $0xFFFFFFFF  }
0xa7: {  	s28 =	simm.s32 $_size_execute0_lowered;
	s2 =	sadd.s32 s2, s4;
	[dreg:$0x0] =	wrdreg $0x0  }
0xa8: {  	s4 =	sshll.u32 s28, $0x1;
	[dreg:$0x2] =	wrdreg s2  }
0xa9: {  	[dreg:$0x3] =	wrdreg s4  }
0xaa: {  	[dreg:$0x4] =	wrdreg $0xC0  }
0xab: {  	_ =	task [dreg:s6], $0x5FFFF  }
0xac: {  	[dreg:$0x1] =	wrdreg $0xFFFFFFFF  }
0xad: {  	[dreg:$0x0] =	wrdreg $0x60  }
0xae: {  	[dreg:$0x2] =	wrdreg s24  }
0xaf: {  	[dreg:$0x3] =	wrdreg $0x9  }
0xb0: {  	_ =	task.clear_ibuf [dreg:s6], $0x4FFFF;
	_ =	strace $0x90000055  }
0xb1: {  	s29 =	simm.s32 $0x9;
	_ =	strace $0x80000057  }
0xb2: {  	_ =	swait.ge [sflag:s29], $0x1  }
0xb3: {  	[sflag:s29] =	ssyncadd.s32 $0xFFFFFFFF  }
0xb4: {  	_ =	strace $0x90000057  }
0xb5: {  	_ =	sfence  }
0xb6: {  	s30 =	sld [smem:$0x0];
	_ =	sdelay $0x2  }
0xb7: {  	s31 =	sshll.u32 s1, $0xD;
	s1 =	sshrl.u32 s1, $0x2  }
0xb8: {  	s3 =	sand.u32 $0x4000, s31;
	s1 =	sadd.s32 s1, s30  }
0xb9: {  	s0 =	sor.u32 s3, s0;
	s1 =	sshll.u32 s1, $0x11  }
0xba: {  	s0 =	sor.u32 s1, s0  }
0xbb: {  	s0 =	sadd.s32 $0x8F2B, s0  }
0xbc: {  	[sflag:s0] =	ssyncadd.remote.s32 $0x1  }
0xbd: {  	_ =	sfence.sel $0xFFFF  }
0xbe: {  	[dreg:$0x0] =	wrdreg $0xFFFFFFFF;
	(pc) =	sbr.abs _section_cstart, $3  }
0xbf: {  	[dreg:$0x1] =	wrdreg $0xFFFFFFFF  }
0xc0: {  	_ =	task.clear_ibuf [dreg:s6], $0x2FFFF;
	_ =	strace $0x9FFFFFFF  }
0xc1: {  	(tm) =	ssettm $0x7FFFFFFF  }
tec
execute0_lowered:
.L_overlay_start_1:
0x0: {  	(tag) =	ssettag $0x1  }
0x1: {  	s5 =	rddreg [dreg:$0x0]  }
0x2: {  	s0 =	rddreg [dreg:$0x1];
	s1 =	simm.s32 $0x0;
	s2 =	srdreg.scid  }
0x3: {  	s12 =	simm.s32 $0x0;
	[smem:$0x7FF] =	sst s1;
	s7 =	sand.u32 $0x1, s2  }
0x4: {  	s3 =	sadd.s32 $0x5400, s5;
	s2 =	stileid.u32;
	s6 =	ssub.s32 $0x2, s7  }
0x5: {  	s4 =	sadd.s32 $0xAB800, s5;
	s9 =	sshll.u32 s2, $0x1;
	s8 =	sshrl.u32 s6, $0x1  }
0x6: {  	s5 =	sadd.s32 $0xBF200, s5;
	s8 =	ssub.s32 s6, s8;
	s6 =	sor.u32 s7, s9  }
0x7: {  	_ =	strace $0x80000056;
	s10 =	sshll.u32 s2, $0xC;
	s9 =	ssub.s32 $0x501, s6  }
0x8: {  	s11 =	sshll.u32 s7, $0xB;
	s7 =	smax.u32 s8, $0x1;
	s8 =	sshrl.u32 s9, $0x5  }
0x9: {  	s9 =	sor.u32 s11, s10;
	s10 =	simm.s32 $0x1;
	s11 =	simm.s32 $0x80  }
.LBB2_1:
0xa: {  	p1 =	sne.s32 s8, $0x1  }
.Ltmp0:
0xb: {  	_ = 	snop;
	(pc) =	sbr.rel @!p1 .LBB2_2-.Ltmp0, $4  }
0xc: {  	_ = 	snop  }
0xd: {  	p0 =	slt.s32 s6, $0x271;
	s13 =	simm.s32 $0x4E2  }
0xe: {  	s13 =	simm.s32 @!p0 $0xC35  }
0xf: {  	s14 =	sadd.s32 $0xFFFFFFFF, s8;
	p0 =	por $0x0, $0x0;
	s16 =	sadd.s32 s6, s13  }
0x10: {  	s13 =	sshll.u32 s16, $0x4  }
0x11: {  	s13 =	sand.u32 $0x1FFFFFF0, s13  }
0x12: {  	s13 =	sadd.s32 s4, s13  }
0x13: {  	[tilespmem:s1], [sflag:$0x1] =	stream.linear.gather [hbm4b:s13+s1], $0x80, $0x38;
	[tilespmem:$0x4080] =	vst v63  }
0x14: {  	_ =	swait.ge [sflag:s10], $0x80  }
0x15: {  	s15 =	sand.u32 $0x1FFFF800, s9;
	s16 =	simm.s32 $0x4E2;
	[sflag:s10] =	ssyncset.done $0x0  }
0x16: {  	p1 =	sne.s32 s14, $0x1;
	s13 =	sadd.s32 $0x20, s6;
	[sflag:s10] =	ssyncadd.s32 $0xFFFFFF80  }
0x17: {  	[tilespmem:s11], [sflag:$0x1] =	stream.indirect.gather [hbm4b:s3+s11], $0x80, s1, s11, $0xb8;
	[tilespmem:$0x4080] =	vst v63  }
.Ltmp1:
0x18: {  	p0 =	slt.s32 s13, $0x271;
	_ =	swait.ge [sflag:s10], $0x4000;
	(pc) =	sbr.rel @!p1 .LBB2_4-.Ltmp1, $4  }
0x19: {  	s15 =	sadd.s32 s5, s15;
	s16 =	simm.s32 @!p0 $0xC35;
	[sflag:s10] =	ssyncset.done $0x0  }
0x1a: {  	p0 =	por $0x1, $0x1;
	s16 =	sadd.s32 s13, s16;
	[sflag:s10] =	ssyncadd.s32 $0xFFFFC000  }
0x1b: {  	[hbm4b:s15+s1] =	stream.linear.scatter [tilespmem:s11], [sflag:$0x1], $0x4000, $0x38;
	[tilespmem:$0x4080] =	vst v63  }
0x1c: {  	s15 =	sadd.s32 $0xFFFFFFFF, s14;
	s14 =	smov.u32 s9;
	_ =	swait.ge [sflag:s10], $0x4000  }
.LBB2_5:
0x1d: {  	s16 =	sshll.u32 s16, $0x4;
	[sflag:s10] =	ssyncset.done $0x0;
	s14 =	sadd.s32 $0x10000, s14  }
0x1e: {  	p1 =	sne.s32 s15, $0x1;
	s16 =	sand.u32 $0x1FFFFFF0, s16;
	[sflag:s10] =	ssyncadd.s32 $0xFFFFC000  }
0x1f: {  	s15 =	sadd.s32 $0xFFFFFFFF, s15;
	s16 =	sadd.s32 s4, s16  }
0x20: {  	[tilespmem:s1], [sflag:$0x1] =	stream.linear.gather [hbm4b:s16+s1], $0x80, $0x38;
	[tilespmem:$0x4080] =	vst v63  }
0x21: {  	_ =	swait.ge [sflag:s10], $0x80  }
0x22: {  	[sflag:s10] =	ssyncset.done $0x0  }
0x23: {  	s13 =	sadd.s32 $0x20, s13;
	s17 =	simm.s32 $0x4E2;
	[sflag:s10] =	ssyncadd.s32 $0xFFFFFF80  }
0x24: {  	[tilespmem:s11], [sflag:$0x1] =	stream.indirect.gather [hbm4b:s3+s11], $0x80, s1, s11, $0xb8;
	[tilespmem:$0x4080] =	vst v63  }
.Ltmp2:
0x25: {  	s16 =	sand.u32 $0x1FFFF800, s14;
	_ =	swait.ge [sflag:s10], $0x4000;
	(pc) =	sbr.rel @p1 .LBB2_5-.Ltmp2, $4  }
0x26: {  	p2 =	slt.s32 s13, $0x271;
	s16 =	sadd.s32 s5, s16;
	[sflag:s10] =	ssyncset.done $0x0  }
0x27: {  	s17 =	simm.s32 @!p2 $0xC35;
	[sflag:s10] =	ssyncadd.s32 $0xFFFFC000  }
0x28: {  	[hbm4b:s16+s1] =	stream.linear.scatter [tilespmem:s11], [sflag:$0x1], $0x4000, $0x38;
	[tilespmem:$0x4080] =	vst v63  }
0x29: {  	s16 =	sadd.s32 s13, s17;
	_ =	swait.ge [sflag:s10], $0x4000  }
.LBB2_6:
0x2a: {  	s13 =	sshll.u32 s16, $0x4  }
0x2b: {  	[sflag:s10] =	ssyncset.done @p0 $0x0;
	s13 =	sand.u32 $0x1FFFFFF0, s13  }
0x2c: {  	[sflag:s10] =	ssyncadd.s32 @p0 $0xFFFFC000;
	s13 =	sadd.s32 s4, s13  }
0x2d: {  	[tilespmem:s1], [sflag:$0x1] =	stream.linear.gather [hbm4b:s13+s1], $0x80, $0x38;
	[tilespmem:$0x4080] =	vst v63  }
0x2e: {  	_ =	swait.ge [sflag:s10], $0x80  }
0x2f: {  	[sflag:s10] =	ssyncset.done $0x0  }
0x30: {  	s13 =	sadd.s32 @p0 $0x10000, s14;
	s14 =	smov.u32 s9;
	[sflag:s10] =	ssyncadd.s32 $0xFFFFFF80  }
0x31: {  	[tilespmem:s11], [sflag:$0x1] =	stream.indirect.gather [hbm4b:s3+s11], $0x80, s1, s11, $0xb8;
	[tilespmem:$0x4080] =	vst v63  }
0x32: {  	s14 =	smov.u32 @p0 s13;
	_ =	swait.ge [sflag:s10], $0x4000  }
0x33: {  	s12 =	sadd.s32 $0x1, s12;
	s13 =	sand.u32 $0x1FFFF800, s14;
	[sflag:s10] =	ssyncset.done $0x0  }
0x34: {  	p0 =	sne.s32 s12, s7;
	s13 =	sadd.s32 s5, s13;
	[sflag:s10] =	ssyncadd.s32 $0xFFFFC000  }
0x35: {  	[hbm4b:s13+s1] =	stream.linear.scatter [tilespmem:s11], [sflag:$0x1], $0x4000, $0x38;
	[tilespmem:$0x4080] =	vst v63  }
.Ltmp3:
0x36: {  	_ = 	snop;
	(pc) =	sbr.rel @p0 .LBB2_1-.Ltmp3, $4  }
.Ltmp4:
0x37: {  	_ = 	snop;
	(pc) =	sbr.rel @!p0 .LBB2_7-.Ltmp4, $4  }
0x38: {  	_ =	swait.ge [sflag:s10], $0x4000  }
0x39: {  	[sflag:s10] =	ssyncset.done $0x0  }
0x3a: {  	[sflag:s10] =	ssyncadd.s32 $0xFFFFC000  }
0x3b: {  	_ = 	snop  }
.LBB2_2:
.Ltmp5:
0x3c: {  	(pc) =	sbr.rel .LBB2_6-.Ltmp5, $2  }
0x3d: {  	_ =	sdelay $0x2  }
0x3e: {  	s14 =	smov.u32 s9  }
.LBB2_4:
.Ltmp6:
0x3f: {  	(pc) =	sbr.rel .LBB2_6-.Ltmp6, $2  }
0x40: {  	_ =	sdelay $0x2  }
0x41: {  	s14 =	smov.u32 s9  }
.LBB2_7:
0x42: {  	_ =	sfence.sel $0x180000  }
0x43: {  	[bflag:$0x0] =	sbarrier.arrive $0xFFFF  }
0x44: {  	p0 =	sne.s32 s2, $0x0;
	_ =	strace $0x90000056  }
0x45: {  	s0 =	sadd.s32 @!p0 $0x100000, s0;
	[bflag:$0x2] =	sbarrier.arrive $0xFFFF  }
0x46: {  	[sflag:s0] =	ssyncadd.tile.s32 @!p0 $0x1;
	_ =	shalt  }
.Lfunc_end2:
_tile_overlayer_lowered:
.L_overlay_start_2:
0x47: {  	(tag) =	ssettag $0x2  }
0x48: {  	s0 =	rddreg [dreg:$0x0];
	s2 =	stileid.u32  }
0x49: {  	s1 =	rddreg [dreg:$0x1];
	p0 =	sne.s32 s2, $0x0  }
0x4a: {  	s3 =	rddreg [dreg:$0x2];
	[bflag:$0x3] =	sbarrier.arrive $0xFFFF;
	s2 =	simm.s32 @!p0 $0x1C01  }
0x4b: {  	[timem:s3], [sflag:s2] =	dma.local @!p0 [hbm:s0], s1  }
0x4c: {  	s0 =	simm.s32 @!p0 $0x1  }
0x4d: {  	_ =	swait.ge @!p0 [sflag:s0], s1  }
0x4e: {  	s1 =	ssub.s32 @!p0 $0x0, s1;
	[sflag:s0] =	ssyncset.done @!p0 $0x0  }
0x4f: {  	[sflag:s0] =	ssyncadd.s32 @!p0 s1  }
0x50: {  	[bflag:$0x3] =	sbarrier.arrive $0xFFFF  }
0x51: {  	_ =	shalt  }

// kernel: kernel.34.cloned.1.call-start
scs
__scs_entry_jumppad:
0x0: {  	(pc) =	sbr.rel $0x88, $3  }
0x1: {  	(tag) =	ssettag $0x0;
	lr =	simm.s32 $0x1  }
0x2: {  	[smem:$0x3F93] =	sst lr;
	_ =	strace $0xD0000000  }
0x3: {  	_ = 	snop  }
0x4: {  	_ = 	snop  }
0x5: {  	_ = 	snop  }
0x6: {  	_ = 	snop  }
0x7: {  	_ = 	snop  }
__scs_overlays_trampoline_lowered:
0x8: {  	[smem:$0x3FA2] =	sst s0  }
0x9: {  	[smem:$0x3FA3] =	sst s1  }
0xa: {  	[smem:$0x3FA4] =	sst s2  }
0xb: {  	[smem:$0x3FA5] =	sst s3  }
0xc: {  	[smem:$0x3FA6] =	sst s4  }
0xd: {  	[smem:$0x3FA7] =	sst s5  }
0xe: {  	[smem:$0x3FA8] =	sst s6  }
0xf: {  	[smem:$0x3FA9] =	sst s7  }
0x10: {  	[smem:$0x3FAA] =	sst s8  }
0x11: {  	[smem:$0x3FAB] =	sst s9;
	s0 =	simm.s32 @!p0 $0x0  }
0x12: {  	s1 =	sld [smem:$0x3F91];
	s0 =	simm.s32 @p0 $0x1  }
0x13: {  	[smem:$0x3FAC] =	sst s0;
	s0 =	simm.s32 @!p1 $0x0  }
0x14: {  	s2 =	sld [smem:$0x3F90];
	s0 =	simm.s32 @p1 $0x1  }
0x15: {  	[smem:$0x3FAD] =	sst s0;
	s0 =	simm.s32 @!p2 $0x0  }
0x16: {  	s3 =	sld [smem:$0x3FDB];
	s0 =	simm.s32 @p2 $0x1  }
0x17: {  	s4 =	simm.s32 $0x1BF5;
	[smem:$0x3FAF] =	sst s0  }
0x18: {  	s0 =	sld [smem:$0x3F92];
	_ =	swait.ge [sflag:s4], $0x0  }
0x19: {  	s7 =	sld [smem:$0x3F93]  }
0x1a: {  	s8 =	sadd.s32 $0xFFFFE003, lr  }
0x1b: {  	s9 =	sadd.s32 $0xFFFFFEF7, lr;
	s5 =	simm.s32 $0xFFFFFFFF;
	p2 =	slt.u32 s8, $0xFFFFF086  }
0x1c: {  	p1 =	slt.u32 s9, $0xF7A;
	s5 =	simm.s32 @!p2 $0x0  }
0x1d: {  	s5 =	simm.s32 @p1 $0x1;
	p0 =	seq.s32 s7, s2  }
0x1e: {  	s7 =	smul.u32 @!p0 $0xF7A, s2;
	p2 =	seq.s32 @!p0 s5, $0x0  }
0x1f: {  	s9 =	smul.u32 $0xF7A, s1;
	s8 =	simm.s32 @!p0 $0x1BF5;
	p2 =	por !p2, p0  }
0x20: {  	[sflag:s8] =	ssyncset.s32 @!p0 $0xFFFFF086;
	s6 =	sadd.s32 @!p0 s3, s7;
	s7 =	simm.s32 @!p0 $0x108  }
0x21: {  	s3 =	sadd.s32 s3, s9;
	s6 =	sadd.s32 @!p0 $0x88, s6;
	s7 =	simm.s32 @p2 $0x1082  }
0x22: {  	[simem:s7], [sflag:s8] =	dma.local @!p0 [hbm:s6], $0xF7A  }
0x23: {  	s9 =	sor.u32 $0xD0000000, s2;
	s6 =	simm.s32 $0x108;
	_ =	swait.ge @!p0 [sflag:s8], $0x0  }
0x24: {  	s3 =	sadd.s32 $0x88, s3;
	s6 =	simm.s32 @!p1 $0x1082;
	[sflag:s4] =	ssyncset.s32 $0xFFFFF086  }
0x25: {  	[simem:s6], [sflag:s4] =	dma.local [hbm:s3], $0xF7A  }
0x26: {  	[smem:$0x3F93] =	sst s1;
	(tag) =	ssettag s2;
	_ =	strace s9  }
0x27: {  	s1 =	sld [smem:$0x3FA3]  }
0x28: {  	s2 =	sld [smem:$0x3FA4]  }
0x29: {  	s4 =	sld [smem:$0x3FA6]  }
0x2a: {  	p0 =	seq.s32 s5, $0x0;
	s5 =	sld [smem:$0x3FA7]  }
0x2b: {  	s6 =	sld [smem:$0x3FA8]  }
0x2c: {  	s7 =	sld [smem:$0x3FA9]  }
0x2d: {  	s3 =	simm.s32 $0x108;
	s8 =	sld [smem:$0x3FAA]  }
0x2e: {  	s3 =	simm.s32 @!p0 $0x1082;
	s9 =	sld [smem:$0x3FAB]  }
0x2f: {  	lr =	sadd.s32 s0, s3;
	s0 =	sld [smem:$0x3FA2]  }
0x30: {  	s3 =	sld [smem:$0x3FA5]  }
0x31: {  	[smem:$0x3FAE] =	sst s10  }
0x32: {  	s10 =	sld [smem:$0x3FAC];
	_ =	sdelay $0x3  }
0x33: {  	p0 =	seq.s32 s10, $0x1;
	s10 =	sld [smem:$0x3FAE];
	_ =	sdelay $0x3  }
0x34: {  	[smem:$0x3FAE] =	sst s10  }
0x35: {  	s10 =	sld [smem:$0x3FAD];
	_ =	sdelay $0x3  }
0x36: {  	p1 =	seq.s32 s10, $0x1;
	s10 =	sld [smem:$0x3FAE];
	_ =	sdelay $0x3  }
0x37: {  	[smem:$0x3FAE] =	sst s10  }
0x38: {  	s10 =	sld [smem:$0x3FAF]  }
0x39: {  	_ = 	snop;
	(pc) =	sbr.ind lr, $3  }
0x3a: {  	_ = 	snop  }
0x3b: {  	_ = 	snop  }
0x3c: {  	p2 =	seq.s32 s10, $0x1;
	s10 =	sld [smem:$0x3FAE]  }
0x3d: {  	_ =	shalt  }
0x3e: {  	_ =	shalt  }
0x3f: {  	_ =	shalt  }
0x40: {  	_ =	shalt  }
0x41: {  	_ =	shalt  }
0x42: {  	_ =	shalt  }
0x43: {  	_ =	shalt  }
0x44: {  	_ =	shalt  }
0x45: {  	_ =	shalt  }
0x46: {  	_ =	shalt  }
0x47: {  	_ =	shalt  }
0x48: {  	_ =	shalt  }
0x49: {  	_ =	shalt  }
0x4a: {  	_ =	shalt  }
0x4b: {  	_ =	shalt  }
0x4c: {  	_ =	shalt  }
0x4d: {  	_ =	shalt  }
0x4e: {  	_ =	shalt  }
0x4f: {  	_ =	shalt  }
0x50: {  	_ =	shalt  }
0x51: {  	_ =	shalt  }
0x52: {  	_ =	shalt  }
0x53: {  	_ =	shalt  }
0x54: {  	_ =	shalt  }
0x55: {  	_ =	shalt  }
0x56: {  	_ =	shalt  }
0x57: {  	_ =	shalt  }
0x58: {  	_ =	shalt  }
0x59: {  	_ =	shalt  }
0x5a: {  	_ =	shalt  }
0x5b: {  	_ =	shalt  }
0x5c: {  	_ =	shalt  }
0x5d: {  	_ =	shalt  }
0x5e: {  	_ =	shalt  }
0x5f: {  	_ =	shalt  }
0x60: {  	_ =	shalt  }
0x61: {  	_ =	shalt  }
0x62: {  	_ =	shalt  }
0x63: {  	_ =	shalt  }
0x64: {  	_ =	shalt  }
0x65: {  	_ =	shalt  }
0x66: {  	_ =	shalt  }
0x67: {  	_ =	shalt  }
0x68: {  	_ =	shalt  }
0x69: {  	_ =	shalt  }
0x6a: {  	_ =	shalt  }
0x6b: {  	_ =	shalt  }
0x6c: {  	_ =	shalt  }
0x6d: {  	_ =	shalt  }
0x6e: {  	_ =	shalt  }
0x6f: {  	_ =	shalt  }
0x70: {  	_ =	shalt  }
0x71: {  	_ =	shalt  }
0x72: {  	_ =	shalt  }
0x73: {  	_ =	shalt  }
0x74: {  	_ =	shalt  }
0x75: {  	_ =	shalt  }
0x76: {  	_ =	shalt  }
0x77: {  	_ =	shalt  }
0x78: {  	_ =	shalt  }
0x79: {  	_ =	shalt  }
0x7a: {  	_ =	shalt  }
0x7b: {  	_ =	shalt  }
0x7c: {  	_ =	shalt  }
0x7d: {  	_ =	shalt  }
0x7e: {  	_ =	shalt  }
0x7f: {  	_ =	shalt  }
0x80: {  	_ =	shalt  }
0x81: {  	_ =	shalt  }
0x82: {  	_ =	shalt  }
0x83: {  	_ =	shalt  }
0x84: {  	_ =	shalt  }
0x85: {  	_ =	shalt  }
0x86: {  	_ =	shalt  }
0x87: {  	_ =	shalt  }
.Lfunc_end0:
.L_simem_size_0:
called_computation.6_lowered:
.L_overlay_start_0:
0x88: {  	s2 =	sld [smem:$0x3FD9]  }
0x89: {  	s3 =	sld [smem:$0x3FFE];
	_ =	sdelay $0x1  }
0x8a: {  	s1 =	srdreg.scid  }
0x8b: {  	s0 =	sand.u32 $0x1, s1  }
0x8c: {  	s16 =	sshll.u32 s0, $0xA;
	s2 =	sadd.s32 s3, s2  }
0x8d: {  	s2 =	sadd.s32 s2, s16  }
0x8e: {  	[smem:$0x3FBA] =	sst s2  }
0x8f: {  	_ = 	snop  }
0x90: {  	(tm) =	ssettm $0x1  }
0x91: {  	s17 =	sld [smem:$0x3FFB];
	_ =	sdelay $0x3  }
0x92: {  	_ =	strace s17  }
0x93: {  	s2 =	sld [smem:$0x3FFC];
	_ =	sdelay $0x3  }
0x94: {  	_ =	strace s2  }
0x95: {  	s2 =	sld [smem:$0x3FFD];
	_ =	sdelay $0x3  }
0x96: {  	_ =	strace s2  }
0x97: {  	_ =	strace $0x8FFFFFFF  }
0x98: {  	s18 =	sld [smem:$0x3FDB];
	_ =	sdelay $0x1  }
0x99: {  	s19 =	simm.s32 $_scs_section_size  }
0x9a: {  	s4 =	simm.s32 $_size__tile_overlayer_lowered;
	s5 =	simm.s32 $_tile_overlayer_lowered  }
0x9b: {  	s22 =	simm.s32 $0x1BFF;
	s21 =	sshll.u32 s5, $0x1;
	s2 =	sadd.s32 s19, s18  }
0x9c: {  	s6 =	simm.s32 $0x0;
	s20 =	sshll.u32 s4, $0x1;
	s4 =	sadd.s32 s21, s2  }
0x9d: {  	[timem:s6], [sflag:s22] =	dma.local [hbm:s4], s20  }
0x9e: {  	_ =	swait.ge [sflag:s22], s20  }
0x9f: {  	s3 =	ssub.s32 $0x0, s20;
	[sflag:s22] =	ssyncset.done $0x0  }
0xa0: {  	[sflag:s22] =	ssyncadd.s32 s3;
	_ =	sdelay $0x1  }
0xa1: {  	s23 =	simm.s32 $0x1B8B  }
0xa2: {  	_ =	swait.ge [sflag:s23], $0x1  }
0xa3: {  	[sflag:s23] =	ssyncset.done $0x0  }
0xa4: {  	s25 =	simm.s32 $0x1B8E;
	s24 =	sld [smem:$0x3FFE];
	[sflag:s23] =	ssyncadd.s32 $0xFFFFFFFF  }
0xa5: {  	s26 =	simm.s32 $execute0_lowered;
	[smem:$0x3FD2] =	sst s25  }
0xa6: {  	s4 =	sshll.u32 s26, $0x1;
	_ =	strace $0x80000058;
	[dreg:$0x1] =	wrdreg $0xFFFFFFFF  }
0xa7: {  	s28 =	simm.s32 $_size_execute0_lowered;
	s2 =	sadd.s32 s2, s4;
	[dreg:$0x0] =	wrdreg $0x0  }
0xa8: {  	s4 =	sshll.u32 s28, $0x1;
	[dreg:$0x2] =	wrdreg s2  }
0xa9: {  	[dreg:$0x3] =	wrdreg s4  }
0xaa: {  	[dreg:$0x4] =	wrdreg $0xC0  }
0xab: {  	_ =	task [dreg:s6], $0x5FFFF  }
0xac: {  	[dreg:$0x1] =	wrdreg $0xFFFFFFFF  }
0xad: {  	[dreg:$0x0] =	wrdreg $0x60  }
0xae: {  	[dreg:$0x2] =	wrdreg s24  }
0xaf: {  	[dreg:$0x3] =	wrdreg $0x9  }
0xb0: {  	_ =	task.clear_ibuf [dreg:s6], $0x4FFFF;
	_ =	strace $0x90000058  }
0xb1: {  	s29 =	simm.s32 $0x9;
	_ =	strace $0x8000005A  }
0xb2: {  	_ =	swait.ge [sflag:s29], $0x1  }
0xb3: {  	[sflag:s29] =	ssyncadd.s32 $0xFFFFFFFF  }
0xb4: {  	_ =	strace $0x9000005A  }
0xb5: {  	_ =	sfence  }
0xb6: {  	s30 =	sld [smem:$0x0];
	_ =	sdelay $0x2  }
0xb7: {  	s31 =	sshll.u32 s1, $0xD;
	s1 =	sshrl.u32 s1, $0x2  }
0xb8: {  	s3 =	sand.u32 $0x4000, s31;
	s1 =	sadd.s32 s1, s30  }
0xb9: {  	s0 =	sor.u32 s3, s0;
	s1 =	sshll.u32 s1, $0x11  }
0xba: {  	s0 =	sor.u32 s1, s0  }
0xbb: {  	s0 =	sadd.s32 $0x8F2B, s0  }
0xbc: {  	[sflag:s0] =	ssyncadd.remote.s32 $0x1  }
0xbd: {  	_ =	sfence.sel $0xFFFF  }
0xbe: {  	[dreg:$0x0] =	wrdreg $0xFFFFFFFF;
	(pc) =	sbr.abs _section_cstart, $3  }
0xbf: {  	[dreg:$0x1] =	wrdreg $0xFFFFFFFF  }
0xc0: {  	_ =	task.clear_ibuf [dreg:s6], $0x2FFFF;
	_ =	strace $0x9FFFFFFF  }
0xc1: {  	(tm) =	ssettm $0x7FFFFFFF  }
tec
execute0_lowered:
.L_overlay_start_1:
0x0: {  	(tag) =	ssettag $0x1  }
0x1: {  	s5 =	rddreg [dreg:$0x0]  }
0x2: {  	s0 =	rddreg [dreg:$0x1];
	s1 =	simm.s32 $0x0;
	s2 =	srdreg.scid  }
0x3: {  	s12 =	simm.s32 $0x0;
	[smem:$0x7FF] =	sst s1;
	s7 =	sand.u32 $0x1, s2  }
0x4: {  	s3 =	sadd.s32 $0x5400, s5;
	s2 =	stileid.u32;
	s6 =	ssub.s32 $0x2, s7  }
0x5: {  	s4 =	sadd.s32 $0xAB800, s5;
	s9 =	sshll.u32 s2, $0x1;
	s8 =	sshrl.u32 s6, $0x1  }
0x6: {  	s5 =	sadd.s32 $0x330200, s5;
	s8 =	ssub.s32 s6, s8;
	s6 =	sor.u32 s7, s9  }
0x7: {  	_ =	strace $0x80000059;
	s10 =	sshll.u32 s2, $0xC;
	s9 =	ssub.s32 $0x501, s6  }
0x8: {  	s11 =	sshll.u32 s7, $0xB;
	s7 =	smax.u32 s8, $0x1;
	s8 =	sshrl.u32 s9, $0x5  }
0x9: {  	s9 =	sor.u32 s11, s10;
	s10 =	simm.s32 $0x1;
	s11 =	simm.s32 $0x80  }
.LBB2_1:
0xa: {  	p1 =	sne.s32 s8, $0x1  }
.Ltmp0:
0xb: {  	_ = 	snop;
	(pc) =	sbr.rel @!p1 .LBB2_2-.Ltmp0, $4  }
0xc: {  	_ = 	snop  }
0xd: {  	p0 =	slt.s32 s6, $0x271;
	s13 =	simm.s32 $0x753  }
0xe: {  	s13 =	simm.s32 @!p0 $0xEA6  }
0xf: {  	s14 =	sadd.s32 $0xFFFFFFFF, s8;
	p0 =	por $0x0, $0x0;
	s16 =	sadd.s32 s6, s13  }
0x10: {  	s13 =	sshll.u32 s16, $0x4  }
0x11: {  	s13 =	sand.u32 $0x1FFFFFF0, s13  }
0x12: {  	s13 =	sadd.s32 s4, s13  }
0x13: {  	[tilespmem:s1], [sflag:$0x1] =	stream.linear.gather [hbm4b:s13+s1], $0x80, $0x38;
	[tilespmem:$0x4080] =	vst v63  }
0x14: {  	_ =	swait.ge [sflag:s10], $0x80  }
0x15: {  	s15 =	sand.u32 $0x1FFFF800, s9;
	s16 =	simm.s32 $0x753;
	[sflag:s10] =	ssyncset.done $0x0  }
0x16: {  	p1 =	sne.s32 s14, $0x1;
	s13 =	sadd.s32 $0x20, s6;
	[sflag:s10] =	ssyncadd.s32 $0xFFFFFF80  }
0x17: {  	[tilespmem:s11], [sflag:$0x1] =	stream.indirect.gather [hbm4b:s3+s11], $0x80, s1, s11, $0xb8;
	[tilespmem:$0x4080] =	vst v63  }
.Ltmp1:
0x18: {  	p0 =	slt.s32 s13, $0x271;
	_ =	swait.ge [sflag:s10], $0x4000;
	(pc) =	sbr.rel @!p1 .LBB2_4-.Ltmp1, $4  }
0x19: {  	s15 =	sadd.s32 s5, s15;
	s16 =	simm.s32 @!p0 $0xEA6;
	[sflag:s10] =	ssyncset.done $0x0  }
0x1a: {  	p0 =	por $0x1, $0x1;
	s16 =	sadd.s32 s13, s16;
	[sflag:s10] =	ssyncadd.s32 $0xFFFFC000  }
0x1b: {  	[hbm4b:s15+s1] =	stream.linear.scatter [tilespmem:s11], [sflag:$0x1], $0x4000, $0x38;
	[tilespmem:$0x4080] =	vst v63  }
0x1c: {  	s15 =	sadd.s32 $0xFFFFFFFF, s14;
	s14 =	smov.u32 s9;
	_ =	swait.ge [sflag:s10], $0x4000  }
.LBB2_5:
0x1d: {  	s16 =	sshll.u32 s16, $0x4;
	[sflag:s10] =	ssyncset.done $0x0;
	s14 =	sadd.s32 $0x10000, s14  }
0x1e: {  	p1 =	sne.s32 s15, $0x1;
	s16 =	sand.u32 $0x1FFFFFF0, s16;
	[sflag:s10] =	ssyncadd.s32 $0xFFFFC000  }
0x1f: {  	s15 =	sadd.s32 $0xFFFFFFFF, s15;
	s16 =	sadd.s32 s4, s16  }
0x20: {  	[tilespmem:s1], [sflag:$0x1] =	stream.linear.gather [hbm4b:s16+s1], $0x80, $0x38;
	[tilespmem:$0x4080] =	vst v63  }
0x21: {  	_ =	swait.ge [sflag:s10], $0x80  }
0x22: {  	[sflag:s10] =	ssyncset.done $0x0  }
0x23: {  	s13 =	sadd.s32 $0x20, s13;
	s17 =	simm.s32 $0x753;
	[sflag:s10] =	ssyncadd.s32 $0xFFFFFF80  }
0x24: {  	[tilespmem:s11], [sflag:$0x1] =	stream.indirect.gather [hbm4b:s3+s11], $0x80, s1, s11, $0xb8;
	[tilespmem:$0x4080] =	vst v63  }
.Ltmp2:
0x25: {  	s16 =	sand.u32 $0x1FFFF800, s14;
	_ =	swait.ge [sflag:s10], $0x4000;
	(pc) =	sbr.rel @p1 .LBB2_5-.Ltmp2, $4  }
0x26: {  	p2 =	slt.s32 s13, $0x271;
	s16 =	sadd.s32 s5, s16;
	[sflag:s10] =	ssyncset.done $0x0  }
0x27: {  	s17 =	simm.s32 @!p2 $0xEA6;
	[sflag:s10] =	ssyncadd.s32 $0xFFFFC000  }
0x28: {  	[hbm4b:s16+s1] =	stream.linear.scatter [tilespmem:s11], [sflag:$0x1], $0x4000, $0x38;
	[tilespmem:$0x4080] =	vst v63  }
0x29: {  	s16 =	sadd.s32 s13, s17;
	_ =	swait.ge [sflag:s10], $0x4000  }
.LBB2_6:
0x2a: {  	s13 =	sshll.u32 s16, $0x4  }
0x2b: {  	[sflag:s10] =	ssyncset.done @p0 $0x0;
	s13 =	sand.u32 $0x1FFFFFF0, s13  }
0x2c: {  	[sflag:s10] =	ssyncadd.s32 @p0 $0xFFFFC000;
	s13 =	sadd.s32 s4, s13  }
0x2d: {  	[tilespmem:s1], [sflag:$0x1] =	stream.linear.gather [hbm4b:s13+s1], $0x80, $0x38;
	[tilespmem:$0x4080] =	vst v63  }
0x2e: {  	_ =	swait.ge [sflag:s10], $0x80  }
0x2f: {  	[sflag:s10] =	ssyncset.done $0x0  }
0x30: {  	s13 =	sadd.s32 @p0 $0x10000, s14;
	s14 =	smov.u32 s9;
	[sflag:s10] =	ssyncadd.s32 $0xFFFFFF80  }
0x31: {  	[tilespmem:s11], [sflag:$0x1] =	stream.indirect.gather [hbm4b:s3+s11], $0x80, s1, s11, $0xb8;
	[tilespmem:$0x4080] =	vst v63  }
0x32: {  	s14 =	smov.u32 @p0 s13;
	_ =	swait.ge [sflag:s10], $0x4000  }
0x33: {  	s12 =	sadd.s32 $0x1, s12;
	s13 =	sand.u32 $0x1FFFF800, s14;
	[sflag:s10] =	ssyncset.done $0x0  }
0x34: {  	p0 =	sne.s32 s12, s7;
	s13 =	sadd.s32 s5, s13;
	[sflag:s10] =	ssyncadd.s32 $0xFFFFC000  }
0x35: {  	[hbm4b:s13+s1] =	stream.linear.scatter [tilespmem:s11], [sflag:$0x1], $0x4000, $0x38;
	[tilespmem:$0x4080] =	vst v63  }
.Ltmp3:
0x36: {  	_ = 	snop;
	(pc) =	sbr.rel @p0 .LBB2_1-.Ltmp3, $4  }
.Ltmp4:
0x37: {  	_ = 	snop;
	(pc) =	sbr.rel @!p0 .LBB2_7-.Ltmp4, $4  }
0x38: {  	_ =	swait.ge [sflag:s10], $0x4000  }
0x39: {  	[sflag:s10] =	ssyncset.done $0x0  }
0x3a: {  	[sflag:s10] =	ssyncadd.s32 $0xFFFFC000  }
0x3b: {  	_ = 	snop  }
.LBB2_2:
.Ltmp5:
0x3c: {  	(pc) =	sbr.rel .LBB2_6-.Ltmp5, $2  }
0x3d: {  	_ =	sdelay $0x2  }
0x3e: {  	s14 =	smov.u32 s9  }
.LBB2_4:
.Ltmp6:
0x3f: {  	(pc) =	sbr.rel .LBB2_6-.Ltmp6, $2  }
0x40: {  	_ =	sdelay $0x2  }
0x41: {  	s14 =	smov.u32 s9  }
.LBB2_7:
0x42: {  	_ =	sfence.sel $0x180000  }
0x43: {  	[bflag:$0x0] =	sbarrier.arrive $0xFFFF  }
0x44: {  	p0 =	sne.s32 s2, $0x0;
	_ =	strace $0x90000059  }
0x45: {  	s0 =	sadd.s32 @!p0 $0x100000, s0;
	[bflag:$0x2] =	sbarrier.arrive $0xFFFF  }
0x46: {  	[sflag:s0] =	ssyncadd.tile.s32 @!p0 $0x1;
	_ =	shalt  }
.Lfunc_end2:
_tile_overlayer_lowered:
.L_overlay_start_2:
0x47: {  	(tag) =	ssettag $0x2  }
0x48: {  	s0 =	rddreg [dreg:$0x0];
	s2 =	stileid.u32  }
0x49: {  	s1 =	rddreg [dreg:$0x1];
	p0 =	sne.s32 s2, $0x0  }
0x4a: {  	s3 =	rddreg [dreg:$0x2];
	[bflag:$0x3] =	sbarrier.arrive $0xFFFF;
	s2 =	simm.s32 @!p0 $0x1C01  }
0x4b: {  	[timem:s3], [sflag:s2] =	dma.local @!p0 [hbm:s0], s1  }
0x4c: {  	s0 =	simm.s32 @!p0 $0x1  }
0x4d: {  	_ =	swait.ge @!p0 [sflag:s0], s1  }
0x4e: {  	s1 =	ssub.s32 @!p0 $0x0, s1;
	[sflag:s0] =	ssyncset.done @!p0 $0x0  }
0x4f: {  	[sflag:s0] =	ssyncadd.s32 @!p0 s1  }
0x50: {  	[bflag:$0x3] =	sbarrier.arrive $0xFFFF  }
0x51: {  	_ =	shalt  }

</sc_bundles>
